<compile_context>
chip_gen: v7x
topology: tpu7x:2x2x1
jax: 0.10.2.dev20260603
libtpu: 0.0.44.dev20260713+nightly
codegen_flags: <defaults>
</compile_context>

<pallas_src>
import functools

import jax
import jax.numpy as jnp
from jax import lax
from jax.experimental import pallas as pl
from jax.experimental.pallas import tpu as pltpu
from jax.experimental.pallas import tpu_sc as plsc

B = 8
T = 2048
D = 1024
P = 9216
STEP = 256

NC = 2
NS = 16
NW = NC * NS
CH = 32
NV = P // CH
SLOTS = NV // NW
PADR = 128
NPAD = (B * T - P) // PADR
ZR = 8

_CUMV = []
_ACC = 0
for _b in range(B - 1):
    _ACC += (T - STEP * _b) // CH
    _CUMV.append(_ACC)
_CUMP = []
_ACC = 0
for _b in range(1, B):
    _ACC += 2 * _b
    _CUMP.append(_ACC)


def _body(data_hbm, off_hbm, out_hbm, len_hbm, off_v, idx_v, rows0, rows1,
          rows2, zsrc, len_v, zshared, gsem0, gsem1, gsem2, wsem0, wsem1,
          wsem2, zsem):
    cid = lax.axis_index("c")
    sid = lax.axis_index("s")
    wid = sid * NC + cid

    bufs = (rows0, rows1, rows2)
    gsems = (gsem0, gsem1, gsem2)
    wsems = (wsem0, wsem1, wsem2)
    iota = lax.broadcasted_iota(jnp.int32, (16,), 0)

    @pl.when(wid == NW - 1)
    def _():
        len_v[...] = T - iota * STEP
        pltpu.sync_copy(len_v.at[pl.ds(0, B)], len_hbm)

    pltpu.sync_copy(off_hbm, off_v)

    row0s = []

    def build_idx(s):
        j = SLOTS * wid + s
        b = sum((j >= c).astype(jnp.int32) for c in _CUMV)
        prevcum = sum(
            jnp.where(j >= c, jnp.int32(d), 0)
            for c, d in zip(_CUMV, [T // CH] + [(T - STEP * bb) // CH
                                               for bb in range(1, B - 1)])
        )
        t0 = (j - prevcum) * CH
        row0s.append(b * T + t0)
        for h in range(CH // 16):
            off_c = off_v[pl.ds(t0 + h * 16, 16)]
            idx_v[pl.ds(s * CH + h * 16, 16)] = jnp.minimum(off_c + b, P - 1)

    def gather(s, buf, sem):
        return pltpu.make_async_copy(
            data_hbm.at[idx_v.at[pl.ds(s * CH, CH)]], buf, sem)

    def write(s, buf, sem):
        return pltpu.make_async_copy(
            buf, out_hbm.at[pl.ds(row0s[s], CH)], sem)

    for s in range(2):
        build_idx(s)
        gather(s, bufs[s], gsems[s]).start()
    for s in range(2, SLOTS):
        build_idx(s)

    def zrow(r, carry):
        for k in range(D // 16):
            zsrc[r, pl.ds(k * 16, 16)] = jnp.zeros((16,), jnp.float32)
        return carry
    lax.fori_loop(0, ZR, zrow, 0)
    pltpu.sync_copy(zsrc, zshared.at[pl.ds(sid * ZR, ZR)])
    plsc.subcore_barrier()

    def pad_row0(r):
        pb = 1 + sum((r >= c).astype(jnp.int32) for c in _CUMP[:-1])
        prevr = sum(jnp.where(r >= c, jnp.int32(d), 0)
                    for c, d in zip(_CUMP[:-1], range(2, 2 * (B - 1), 2)))
        return pb * T + (T - STEP * pb) + (r - prevr) * PADR

    prow0_a = pad_row0(wid)
    prow0_b = pad_row0(wid + NW)

    def padw(prow0):
        return pltpu.make_async_copy(
            zshared, out_hbm.at[pl.ds(prow0, PADR)], zsem)

    padw(prow0_a).start()

    @pl.when(wid < NPAD - NW)
    def _():
        padw(prow0_b).start()

    for s in range(SLOTS):
        c = s % 3

        if s + 2 < SLOTS:
            n = (s + 2) % 3
            if s >= 1:
                write(s - 1, bufs[n], wsems[n]).wait()
            gather(s + 2, bufs[n], gsems[n]).start()
        gather(s, bufs[c], gsems[c]).wait()
        write(s, bufs[c], wsems[c]).start()

    for s in range(SLOTS - 3, SLOTS):
        write(s, bufs[s % 3], wsems[s % 3]).wait()

    padw(prow0_a).wait()

    @pl.when(wid < NPAD - NW)
    def _():
        padw(prow0_b).wait()


_sc_call = functools.partial(
    pl.kernel,
    out_type=[
        jax.ShapeDtypeStruct((B * T, D), jnp.float32),
        jax.ShapeDtypeStruct((B,), jnp.int32),
    ],
    mesh=plsc.VectorSubcoreMesh(core_axis_name="c", subcore_axis_name="s"),
    scratch_types=[
        pltpu.VMEM((T,), jnp.int32),
        pltpu.VMEM((SLOTS * CH,), jnp.int32),
        pltpu.VMEM((CH, D), jnp.float32),
        pltpu.VMEM((CH, D), jnp.float32),
        pltpu.VMEM((CH, D), jnp.float32),
        pltpu.VMEM((ZR, D), jnp.float32),
        pltpu.VMEM((16,), jnp.int32),
        pltpu.VMEM_SHARED((PADR, D), jnp.float32),
        pltpu.SemaphoreType.DMA,
        pltpu.SemaphoreType.DMA,
        pltpu.SemaphoreType.DMA,
        pltpu.SemaphoreType.DMA,
        pltpu.SemaphoreType.DMA,
        pltpu.SemaphoreType.DMA,
        pltpu.SemaphoreType.DMA,
    ],
)(_body)


def kernel(data, batch_sizes):
    bs = batch_sizes.astype(jnp.int32)
    csum = jnp.cumsum(bs)
    offsets = jnp.concatenate([jnp.zeros((1,), jnp.int32), csum[:-1]])
    out_flat, lengths = _sc_call(data, offsets)
    return out_flat.reshape(B, T, D), lengths

# --- scband reference (transcript-rebuilt; emitter-appended) ---
"""Pipeline reference for scband-pad-packed-sequence-17300128268405 (READ-ONLY COPY).

The authoritative reference and input builder live on the scoring server;
editing this copy changes nothing except your own understanding.
"""

import jax, jax.numpy as jnp
import numpy as np

B = 8
T = 2048
D = 1024
# Deterministic descending lengths (PackedSequence requires sorted-desc batch)
LENGTHS = np.array([2048, 1792, 1536, 1280, 1024, 768, 512, 256], dtype=np.int64)


def setup_inputs(seed: int = 0) -> dict:
    key = jax.random.key(seed)
    # batch_sizes[t] = number of sequences with length > t (PackedSequence layout)
    batch_sizes = (LENGTHS[None, :] > np.arange(T)[:, None]).sum(axis=1).astype(np.int64)
    P = int(batch_sizes.sum())  # 9216 total packed tokens
    data = jax.random.normal(key, (P, D), dtype=jnp.float32)
    return {"data": data, "batch_sizes": jnp.asarray(batch_sizes)}


def reference(data, batch_sizes):
    # Faithful pad_packed_sequence(batch_first=True, total_length=None):
    # packed layout: timestep-major, within a timestep rows ordered by batch index
    T = batch_sizes.shape[0]
    P = data.shape[0]
    csum = jnp.cumsum(batch_sizes)
    offsets = jnp.concatenate([jnp.zeros(1, dtype=batch_sizes.dtype), csum[:-1]])
    row = jnp.arange(P)
    t_idx = jnp.searchsorted(csum, row, side="right")
    b_idx = row - offsets[t_idx]
    Bn = B  # first timestep contains every sequence
    out = jnp.zeros((Bn, T, data.shape[1]), dtype=data.dtype).at[b_idx, t_idx].set(data)
    # lengths[b] = number of timesteps where batch_sizes[t] > b
    lengths = jnp.sum(jnp.arange(Bn)[:, None] < batch_sizes[None, :], axis=1)
    return out, lengths

if __name__ == "__main__":
    import jax
    _d = setup_inputs()
    print(jax.jit(kernel)(*tuple(_d.values())))

</pallas_src>

<mosaic_0001>
#map = affine_map<(d0, d1) -> (0, 0)>
#map1 = affine_map<(d0, d1) -> (0)>
module attributes {stable_mosaic.version = 14 : i64} {
  func.func @_body(%arg0: i32, %arg1: i32, %arg2: memref<9216x1024xf32, #tpu.memory_space<hbm>>, %arg3: memref<2048xi32, #tpu.memory_space<hbm>>, %arg4: memref<16384x1024xf32, #tpu.memory_space<hbm>>, %arg5: memref<8xi32, #tpu.memory_space<hbm>>, %arg6: memref<2048xi32, #tpu.memory_space<vmem>>, %arg7: memref<288xi32, #tpu.memory_space<vmem>>, %arg8: memref<32x1024xf32, #tpu.memory_space<vmem>>, %arg9: memref<32x1024xf32, #tpu.memory_space<vmem>>, %arg10: memref<32x1024xf32, #tpu.memory_space<vmem>>, %arg11: memref<8x1024xf32, #tpu.memory_space<vmem>>, %arg12: memref<16xi32, #tpu.memory_space<vmem>>, %arg13: memref<128x1024xf32, #tpu.memory_space<vmem_shared>>, %arg14: memref<!tpu.dma_semaphore, #tpu.memory_space<semaphore_mem>>, %arg15: memref<!tpu.dma_semaphore, #tpu.memory_space<semaphore_mem>>, %arg16: memref<!tpu.dma_semaphore, #tpu.memory_space<semaphore_mem>>, %arg17: memref<!tpu.dma_semaphore, #tpu.memory_space<semaphore_mem>>, %arg18: memref<!tpu.dma_semaphore, #tpu.memory_space<semaphore_mem>>, %arg19: memref<!tpu.dma_semaphore, #tpu.memory_space<semaphore_mem>>, %arg20: memref<!tpu.dma_semaphore, #tpu.memory_space<semaphore_mem>>) attributes {dimension_semantics = [#tpu.dimension_semantics<core_parallel>, #tpu.dimension_semantics<subcore_parallel>], iteration_bounds = array<i64: 2, 16>, scalar_prefetch = 0 : i64, scratch_operands = 15 : i64, tpu.core_type = #tpu.core_type<sc_vector_subcore>, window_params = [{transform_indices = #map}, {transform_indices = #map1}, {transform_indices = #map}, {transform_indices = #map1}]} {
    %mul3A = arith.constant 2 : i32
    %mul3A_0 = arith.muli %arg1, %mul3A : i32
    %add3A = arith.addi %mul3A_0, %arg0 : i32
    %iota3A = tpu.iota {dimensions = array<i32: 0>} : vector<16xi32>
    %eq3A = arith.constant 31 : i32
    %eq3A_1 = arith.cmpi eq, %add3A, %eq3A : i32
    %convert_element_type3A = arith.extui %eq3A_1 : i1 to i32
    %cond3A = arith.constant 0 : i32
    %cond3A_2 = arith.cmpi ne, %convert_element_type3A, %cond3A : i32
    scf.if %cond3A_2 {
      %mul3A_1318 = arith.constant 256 : i32
      %mul3A_1319 = vector.broadcast %mul3A_1318 : i32 to vector<16xi32>
      %mul3A_1320 = arith.muli %iota3A, %mul3A_1319 : vector<16xi32>
      %sub3A_1321 = arith.constant 2048 : i32
      %sub3A_1322 = vector.broadcast %sub3A_1321 : i32 to vector<16xi32>
      %sub3A_1323 = arith.subi %sub3A_1322, %mul3A_1320 : vector<16xi32>
      %swap3A_1324 = arith.constant 0 : index
      %swap3A_1325 = tpu.vector_load %arg12[%swap3A_1324] {strides = array<i32>} : memref<16xi32, #tpu.memory_space<vmem>>, vector<16xi32>,
      %swap3A_1326 = vector.shape_cast %swap3A_1325 : vector<16xi32> to vector<16xi32>
      %swap3A_1327 = vector.shape_cast %sub3A_1323 : vector<16xi32> to vector<16xi32>
      tpu.vector_store %arg12[%swap3A_1324], %swap3A_1327 {strides = array<i32>} : memref<16xi32, #tpu.memory_space<vmem>>, vector<16xi32>,
      "tpu.region"() ({
        %run_scoped3A = tpu.sem_alloc : memref<!tpu.dma_semaphore, #tpu.memory_space<semaphore_mem>>
        %dma_start3A_1328 = arith.constant 0 : i32
        %dma_start3A_1329 = tpu.memref_slice %arg12[%dma_start3A_1328] : memref<16xi32, #tpu.memory_space<vmem>> -> memref<8xi32, #tpu.memory_space<vmem>>
        %dma_start3A_1330 = arith.constant 0 : i32
        %dma_start3A_1331 = tpu.memref_slice %arg12[%dma_start3A_1330] : memref<16xi32, #tpu.memory_space<vmem>> -> memref<8xi32, #tpu.memory_space<vmem>>
        tpu.enqueue_dma source(%dma_start3A_1331 : memref<8xi32, #tpu.memory_space<vmem>>) target(%arg5 : memref<8xi32, #tpu.memory_space<hbm>>) target_semaphore(%run_scoped3A : memref<!tpu.dma_semaphore, #tpu.memory_space<semaphore_mem>>)
        %dma_wait3A_1332 = arith.constant 0 : i32
        %dma_wait3A_1333 = tpu.memref_slice %arg12[%dma_wait3A_1332] : memref<16xi32, #tpu.memory_space<vmem>> -> memref<8xi32, #tpu.memory_space<vmem>>
        %dma_wait3A_1334 = arith.constant 0 : i32
        %dma_wait3A_1335 = tpu.memref_slice %arg12[%dma_wait3A_1334] : memref<16xi32, #tpu.memory_space<vmem>> -> memref<8xi32, #tpu.memory_space<vmem>>
        tpu.wait_dma2 semaphore(%run_scoped3A : memref<!tpu.dma_semaphore, #tpu.memory_space<semaphore_mem>>) src(%dma_wait3A_1335 : memref<8xi32, #tpu.memory_space<vmem>>) dst(%arg5 : memref<8xi32, #tpu.memory_space<hbm>>)
        tpu.yield
      }) : () -> ()
    } else {
    }
    "tpu.region"() ({
      %run_scoped3A = tpu.sem_alloc : memref<!tpu.dma_semaphore, #tpu.memory_space<semaphore_mem>>
      tpu.enqueue_dma source(%arg3 : memref<2048xi32, #tpu.memory_space<hbm>>) target(%arg6 : memref<2048xi32, #tpu.memory_space<vmem>>) target_semaphore(%run_scoped3A : memref<!tpu.dma_semaphore, #tpu.memory_space<semaphore_mem>>)
      tpu.wait_dma2 semaphore(%run_scoped3A : memref<!tpu.dma_semaphore, #tpu.memory_space<semaphore_mem>>) src(%arg3 : memref<2048xi32, #tpu.memory_space<hbm>>) dst(%arg6 : memref<2048xi32, #tpu.memory_space<vmem>>)
      tpu.yield
    }) : () -> ()
    %mul3A_3 = arith.constant 9 : i32
    %mul3A_4 = arith.muli %mul3A_3, %add3A : i32
    %add3A_5 = arith.constant 0 : i32
    %add3A_6 = arith.addi %mul3A_4, %add3A_5 : i32
    %ge3A = arith.constant 64 : i32
    %ge3A_7 = arith.cmpi sge, %add3A_6, %ge3A : i32
    %convert_element_type3A_8 = arith.extui %ge3A_7 : i1 to i32
    %add3A_9 = arith.constant 0 : i32
    %add3A_10 = arith.addi %add3A_9, %convert_element_type3A_8 : i32
    %ge3A_11 = arith.constant 120 : i32
    %ge3A_12 = arith.cmpi sge, %add3A_6, %ge3A_11 : i32
    %convert_element_type3A_13 = arith.extui %ge3A_12 : i1 to i32
    %add3A_14 = arith.addi %add3A_10, %convert_element_type3A_13 : i32
    %ge3A_15 = arith.constant 168 : i32
    %ge3A_16 = arith.cmpi sge, %add3A_6, %ge3A_15 : i32
    %convert_element_type3A_17 = arith.extui %ge3A_16 : i1 to i32
    %add3A_18 = arith.addi %add3A_14, %convert_element_type3A_17 : i32
    %ge3A_19 = arith.constant 208 : i32
    %ge3A_20 = arith.cmpi sge, %add3A_6, %ge3A_19 : i32
    %convert_element_type3A_21 = arith.extui %ge3A_20 : i1 to i32
    %add3A_22 = arith.addi %add3A_18, %convert_element_type3A_21 : i32
    %ge3A_23 = arith.constant 240 : i32
    %ge3A_24 = arith.cmpi sge, %add3A_6, %ge3A_23 : i32
    %convert_element_type3A_25 = arith.extui %ge3A_24 : i1 to i32
    %add3A_26 = arith.addi %add3A_22, %convert_element_type3A_25 : i32
    %ge3A_27 = arith.constant 264 : i32
    %ge3A_28 = arith.cmpi sge, %add3A_6, %ge3A_27 : i32
    %convert_element_type3A_29 = arith.extui %ge3A_28 : i1 to i32
    %add3A_30 = arith.addi %add3A_26, %convert_element_type3A_29 : i32
    %ge3A_31 = arith.constant 280 : i32
    %ge3A_32 = arith.cmpi sge, %add3A_6, %ge3A_31 : i32
    %convert_element_type3A_33 = arith.extui %ge3A_32 : i1 to i32
    %add3A_34 = arith.addi %add3A_30, %convert_element_type3A_33 : i32
    %ge3A_35 = arith.constant 64 : i32
    %ge3A_36 = arith.cmpi sge, %add3A_6, %ge3A_35 : i32
    %jit3A = arith.constant 64 : i32
    %jit3A_37 = arith.constant 0 : i32
    %select_n3A = arith.select %ge3A_36, %jit3A, %jit3A_37 : i32
    %add3A_38 = arith.constant 0 : i32
    %add3A_39 = arith.addi %add3A_38, %select_n3A : i32
    %ge3A_40 = arith.constant 120 : i32
    %ge3A_41 = arith.cmpi sge, %add3A_6, %ge3A_40 : i32
    %jit3A_42 = arith.constant 56 : i32
    %jit3A_43 = arith.constant 0 : i32
    %select_n3A_44 = arith.select %ge3A_41, %jit3A_42, %jit3A_43 : i32
    %add3A_45 = arith.addi %add3A_39, %select_n3A_44 : i32
    %ge3A_46 = arith.constant 168 : i32
    %ge3A_47 = arith.cmpi sge, %add3A_6, %ge3A_46 : i32
    %jit3A_48 = arith.constant 48 : i32
    %jit3A_49 = arith.constant 0 : i32
    %select_n3A_50 = arith.select %ge3A_47, %jit3A_48, %jit3A_49 : i32
    %add3A_51 = arith.addi %add3A_45, %select_n3A_50 : i32
    %ge3A_52 = arith.constant 208 : i32
    %ge3A_53 = arith.cmpi sge, %add3A_6, %ge3A_52 : i32
    %jit3A_54 = arith.constant 40 : i32
    %jit3A_55 = arith.constant 0 : i32
    %select_n3A_56 = arith.select %ge3A_53, %jit3A_54, %jit3A_55 : i32
    %add3A_57 = arith.addi %add3A_51, %select_n3A_56 : i32
    %ge3A_58 = arith.constant 240 : i32
    %ge3A_59 = arith.cmpi sge, %add3A_6, %ge3A_58 : i32
    %jit3A_60 = arith.constant 32 : i32
    %jit3A_61 = arith.constant 0 : i32
    %select_n3A_62 = arith.select %ge3A_59, %jit3A_60, %jit3A_61 : i32
    %add3A_63 = arith.addi %add3A_57, %select_n3A_62 : i32
    %ge3A_64 = arith.constant 264 : i32
    %ge3A_65 = arith.cmpi sge, %add3A_6, %ge3A_64 : i32
    %jit3A_66 = arith.constant 24 : i32
    %jit3A_67 = arith.constant 0 : i32
    %select_n3A_68 = arith.select %ge3A_65, %jit3A_66, %jit3A_67 : i32
    %add3A_69 = arith.addi %add3A_63, %select_n3A_68 : i32
    %ge3A_70 = arith.constant 280 : i32
    %ge3A_71 = arith.cmpi sge, %add3A_6, %ge3A_70 : i32
    %jit3A_72 = arith.constant 16 : i32
    %jit3A_73 = arith.constant 0 : i32
    %select_n3A_74 = arith.select %ge3A_71, %jit3A_72, %jit3A_73 : i32
    %add3A_75 = arith.addi %add3A_69, %select_n3A_74 : i32
    %sub3A = arith.subi %add3A_6, %add3A_75 : i32
    %mul3A_76 = arith.constant 32 : i32
    %mul3A_77 = arith.muli %sub3A, %mul3A_76 : i32
    %mul3A_78 = arith.constant 2048 : i32
    %mul3A_79 = arith.muli %add3A_34, %mul3A_78 : i32
    %add3A_80 = arith.addi %mul3A_79, %mul3A_77 : i32
    %add3A_81 = arith.constant 0 : i32
    %add3A_82 = arith.addi %mul3A_77, %add3A_81 : i32
    %get3A = arith.index_cast %add3A_82 : i32 to index
    %get3A_83 = tpu.vector_load %arg6[%get3A] {strides = array<i32>} : memref<2048xi32, #tpu.memory_space<vmem>>, vector<16xi32>,
    %get3A_84 = vector.shape_cast %get3A_83 : vector<16xi32> to vector<16xi32>
    %add3A_85 = vector.broadcast %add3A_34 : i32 to vector<16xi32>
    %add3A_86 = arith.addi %get3A_84, %add3A_85 : vector<16xi32>
    %min3A = arith.constant 9215 : i32
    %min3A_87 = vector.broadcast %min3A : i32 to vector<16xi32>
    %min3A_88 = arith.minsi %add3A_86, %min3A_87 : vector<16xi32>
    %swap3A = arith.constant 0 : index
    %swap3A_89 = tpu.vector_load %arg7[%swap3A] {strides = array<i32>} : memref<288xi32, #tpu.memory_space<vmem>>, vector<16xi32>,
    %swap3A_90 = vector.shape_cast %swap3A_89 : vector<16xi32> to vector<16xi32>
    %swap3A_91 = vector.shape_cast %min3A_88 : vector<16xi32> to vector<16xi32>
    tpu.vector_store %arg7[%swap3A], %swap3A_91 {strides = array<i32>} : memref<288xi32, #tpu.memory_space<vmem>>, vector<16xi32>,
    %add3A_92 = arith.constant 16 : i32
    %add3A_93 = arith.addi %mul3A_77, %add3A_92 : i32
    %get3A_94 = arith.index_cast %add3A_93 : i32 to index
    %get3A_95 = tpu.vector_load %arg6[%get3A_94] {strides = array<i32>} : memref<2048xi32, #tpu.memory_space<vmem>>, vector<16xi32>,
    %get3A_96 = vector.shape_cast %get3A_95 : vector<16xi32> to vector<16xi32>
    %add3A_97 = vector.broadcast %add3A_34 : i32 to vector<16xi32>
    %add3A_98 = arith.addi %get3A_96, %add3A_97 : vector<16xi32>
    %min3A_99 = arith.constant 9215 : i32
    %min3A_100 = vector.broadcast %min3A_99 : i32 to vector<16xi32>
    %min3A_101 = arith.minsi %add3A_98, %min3A_100 : vector<16xi32>
    %swap3A_102 = arith.constant 16 : index
    %swap3A_103 = tpu.vector_load %arg7[%swap3A_102] {strides = array<i32>} : memref<288xi32, #tpu.memory_space<vmem>>, vector<16xi32>,
    %swap3A_104 = vector.shape_cast %swap3A_103 : vector<16xi32> to vector<16xi32>
    %swap3A_105 = vector.shape_cast %min3A_101 : vector<16xi32> to vector<16xi32>
    tpu.vector_store %arg7[%swap3A_102], %swap3A_105 {strides = array<i32>} : memref<288xi32, #tpu.memory_space<vmem>>, vector<16xi32>,
    %dma_start3A = arith.constant 0 : i32
    %dma_start3A_106 = tpu.memref_slice %arg7[%dma_start3A] : memref<288xi32, #tpu.memory_space<vmem>> -> memref<32xi32, #tpu.memory_space<vmem>>
    %dma_start3A_107 = arith.constant 0 : i32
    %dma_start3A_108 = arith.constant 0 : i32
    %dma_start3A_109 = tpu.memref_slice %arg2[%dma_start3A_107, %dma_start3A_108] : memref<9216x1024xf32, #tpu.memory_space<hbm>> -> memref<9216x1024xf32, #tpu.memory_space<hbm>>
    tpu.enqueue_indirect_dma source(%dma_start3A_109 : memref<9216x1024xf32, #tpu.memory_space<hbm>>) target(%arg8 : memref<32x1024xf32, #tpu.memory_space<vmem>>) offsets(%dma_start3A_106 : memref<32xi32, #tpu.memory_space<vmem>>) semaphore(%arg14 : memref<!tpu.dma_semaphore, #tpu.memory_space<semaphore_mem>>)
    %mul3A_110 = arith.constant 9 : i32
    %mul3A_111 = arith.muli %mul3A_110, %add3A : i32
    %add3A_112 = arith.constant 1 : i32
    %add3A_113 = arith.addi %mul3A_111, %add3A_112 : i32
    %ge3A_114 = arith.constant 64 : i32
    %ge3A_115 = arith.cmpi sge, %add3A_113, %ge3A_114 : i32
    %convert_element_type3A_116 = arith.extui %ge3A_115 : i1 to i32
    %add3A_117 = arith.constant 0 : i32
    %add3A_118 = arith.addi %add3A_117, %convert_element_type3A_116 : i32
    %ge3A_119 = arith.constant 120 : i32
    %ge3A_120 = arith.cmpi sge, %add3A_113, %ge3A_119 : i32
    %convert_element_type3A_121 = arith.extui %ge3A_120 : i1 to i32
    %add3A_122 = arith.addi %add3A_118, %convert_element_type3A_121 : i32
    %ge3A_123 = arith.constant 168 : i32
    %ge3A_124 = arith.cmpi sge, %add3A_113, %ge3A_123 : i32
    %convert_element_type3A_125 = arith.extui %ge3A_124 : i1 to i32
    %add3A_126 = arith.addi %add3A_122, %convert_element_type3A_125 : i32
    %ge3A_127 = arith.constant 208 : i32
    %ge3A_128 = arith.cmpi sge, %add3A_113, %ge3A_127 : i32
    %convert_element_type3A_129 = arith.extui %ge3A_128 : i1 to i32
    %add3A_130 = arith.addi %add3A_126, %convert_element_type3A_129 : i32
    %ge3A_131 = arith.constant 240 : i32
    %ge3A_132 = arith.cmpi sge, %add3A_113, %ge3A_131 : i32
    %convert_element_type3A_133 = arith.extui %ge3A_132 : i1 to i32
    %add3A_134 = arith.addi %add3A_130, %convert_element_type3A_133 : i32
    %ge3A_135 = arith.constant 264 : i32
    %ge3A_136 = arith.cmpi sge, %add3A_113, %ge3A_135 : i32
    %convert_element_type3A_137 = arith.extui %ge3A_136 : i1 to i32
    %add3A_138 = arith.addi %add3A_134, %convert_element_type3A_137 : i32
    %ge3A_139 = arith.constant 280 : i32
    %ge3A_140 = arith.cmpi sge, %add3A_113, %ge3A_139 : i32
    %convert_element_type3A_141 = arith.extui %ge3A_140 : i1 to i32
    %add3A_142 = arith.addi %add3A_138, %convert_element_type3A_141 : i32
    %ge3A_143 = arith.constant 64 : i32
    %ge3A_144 = arith.cmpi sge, %add3A_113, %ge3A_143 : i32
    %jit3A_145 = arith.constant 64 : i32
    %jit3A_146 = arith.constant 0 : i32
    %select_n3A_147 = arith.select %ge3A_144, %jit3A_145, %jit3A_146 : i32
    %add3A_148 = arith.constant 0 : i32
    %add3A_149 = arith.addi %add3A_148, %select_n3A_147 : i32
    %ge3A_150 = arith.constant 120 : i32
    %ge3A_151 = arith.cmpi sge, %add3A_113, %ge3A_150 : i32
    %jit3A_152 = arith.constant 56 : i32
    %jit3A_153 = arith.constant 0 : i32
    %select_n3A_154 = arith.select %ge3A_151, %jit3A_152, %jit3A_153 : i32
    %add3A_155 = arith.addi %add3A_149, %select_n3A_154 : i32
    %ge3A_156 = arith.constant 168 : i32
    %ge3A_157 = arith.cmpi sge, %add3A_113, %ge3A_156 : i32
    %jit3A_158 = arith.constant 48 : i32
    %jit3A_159 = arith.constant 0 : i32
    %select_n3A_160 = arith.select %ge3A_157, %jit3A_158, %jit3A_159 : i32
    %add3A_161 = arith.addi %add3A_155, %select_n3A_160 : i32
    %ge3A_162 = arith.constant 208 : i32
    %ge3A_163 = arith.cmpi sge, %add3A_113, %ge3A_162 : i32
    %jit3A_164 = arith.constant 40 : i32
    %jit3A_165 = arith.constant 0 : i32
    %select_n3A_166 = arith.select %ge3A_163, %jit3A_164, %jit3A_165 : i32
    %add3A_167 = arith.addi %add3A_161, %select_n3A_166 : i32
    %ge3A_168 = arith.constant 240 : i32
    %ge3A_169 = arith.cmpi sge, %add3A_113, %ge3A_168 : i32
    %jit3A_170 = arith.constant 32 : i32
    %jit3A_171 = arith.constant 0 : i32
    %select_n3A_172 = arith.select %ge3A_169, %jit3A_170, %jit3A_171 : i32
    %add3A_173 = arith.addi %add3A_167, %select_n3A_172 : i32
    %ge3A_174 = arith.constant 264 : i32
    %ge3A_175 = arith.cmpi sge, %add3A_113, %ge3A_174 : i32
    %jit3A_176 = arith.constant 24 : i32
    %jit3A_177 = arith.constant 0 : i32
    %select_n3A_178 = arith.select %ge3A_175, %jit3A_176, %jit3A_177 : i32
    %add3A_179 = arith.addi %add3A_173, %select_n3A_178 : i32
    %ge3A_180 = arith.constant 280 : i32
    %ge3A_181 = arith.cmpi sge, %add3A_113, %ge3A_180 : i32
    %jit3A_182 = arith.constant 16 : i32
    %jit3A_183 = arith.constant 0 : i32
    %select_n3A_184 = arith.select %ge3A_181, %jit3A_182, %jit3A_183 : i32
    %add3A_185 = arith.addi %add3A_179, %select_n3A_184 : i32
    %sub3A_186 = arith.subi %add3A_113, %add3A_185 : i32
    %mul3A_187 = arith.constant 32 : i32
    %mul3A_188 = arith.muli %sub3A_186, %mul3A_187 : i32
    %mul3A_189 = arith.constant 2048 : i32
    %mul3A_190 = arith.muli %add3A_142, %mul3A_189 : i32
    %add3A_191 = arith.addi %mul3A_190, %mul3A_188 : i32
    %add3A_192 = arith.constant 0 : i32
    %add3A_193 = arith.addi %mul3A_188, %add3A_192 : i32
    %get3A_194 = arith.index_cast %add3A_193 : i32 to index
    %get3A_195 = tpu.vector_load %arg6[%get3A_194] {strides = array<i32>} : memref<2048xi32, #tpu.memory_space<vmem>>, vector<16xi32>,
    %get3A_196 = vector.shape_cast %get3A_195 : vector<16xi32> to vector<16xi32>
    %add3A_197 = vector.broadcast %add3A_142 : i32 to vector<16xi32>
    %add3A_198 = arith.addi %get3A_196, %add3A_197 : vector<16xi32>
    %min3A_199 = arith.constant 9215 : i32
    %min3A_200 = vector.broadcast %min3A_199 : i32 to vector<16xi32>
    %min3A_201 = arith.minsi %add3A_198, %min3A_200 : vector<16xi32>
    %swap3A_202 = arith.constant 32 : index
    %swap3A_203 = tpu.vector_load %arg7[%swap3A_202] {strides = array<i32>} : memref<288xi32, #tpu.memory_space<vmem>>, vector<16xi32>,
    %swap3A_204 = vector.shape_cast %swap3A_203 : vector<16xi32> to vector<16xi32>
    %swap3A_205 = vector.shape_cast %min3A_201 : vector<16xi32> to vector<16xi32>
    tpu.vector_store %arg7[%swap3A_202], %swap3A_205 {strides = array<i32>} : memref<288xi32, #tpu.memory_space<vmem>>, vector<16xi32>,
    %add3A_206 = arith.constant 16 : i32
    %add3A_207 = arith.addi %mul3A_188, %add3A_206 : i32
    %get3A_208 = arith.index_cast %add3A_207 : i32 to index
    %get3A_209 = tpu.vector_load %arg6[%get3A_208] {strides = array<i32>} : memref<2048xi32, #tpu.memory_space<vmem>>, vector<16xi32>,
    %get3A_210 = vector.shape_cast %get3A_209 : vector<16xi32> to vector<16xi32>
    %add3A_211 = vector.broadcast %add3A_142 : i32 to vector<16xi32>
    %add3A_212 = arith.addi %get3A_210, %add3A_211 : vector<16xi32>
    %min3A_213 = arith.constant 9215 : i32
    %min3A_214 = vector.broadcast %min3A_213 : i32 to vector<16xi32>
    %min3A_215 = arith.minsi %add3A_212, %min3A_214 : vector<16xi32>
    %swap3A_216 = arith.constant 48 : index
    %swap3A_217 = tpu.vector_load %arg7[%swap3A_216] {strides = array<i32>} : memref<288xi32, #tpu.memory_space<vmem>>, vector<16xi32>,
    %swap3A_218 = vector.shape_cast %swap3A_217 : vector<16xi32> to vector<16xi32>
    %swap3A_219 = vector.shape_cast %min3A_215 : vector<16xi32> to vector<16xi32>
    tpu.vector_store %arg7[%swap3A_216], %swap3A_219 {strides = array<i32>} : memref<288xi32, #tpu.memory_space<vmem>>, vector<16xi32>,
    %dma_start3A_220 = arith.constant 32 : i32
    %dma_start3A_221 = tpu.memref_slice %arg7[%dma_start3A_220] : memref<288xi32, #tpu.memory_space<vmem>> -> memref<32xi32, #tpu.memory_space<vmem>>
    %dma_start3A_222 = arith.constant 0 : i32
    %dma_start3A_223 = arith.constant 0 : i32
    %dma_start3A_224 = tpu.memref_slice %arg2[%dma_start3A_222, %dma_start3A_223] : memref<9216x1024xf32, #tpu.memory_space<hbm>> -> memref<9216x1024xf32, #tpu.memory_space<hbm>>
    tpu.enqueue_indirect_dma source(%dma_start3A_224 : memref<9216x1024xf32, #tpu.memory_space<hbm>>) target(%arg9 : memref<32x1024xf32, #tpu.memory_space<vmem>>) offsets(%dma_start3A_221 : memref<32xi32, #tpu.memory_space<vmem>>) semaphore(%arg15 : memref<!tpu.dma_semaphore, #tpu.memory_space<semaphore_mem>>)
    %mul3A_225 = arith.constant 9 : i32
    %mul3A_226 = arith.muli %mul3A_225, %add3A : i32
    %add3A_227 = arith.constant 2 : i32
    %add3A_228 = arith.addi %mul3A_226, %add3A_227 : i32
    %ge3A_229 = arith.constant 64 : i32
    %ge3A_230 = arith.cmpi sge, %add3A_228, %ge3A_229 : i32
    %convert_element_type3A_231 = arith.extui %ge3A_230 : i1 to i32
    %add3A_232 = arith.constant 0 : i32
    %add3A_233 = arith.addi %add3A_232, %convert_element_type3A_231 : i32
    %ge3A_234 = arith.constant 120 : i32
    %ge3A_235 = arith.cmpi sge, %add3A_228, %ge3A_234 : i32
    %convert_element_type3A_236 = arith.extui %ge3A_235 : i1 to i32
    %add3A_237 = arith.addi %add3A_233, %convert_element_type3A_236 : i32
    %ge3A_238 = arith.constant 168 : i32
    %ge3A_239 = arith.cmpi sge, %add3A_228, %ge3A_238 : i32
    %convert_element_type3A_240 = arith.extui %ge3A_239 : i1 to i32
    %add3A_241 = arith.addi %add3A_237, %convert_element_type3A_240 : i32
    %ge3A_242 = arith.constant 208 : i32
    %ge3A_243 = arith.cmpi sge, %add3A_228, %ge3A_242 : i32
    %convert_element_type3A_244 = arith.extui %ge3A_243 : i1 to i32
    %add3A_245 = arith.addi %add3A_241, %convert_element_type3A_244 : i32
    %ge3A_246 = arith.constant 240 : i32
    %ge3A_247 = arith.cmpi sge, %add3A_228, %ge3A_246 : i32
    %convert_element_type3A_248 = arith.extui %ge3A_247 : i1 to i32
    %add3A_249 = arith.addi %add3A_245, %convert_element_type3A_248 : i32
    %ge3A_250 = arith.constant 264 : i32
    %ge3A_251 = arith.cmpi sge, %add3A_228, %ge3A_250 : i32
    %convert_element_type3A_252 = arith.extui %ge3A_251 : i1 to i32
    %add3A_253 = arith.addi %add3A_249, %convert_element_type3A_252 : i32
    %ge3A_254 = arith.constant 280 : i32
    %ge3A_255 = arith.cmpi sge, %add3A_228, %ge3A_254 : i32
    %convert_element_type3A_256 = arith.extui %ge3A_255 : i1 to i32
    %add3A_257 = arith.addi %add3A_253, %convert_element_type3A_256 : i32
    %ge3A_258 = arith.constant 64 : i32
    %ge3A_259 = arith.cmpi sge, %add3A_228, %ge3A_258 : i32
    %jit3A_260 = arith.constant 64 : i32
    %jit3A_261 = arith.constant 0 : i32
    %select_n3A_262 = arith.select %ge3A_259, %jit3A_260, %jit3A_261 : i32
    %add3A_263 = arith.constant 0 : i32
    %add3A_264 = arith.addi %add3A_263, %select_n3A_262 : i32
    %ge3A_265 = arith.constant 120 : i32
    %ge3A_266 = arith.cmpi sge, %add3A_228, %ge3A_265 : i32
    %jit3A_267 = arith.constant 56 : i32
    %jit3A_268 = arith.constant 0 : i32
    %select_n3A_269 = arith.select %ge3A_266, %jit3A_267, %jit3A_268 : i32
    %add3A_270 = arith.addi %add3A_264, %select_n3A_269 : i32
    %ge3A_271 = arith.constant 168 : i32
    %ge3A_272 = arith.cmpi sge, %add3A_228, %ge3A_271 : i32
    %jit3A_273 = arith.constant 48 : i32
    %jit3A_274 = arith.constant 0 : i32
    %select_n3A_275 = arith.select %ge3A_272, %jit3A_273, %jit3A_274 : i32
    %add3A_276 = arith.addi %add3A_270, %select_n3A_275 : i32
    %ge3A_277 = arith.constant 208 : i32
    %ge3A_278 = arith.cmpi sge, %add3A_228, %ge3A_277 : i32
    %jit3A_279 = arith.constant 40 : i32
    %jit3A_280 = arith.constant 0 : i32
    %select_n3A_281 = arith.select %ge3A_278, %jit3A_279, %jit3A_280 : i32
    %add3A_282 = arith.addi %add3A_276, %select_n3A_281 : i32
    %ge3A_283 = arith.constant 240 : i32
    %ge3A_284 = arith.cmpi sge, %add3A_228, %ge3A_283 : i32
    %jit3A_285 = arith.constant 32 : i32
    %jit3A_286 = arith.constant 0 : i32
    %select_n3A_287 = arith.select %ge3A_284, %jit3A_285, %jit3A_286 : i32
    %add3A_288 = arith.addi %add3A_282, %select_n3A_287 : i32
    %ge3A_289 = arith.constant 264 : i32
    %ge3A_290 = arith.cmpi sge, %add3A_228, %ge3A_289 : i32
    %jit3A_291 = arith.constant 24 : i32
    %jit3A_292 = arith.constant 0 : i32
    %select_n3A_293 = arith.select %ge3A_290, %jit3A_291, %jit3A_292 : i32
    %add3A_294 = arith.addi %add3A_288, %select_n3A_293 : i32
    %ge3A_295 = arith.constant 280 : i32
    %ge3A_296 = arith.cmpi sge, %add3A_228, %ge3A_295 : i32
    %jit3A_297 = arith.constant 16 : i32
    %jit3A_298 = arith.constant 0 : i32
    %select_n3A_299 = arith.select %ge3A_296, %jit3A_297, %jit3A_298 : i32
    %add3A_300 = arith.addi %add3A_294, %select_n3A_299 : i32
    %sub3A_301 = arith.subi %add3A_228, %add3A_300 : i32
    %mul3A_302 = arith.constant 32 : i32
    %mul3A_303 = arith.muli %sub3A_301, %mul3A_302 : i32
    %mul3A_304 = arith.constant 2048 : i32
    %mul3A_305 = arith.muli %add3A_257, %mul3A_304 : i32
    %add3A_306 = arith.addi %mul3A_305, %mul3A_303 : i32
    %add3A_307 = arith.constant 0 : i32
    %add3A_308 = arith.addi %mul3A_303, %add3A_307 : i32
    %get3A_309 = arith.index_cast %add3A_308 : i32 to index
    %get3A_310 = tpu.vector_load %arg6[%get3A_309] {strides = array<i32>} : memref<2048xi32, #tpu.memory_space<vmem>>, vector<16xi32>,
    %get3A_311 = vector.shape_cast %get3A_310 : vector<16xi32> to vector<16xi32>
    %add3A_312 = vector.broadcast %add3A_257 : i32 to vector<16xi32>
    %add3A_313 = arith.addi %get3A_311, %add3A_312 : vector<16xi32>
    %min3A_314 = arith.constant 9215 : i32
    %min3A_315 = vector.broadcast %min3A_314 : i32 to vector<16xi32>
    %min3A_316 = arith.minsi %add3A_313, %min3A_315 : vector<16xi32>
    %swap3A_317 = arith.constant 64 : index
    %swap3A_318 = tpu.vector_load %arg7[%swap3A_317] {strides = array<i32>} : memref<288xi32, #tpu.memory_space<vmem>>, vector<16xi32>,
    %swap3A_319 = vector.shape_cast %swap3A_318 : vector<16xi32> to vector<16xi32>
    %swap3A_320 = vector.shape_cast %min3A_316 : vector<16xi32> to vector<16xi32>
    tpu.vector_store %arg7[%swap3A_317], %swap3A_320 {strides = array<i32>} : memref<288xi32, #tpu.memory_space<vmem>>, vector<16xi32>,
    %add3A_321 = arith.constant 16 : i32
    %add3A_322 = arith.addi %mul3A_303, %add3A_321 : i32
    %get3A_323 = arith.index_cast %add3A_322 : i32 to index
    %get3A_324 = tpu.vector_load %arg6[%get3A_323] {strides = array<i32>} : memref<2048xi32, #tpu.memory_space<vmem>>, vector<16xi32>,
    %get3A_325 = vector.shape_cast %get3A_324 : vector<16xi32> to vector<16xi32>
    %add3A_326 = vector.broadcast %add3A_257 : i32 to vector<16xi32>
    %add3A_327 = arith.addi %get3A_325, %add3A_326 : vector<16xi32>
    %min3A_328 = arith.constant 9215 : i32
    %min3A_329 = vector.broadcast %min3A_328 : i32 to vector<16xi32>
    %min3A_330 = arith.minsi %add3A_327, %min3A_329 : vector<16xi32>
    %swap3A_331 = arith.constant 80 : index
    %swap3A_332 = tpu.vector_load %arg7[%swap3A_331] {strides = array<i32>} : memref<288xi32, #tpu.memory_space<vmem>>, vector<16xi32>,
    %swap3A_333 = vector.shape_cast %swap3A_332 : vector<16xi32> to vector<16xi32>
    %swap3A_334 = vector.shape_cast %min3A_330 : vector<16xi32> to vector<16xi32>
    tpu.vector_store %arg7[%swap3A_331], %swap3A_334 {strides = array<i32>} : memref<288xi32, #tpu.memory_space<vmem>>, vector<16xi32>,
    %mul3A_335 = arith.constant 9 : i32
    %mul3A_336 = arith.muli %mul3A_335, %add3A : i32
    %add3A_337 = arith.constant 3 : i32
    %add3A_338 = arith.addi %mul3A_336, %add3A_337 : i32
    %ge3A_339 = arith.constant 64 : i32
    %ge3A_340 = arith.cmpi sge, %add3A_338, %ge3A_339 : i32
    %convert_element_type3A_341 = arith.extui %ge3A_340 : i1 to i32
    %add3A_342 = arith.constant 0 : i32
    %add3A_343 = arith.addi %add3A_342, %convert_element_type3A_341 : i32
    %ge3A_344 = arith.constant 120 : i32
    %ge3A_345 = arith.cmpi sge, %add3A_338, %ge3A_344 : i32
    %convert_element_type3A_346 = arith.extui %ge3A_345 : i1 to i32
    %add3A_347 = arith.addi %add3A_343, %convert_element_type3A_346 : i32
    %ge3A_348 = arith.constant 168 : i32
    %ge3A_349 = arith.cmpi sge, %add3A_338, %ge3A_348 : i32
    %convert_element_type3A_350 = arith.extui %ge3A_349 : i1 to i32
    %add3A_351 = arith.addi %add3A_347, %convert_element_type3A_350 : i32
    %ge3A_352 = arith.constant 208 : i32
    %ge3A_353 = arith.cmpi sge, %add3A_338, %ge3A_352 : i32
    %convert_element_type3A_354 = arith.extui %ge3A_353 : i1 to i32
    %add3A_355 = arith.addi %add3A_351, %convert_element_type3A_354 : i32
    %ge3A_356 = arith.constant 240 : i32
    %ge3A_357 = arith.cmpi sge, %add3A_338, %ge3A_356 : i32
    %convert_element_type3A_358 = arith.extui %ge3A_357 : i1 to i32
    %add3A_359 = arith.addi %add3A_355, %convert_element_type3A_358 : i32
    %ge3A_360 = arith.constant 264 : i32
    %ge3A_361 = arith.cmpi sge, %add3A_338, %ge3A_360 : i32
    %convert_element_type3A_362 = arith.extui %ge3A_361 : i1 to i32
    %add3A_363 = arith.addi %add3A_359, %convert_element_type3A_362 : i32
    %ge3A_364 = arith.constant 280 : i32
    %ge3A_365 = arith.cmpi sge, %add3A_338, %ge3A_364 : i32
    %convert_element_type3A_366 = arith.extui %ge3A_365 : i1 to i32
    %add3A_367 = arith.addi %add3A_363, %convert_element_type3A_366 : i32
    %ge3A_368 = arith.constant 64 : i32
    %ge3A_369 = arith.cmpi sge, %add3A_338, %ge3A_368 : i32
    %jit3A_370 = arith.constant 64 : i32
    %jit3A_371 = arith.constant 0 : i32
    %select_n3A_372 = arith.select %ge3A_369, %jit3A_370, %jit3A_371 : i32
    %add3A_373 = arith.constant 0 : i32
    %add3A_374 = arith.addi %add3A_373, %select_n3A_372 : i32
    %ge3A_375 = arith.constant 120 : i32
    %ge3A_376 = arith.cmpi sge, %add3A_338, %ge3A_375 : i32
    %jit3A_377 = arith.constant 56 : i32
    %jit3A_378 = arith.constant 0 : i32
    %select_n3A_379 = arith.select %ge3A_376, %jit3A_377, %jit3A_378 : i32
    %add3A_380 = arith.addi %add3A_374, %select_n3A_379 : i32
    %ge3A_381 = arith.constant 168 : i32
    %ge3A_382 = arith.cmpi sge, %add3A_338, %ge3A_381 : i32
    %jit3A_383 = arith.constant 48 : i32
    %jit3A_384 = arith.constant 0 : i32
    %select_n3A_385 = arith.select %ge3A_382, %jit3A_383, %jit3A_384 : i32
    %add3A_386 = arith.addi %add3A_380, %select_n3A_385 : i32
    %ge3A_387 = arith.constant 208 : i32
    %ge3A_388 = arith.cmpi sge, %add3A_338, %ge3A_387 : i32
    %jit3A_389 = arith.constant 40 : i32
    %jit3A_390 = arith.constant 0 : i32
    %select_n3A_391 = arith.select %ge3A_388, %jit3A_389, %jit3A_390 : i32
    %add3A_392 = arith.addi %add3A_386, %select_n3A_391 : i32
    %ge3A_393 = arith.constant 240 : i32
    %ge3A_394 = arith.cmpi sge, %add3A_338, %ge3A_393 : i32
    %jit3A_395 = arith.constant 32 : i32
    %jit3A_396 = arith.constant 0 : i32
    %select_n3A_397 = arith.select %ge3A_394, %jit3A_395, %jit3A_396 : i32
    %add3A_398 = arith.addi %add3A_392, %select_n3A_397 : i32
    %ge3A_399 = arith.constant 264 : i32
    %ge3A_400 = arith.cmpi sge, %add3A_338, %ge3A_399 : i32
    %jit3A_401 = arith.constant 24 : i32
    %jit3A_402 = arith.constant 0 : i32
    %select_n3A_403 = arith.select %ge3A_400, %jit3A_401, %jit3A_402 : i32
    %add3A_404 = arith.addi %add3A_398, %select_n3A_403 : i32
    %ge3A_405 = arith.constant 280 : i32
    %ge3A_406 = arith.cmpi sge, %add3A_338, %ge3A_405 : i32
    %jit3A_407 = arith.constant 16 : i32
    %jit3A_408 = arith.constant 0 : i32
    %select_n3A_409 = arith.select %ge3A_406, %jit3A_407, %jit3A_408 : i32
    %add3A_410 = arith.addi %add3A_404, %select_n3A_409 : i32
    %sub3A_411 = arith.subi %add3A_338, %add3A_410 : i32
    %mul3A_412 = arith.constant 32 : i32
    %mul3A_413 = arith.muli %sub3A_411, %mul3A_412 : i32
    %mul3A_414 = arith.constant 2048 : i32
    %mul3A_415 = arith.muli %add3A_367, %mul3A_414 : i32
    %add3A_416 = arith.addi %mul3A_415, %mul3A_413 : i32
    %add3A_417 = arith.constant 0 : i32
    %add3A_418 = arith.addi %mul3A_413, %add3A_417 : i32
    %get3A_419 = arith.index_cast %add3A_418 : i32 to index
    %get3A_420 = tpu.vector_load %arg6[%get3A_419] {strides = array<i32>} : memref<2048xi32, #tpu.memory_space<vmem>>, vector<16xi32>,
    %get3A_421 = vector.shape_cast %get3A_420 : vector<16xi32> to vector<16xi32>
    %add3A_422 = vector.broadcast %add3A_367 : i32 to vector<16xi32>
    %add3A_423 = arith.addi %get3A_421, %add3A_422 : vector<16xi32>
    %min3A_424 = arith.constant 9215 : i32
    %min3A_425 = vector.broadcast %min3A_424 : i32 to vector<16xi32>
    %min3A_426 = arith.minsi %add3A_423, %min3A_425 : vector<16xi32>
    %swap3A_427 = arith.constant 96 : index
    %swap3A_428 = tpu.vector_load %arg7[%swap3A_427] {strides = array<i32>} : memref<288xi32, #tpu.memory_space<vmem>>, vector<16xi32>,
    %swap3A_429 = vector.shape_cast %swap3A_428 : vector<16xi32> to vector<16xi32>
    %swap3A_430 = vector.shape_cast %min3A_426 : vector<16xi32> to vector<16xi32>
    tpu.vector_store %arg7[%swap3A_427], %swap3A_430 {strides = array<i32>} : memref<288xi32, #tpu.memory_space<vmem>>, vector<16xi32>,
    %add3A_431 = arith.constant 16 : i32
    %add3A_432 = arith.addi %mul3A_413, %add3A_431 : i32
    %get3A_433 = arith.index_cast %add3A_432 : i32 to index
    %get3A_434 = tpu.vector_load %arg6[%get3A_433] {strides = array<i32>} : memref<2048xi32, #tpu.memory_space<vmem>>, vector<16xi32>,
    %get3A_435 = vector.shape_cast %get3A_434 : vector<16xi32> to vector<16xi32>
    %add3A_436 = vector.broadcast %add3A_367 : i32 to vector<16xi32>
    %add3A_437 = arith.addi %get3A_435, %add3A_436 : vector<16xi32>
    %min3A_438 = arith.constant 9215 : i32
    %min3A_439 = vector.broadcast %min3A_438 : i32 to vector<16xi32>
    %min3A_440 = arith.minsi %add3A_437, %min3A_439 : vector<16xi32>
    %swap3A_441 = arith.constant 112 : index
    %swap3A_442 = tpu.vector_load %arg7[%swap3A_441] {strides = array<i32>} : memref<288xi32, #tpu.memory_space<vmem>>, vector<16xi32>,
    %swap3A_443 = vector.shape_cast %swap3A_442 : vector<16xi32> to vector<16xi32>
    %swap3A_444 = vector.shape_cast %min3A_440 : vector<16xi32> to vector<16xi32>
    tpu.vector_store %arg7[%swap3A_441], %swap3A_444 {strides = array<i32>} : memref<288xi32, #tpu.memory_space<vmem>>, vector<16xi32>,
    %mul3A_445 = arith.constant 9 : i32
    %mul3A_446 = arith.muli %mul3A_445, %add3A : i32
    %add3A_447 = arith.constant 4 : i32
    %add3A_448 = arith.addi %mul3A_446, %add3A_447 : i32
    %ge3A_449 = arith.constant 64 : i32
    %ge3A_450 = arith.cmpi sge, %add3A_448, %ge3A_449 : i32
    %convert_element_type3A_451 = arith.extui %ge3A_450 : i1 to i32
    %add3A_452 = arith.constant 0 : i32
    %add3A_453 = arith.addi %add3A_452, %convert_element_type3A_451 : i32
    %ge3A_454 = arith.constant 120 : i32
    %ge3A_455 = arith.cmpi sge, %add3A_448, %ge3A_454 : i32
    %convert_element_type3A_456 = arith.extui %ge3A_455 : i1 to i32
    %add3A_457 = arith.addi %add3A_453, %convert_element_type3A_456 : i32
    %ge3A_458 = arith.constant 168 : i32
    %ge3A_459 = arith.cmpi sge, %add3A_448, %ge3A_458 : i32
    %convert_element_type3A_460 = arith.extui %ge3A_459 : i1 to i32
    %add3A_461 = arith.addi %add3A_457, %convert_element_type3A_460 : i32
    %ge3A_462 = arith.constant 208 : i32
    %ge3A_463 = arith.cmpi sge, %add3A_448, %ge3A_462 : i32
    %convert_element_type3A_464 = arith.extui %ge3A_463 : i1 to i32
    %add3A_465 = arith.addi %add3A_461, %convert_element_type3A_464 : i32
    %ge3A_466 = arith.constant 240 : i32
    %ge3A_467 = arith.cmpi sge, %add3A_448, %ge3A_466 : i32
    %convert_element_type3A_468 = arith.extui %ge3A_467 : i1 to i32
    %add3A_469 = arith.addi %add3A_465, %convert_element_type3A_468 : i32
    %ge3A_470 = arith.constant 264 : i32
    %ge3A_471 = arith.cmpi sge, %add3A_448, %ge3A_470 : i32
    %convert_element_type3A_472 = arith.extui %ge3A_471 : i1 to i32
    %add3A_473 = arith.addi %add3A_469, %convert_element_type3A_472 : i32
    %ge3A_474 = arith.constant 280 : i32
    %ge3A_475 = arith.cmpi sge, %add3A_448, %ge3A_474 : i32
    %convert_element_type3A_476 = arith.extui %ge3A_475 : i1 to i32
    %add3A_477 = arith.addi %add3A_473, %convert_element_type3A_476 : i32
    %ge3A_478 = arith.constant 64 : i32
    %ge3A_479 = arith.cmpi sge, %add3A_448, %ge3A_478 : i32
    %jit3A_480 = arith.constant 64 : i32
    %jit3A_481 = arith.constant 0 : i32
    %select_n3A_482 = arith.select %ge3A_479, %jit3A_480, %jit3A_481 : i32
    %add3A_483 = arith.constant 0 : i32
    %add3A_484 = arith.addi %add3A_483, %select_n3A_482 : i32
    %ge3A_485 = arith.constant 120 : i32
    %ge3A_486 = arith.cmpi sge, %add3A_448, %ge3A_485 : i32
    %jit3A_487 = arith.constant 56 : i32
    %jit3A_488 = arith.constant 0 : i32
    %select_n3A_489 = arith.select %ge3A_486, %jit3A_487, %jit3A_488 : i32
    %add3A_490 = arith.addi %add3A_484, %select_n3A_489 : i32
    %ge3A_491 = arith.constant 168 : i32
    %ge3A_492 = arith.cmpi sge, %add3A_448, %ge3A_491 : i32
    %jit3A_493 = arith.constant 48 : i32
    %jit3A_494 = arith.constant 0 : i32
    %select_n3A_495 = arith.select %ge3A_492, %jit3A_493, %jit3A_494 : i32
    %add3A_496 = arith.addi %add3A_490, %select_n3A_495 : i32
    %ge3A_497 = arith.constant 208 : i32
    %ge3A_498 = arith.cmpi sge, %add3A_448, %ge3A_497 : i32
    %jit3A_499 = arith.constant 40 : i32
    %jit3A_500 = arith.constant 0 : i32
    %select_n3A_501 = arith.select %ge3A_498, %jit3A_499, %jit3A_500 : i32
    %add3A_502 = arith.addi %add3A_496, %select_n3A_501 : i32
    %ge3A_503 = arith.constant 240 : i32
    %ge3A_504 = arith.cmpi sge, %add3A_448, %ge3A_503 : i32
    %jit3A_505 = arith.constant 32 : i32
    %jit3A_506 = arith.constant 0 : i32
    %select_n3A_507 = arith.select %ge3A_504, %jit3A_505, %jit3A_506 : i32
    %add3A_508 = arith.addi %add3A_502, %select_n3A_507 : i32
    %ge3A_509 = arith.constant 264 : i32
    %ge3A_510 = arith.cmpi sge, %add3A_448, %ge3A_509 : i32
    %jit3A_511 = arith.constant 24 : i32
    %jit3A_512 = arith.constant 0 : i32
    %select_n3A_513 = arith.select %ge3A_510, %jit3A_511, %jit3A_512 : i32
    %add3A_514 = arith.addi %add3A_508, %select_n3A_513 : i32
    %ge3A_515 = arith.constant 280 : i32
    %ge3A_516 = arith.cmpi sge, %add3A_448, %ge3A_515 : i32
    %jit3A_517 = arith.constant 16 : i32
    %jit3A_518 = arith.constant 0 : i32
    %select_n3A_519 = arith.select %ge3A_516, %jit3A_517, %jit3A_518 : i32
    %add3A_520 = arith.addi %add3A_514, %select_n3A_519 : i32
    %sub3A_521 = arith.subi %add3A_448, %add3A_520 : i32
    %mul3A_522 = arith.constant 32 : i32
    %mul3A_523 = arith.muli %sub3A_521, %mul3A_522 : i32
    %mul3A_524 = arith.constant 2048 : i32
    %mul3A_525 = arith.muli %add3A_477, %mul3A_524 : i32
    %add3A_526 = arith.addi %mul3A_525, %mul3A_523 : i32
    %add3A_527 = arith.constant 0 : i32
    %add3A_528 = arith.addi %mul3A_523, %add3A_527 : i32
    %get3A_529 = arith.index_cast %add3A_528 : i32 to index
    %get3A_530 = tpu.vector_load %arg6[%get3A_529] {strides = array<i32>} : memref<2048xi32, #tpu.memory_space<vmem>>, vector<16xi32>,
    %get3A_531 = vector.shape_cast %get3A_530 : vector<16xi32> to vector<16xi32>
    %add3A_532 = vector.broadcast %add3A_477 : i32 to vector<16xi32>
    %add3A_533 = arith.addi %get3A_531, %add3A_532 : vector<16xi32>
    %min3A_534 = arith.constant 9215 : i32
    %min3A_535 = vector.broadcast %min3A_534 : i32 to vector<16xi32>
    %min3A_536 = arith.minsi %add3A_533, %min3A_535 : vector<16xi32>
    %swap3A_537 = arith.constant 128 : index
    %swap3A_538 = tpu.vector_load %arg7[%swap3A_537] {strides = array<i32>} : memref<288xi32, #tpu.memory_space<vmem>>, vector<16xi32>,
    %swap3A_539 = vector.shape_cast %swap3A_538 : vector<16xi32> to vector<16xi32>
    %swap3A_540 = vector.shape_cast %min3A_536 : vector<16xi32> to vector<16xi32>
    tpu.vector_store %arg7[%swap3A_537], %swap3A_540 {strides = array<i32>} : memref<288xi32, #tpu.memory_space<vmem>>, vector<16xi32>,
    %add3A_541 = arith.constant 16 : i32
    %add3A_542 = arith.addi %mul3A_523, %add3A_541 : i32
    %get3A_543 = arith.index_cast %add3A_542 : i32 to index
    %get3A_544 = tpu.vector_load %arg6[%get3A_543] {strides = array<i32>} : memref<2048xi32, #tpu.memory_space<vmem>>, vector<16xi32>,
    %get3A_545 = vector.shape_cast %get3A_544 : vector<16xi32> to vector<16xi32>
    %add3A_546 = vector.broadcast %add3A_477 : i32 to vector<16xi32>
    %add3A_547 = arith.addi %get3A_545, %add3A_546 : vector<16xi32>
    %min3A_548 = arith.constant 9215 : i32
    %min3A_549 = vector.broadcast %min3A_548 : i32 to vector<16xi32>
    %min3A_550 = arith.minsi %add3A_547, %min3A_549 : vector<16xi32>
    %swap3A_551 = arith.constant 144 : index
    %swap3A_552 = tpu.vector_load %arg7[%swap3A_551] {strides = array<i32>} : memref<288xi32, #tpu.memory_space<vmem>>, vector<16xi32>,
    %swap3A_553 = vector.shape_cast %swap3A_552 : vector<16xi32> to vector<16xi32>
    %swap3A_554 = vector.shape_cast %min3A_550 : vector<16xi32> to vector<16xi32>
    tpu.vector_store %arg7[%swap3A_551], %swap3A_554 {strides = array<i32>} : memref<288xi32, #tpu.memory_space<vmem>>, vector<16xi32>,
    %mul3A_555 = arith.constant 9 : i32
    %mul3A_556 = arith.muli %mul3A_555, %add3A : i32
    %add3A_557 = arith.constant 5 : i32
    %add3A_558 = arith.addi %mul3A_556, %add3A_557 : i32
    %ge3A_559 = arith.constant 64 : i32
    %ge3A_560 = arith.cmpi sge, %add3A_558, %ge3A_559 : i32
    %convert_element_type3A_561 = arith.extui %ge3A_560 : i1 to i32
    %add3A_562 = arith.constant 0 : i32
    %add3A_563 = arith.addi %add3A_562, %convert_element_type3A_561 : i32
    %ge3A_564 = arith.constant 120 : i32
    %ge3A_565 = arith.cmpi sge, %add3A_558, %ge3A_564 : i32
    %convert_element_type3A_566 = arith.extui %ge3A_565 : i1 to i32
    %add3A_567 = arith.addi %add3A_563, %convert_element_type3A_566 : i32
    %ge3A_568 = arith.constant 168 : i32
    %ge3A_569 = arith.cmpi sge, %add3A_558, %ge3A_568 : i32
    %convert_element_type3A_570 = arith.extui %ge3A_569 : i1 to i32
    %add3A_571 = arith.addi %add3A_567, %convert_element_type3A_570 : i32
    %ge3A_572 = arith.constant 208 : i32
    %ge3A_573 = arith.cmpi sge, %add3A_558, %ge3A_572 : i32
    %convert_element_type3A_574 = arith.extui %ge3A_573 : i1 to i32
    %add3A_575 = arith.addi %add3A_571, %convert_element_type3A_574 : i32
    %ge3A_576 = arith.constant 240 : i32
    %ge3A_577 = arith.cmpi sge, %add3A_558, %ge3A_576 : i32
    %convert_element_type3A_578 = arith.extui %ge3A_577 : i1 to i32
    %add3A_579 = arith.addi %add3A_575, %convert_element_type3A_578 : i32
    %ge3A_580 = arith.constant 264 : i32
    %ge3A_581 = arith.cmpi sge, %add3A_558, %ge3A_580 : i32
    %convert_element_type3A_582 = arith.extui %ge3A_581 : i1 to i32
    %add3A_583 = arith.addi %add3A_579, %convert_element_type3A_582 : i32
    %ge3A_584 = arith.constant 280 : i32
    %ge3A_585 = arith.cmpi sge, %add3A_558, %ge3A_584 : i32
    %convert_element_type3A_586 = arith.extui %ge3A_585 : i1 to i32
    %add3A_587 = arith.addi %add3A_583, %convert_element_type3A_586 : i32
    %ge3A_588 = arith.constant 64 : i32
    %ge3A_589 = arith.cmpi sge, %add3A_558, %ge3A_588 : i32
    %jit3A_590 = arith.constant 64 : i32
    %jit3A_591 = arith.constant 0 : i32
    %select_n3A_592 = arith.select %ge3A_589, %jit3A_590, %jit3A_591 : i32
    %add3A_593 = arith.constant 0 : i32
    %add3A_594 = arith.addi %add3A_593, %select_n3A_592 : i32
    %ge3A_595 = arith.constant 120 : i32
    %ge3A_596 = arith.cmpi sge, %add3A_558, %ge3A_595 : i32
    %jit3A_597 = arith.constant 56 : i32
    %jit3A_598 = arith.constant 0 : i32
    %select_n3A_599 = arith.select %ge3A_596, %jit3A_597, %jit3A_598 : i32
    %add3A_600 = arith.addi %add3A_594, %select_n3A_599 : i32
    %ge3A_601 = arith.constant 168 : i32
    %ge3A_602 = arith.cmpi sge, %add3A_558, %ge3A_601 : i32
    %jit3A_603 = arith.constant 48 : i32
    %jit3A_604 = arith.constant 0 : i32
    %select_n3A_605 = arith.select %ge3A_602, %jit3A_603, %jit3A_604 : i32
    %add3A_606 = arith.addi %add3A_600, %select_n3A_605 : i32
    %ge3A_607 = arith.constant 208 : i32
    %ge3A_608 = arith.cmpi sge, %add3A_558, %ge3A_607 : i32
    %jit3A_609 = arith.constant 40 : i32
    %jit3A_610 = arith.constant 0 : i32
    %select_n3A_611 = arith.select %ge3A_608, %jit3A_609, %jit3A_610 : i32
    %add3A_612 = arith.addi %add3A_606, %select_n3A_611 : i32
    %ge3A_613 = arith.constant 240 : i32
    %ge3A_614 = arith.cmpi sge, %add3A_558, %ge3A_613 : i32
    %jit3A_615 = arith.constant 32 : i32
    %jit3A_616 = arith.constant 0 : i32
    %select_n3A_617 = arith.select %ge3A_614, %jit3A_615, %jit3A_616 : i32
    %add3A_618 = arith.addi %add3A_612, %select_n3A_617 : i32
    %ge3A_619 = arith.constant 264 : i32
    %ge3A_620 = arith.cmpi sge, %add3A_558, %ge3A_619 : i32
    %jit3A_621 = arith.constant 24 : i32
    %jit3A_622 = arith.constant 0 : i32
    %select_n3A_623 = arith.select %ge3A_620, %jit3A_621, %jit3A_622 : i32
    %add3A_624 = arith.addi %add3A_618, %select_n3A_623 : i32
    %ge3A_625 = arith.constant 280 : i32
    %ge3A_626 = arith.cmpi sge, %add3A_558, %ge3A_625 : i32
    %jit3A_627 = arith.constant 16 : i32
    %jit3A_628 = arith.constant 0 : i32
    %select_n3A_629 = arith.select %ge3A_626, %jit3A_627, %jit3A_628 : i32
    %add3A_630 = arith.addi %add3A_624, %select_n3A_629 : i32
    %sub3A_631 = arith.subi %add3A_558, %add3A_630 : i32
    %mul3A_632 = arith.constant 32 : i32
    %mul3A_633 = arith.muli %sub3A_631, %mul3A_632 : i32
    %mul3A_634 = arith.constant 2048 : i32
    %mul3A_635 = arith.muli %add3A_587, %mul3A_634 : i32
    %add3A_636 = arith.addi %mul3A_635, %mul3A_633 : i32
    %add3A_637 = arith.constant 0 : i32
    %add3A_638 = arith.addi %mul3A_633, %add3A_637 : i32
    %get3A_639 = arith.index_cast %add3A_638 : i32 to index
    %get3A_640 = tpu.vector_load %arg6[%get3A_639] {strides = array<i32>} : memref<2048xi32, #tpu.memory_space<vmem>>, vector<16xi32>,
    %get3A_641 = vector.shape_cast %get3A_640 : vector<16xi32> to vector<16xi32>
    %add3A_642 = vector.broadcast %add3A_587 : i32 to vector<16xi32>
    %add3A_643 = arith.addi %get3A_641, %add3A_642 : vector<16xi32>
    %min3A_644 = arith.constant 9215 : i32
    %min3A_645 = vector.broadcast %min3A_644 : i32 to vector<16xi32>
    %min3A_646 = arith.minsi %add3A_643, %min3A_645 : vector<16xi32>
    %swap3A_647 = arith.constant 160 : index
    %swap3A_648 = tpu.vector_load %arg7[%swap3A_647] {strides = array<i32>} : memref<288xi32, #tpu.memory_space<vmem>>, vector<16xi32>,
    %swap3A_649 = vector.shape_cast %swap3A_648 : vector<16xi32> to vector<16xi32>
    %swap3A_650 = vector.shape_cast %min3A_646 : vector<16xi32> to vector<16xi32>
    tpu.vector_store %arg7[%swap3A_647], %swap3A_650 {strides = array<i32>} : memref<288xi32, #tpu.memory_space<vmem>>, vector<16xi32>,
    %add3A_651 = arith.constant 16 : i32
    %add3A_652 = arith.addi %mul3A_633, %add3A_651 : i32
    %get3A_653 = arith.index_cast %add3A_652 : i32 to index
    %get3A_654 = tpu.vector_load %arg6[%get3A_653] {strides = array<i32>} : memref<2048xi32, #tpu.memory_space<vmem>>, vector<16xi32>,
    %get3A_655 = vector.shape_cast %get3A_654 : vector<16xi32> to vector<16xi32>
    %add3A_656 = vector.broadcast %add3A_587 : i32 to vector<16xi32>
    %add3A_657 = arith.addi %get3A_655, %add3A_656 : vector<16xi32>
    %min3A_658 = arith.constant 9215 : i32
    %min3A_659 = vector.broadcast %min3A_658 : i32 to vector<16xi32>
    %min3A_660 = arith.minsi %add3A_657, %min3A_659 : vector<16xi32>
    %swap3A_661 = arith.constant 176 : index
    %swap3A_662 = tpu.vector_load %arg7[%swap3A_661] {strides = array<i32>} : memref<288xi32, #tpu.memory_space<vmem>>, vector<16xi32>,
    %swap3A_663 = vector.shape_cast %swap3A_662 : vector<16xi32> to vector<16xi32>
    %swap3A_664 = vector.shape_cast %min3A_660 : vector<16xi32> to vector<16xi32>
    tpu.vector_store %arg7[%swap3A_661], %swap3A_664 {strides = array<i32>} : memref<288xi32, #tpu.memory_space<vmem>>, vector<16xi32>,
    %mul3A_665 = arith.constant 9 : i32
    %mul3A_666 = arith.muli %mul3A_665, %add3A : i32
    %add3A_667 = arith.constant 6 : i32
    %add3A_668 = arith.addi %mul3A_666, %add3A_667 : i32
    %ge3A_669 = arith.constant 64 : i32
    %ge3A_670 = arith.cmpi sge, %add3A_668, %ge3A_669 : i32
    %convert_element_type3A_671 = arith.extui %ge3A_670 : i1 to i32
    %add3A_672 = arith.constant 0 : i32
    %add3A_673 = arith.addi %add3A_672, %convert_element_type3A_671 : i32
    %ge3A_674 = arith.constant 120 : i32
    %ge3A_675 = arith.cmpi sge, %add3A_668, %ge3A_674 : i32
    %convert_element_type3A_676 = arith.extui %ge3A_675 : i1 to i32
    %add3A_677 = arith.addi %add3A_673, %convert_element_type3A_676 : i32
    %ge3A_678 = arith.constant 168 : i32
    %ge3A_679 = arith.cmpi sge, %add3A_668, %ge3A_678 : i32
    %convert_element_type3A_680 = arith.extui %ge3A_679 : i1 to i32
    %add3A_681 = arith.addi %add3A_677, %convert_element_type3A_680 : i32
    %ge3A_682 = arith.constant 208 : i32
    %ge3A_683 = arith.cmpi sge, %add3A_668, %ge3A_682 : i32
    %convert_element_type3A_684 = arith.extui %ge3A_683 : i1 to i32
    %add3A_685 = arith.addi %add3A_681, %convert_element_type3A_684 : i32
    %ge3A_686 = arith.constant 240 : i32
    %ge3A_687 = arith.cmpi sge, %add3A_668, %ge3A_686 : i32
    %convert_element_type3A_688 = arith.extui %ge3A_687 : i1 to i32
    %add3A_689 = arith.addi %add3A_685, %convert_element_type3A_688 : i32
    %ge3A_690 = arith.constant 264 : i32
    %ge3A_691 = arith.cmpi sge, %add3A_668, %ge3A_690 : i32
    %convert_element_type3A_692 = arith.extui %ge3A_691 : i1 to i32
    %add3A_693 = arith.addi %add3A_689, %convert_element_type3A_692 : i32
    %ge3A_694 = arith.constant 280 : i32
    %ge3A_695 = arith.cmpi sge, %add3A_668, %ge3A_694 : i32
    %convert_element_type3A_696 = arith.extui %ge3A_695 : i1 to i32
    %add3A_697 = arith.addi %add3A_693, %convert_element_type3A_696 : i32
    %ge3A_698 = arith.constant 64 : i32
    %ge3A_699 = arith.cmpi sge, %add3A_668, %ge3A_698 : i32
    %jit3A_700 = arith.constant 64 : i32
    %jit3A_701 = arith.constant 0 : i32
    %select_n3A_702 = arith.select %ge3A_699, %jit3A_700, %jit3A_701 : i32
    %add3A_703 = arith.constant 0 : i32
    %add3A_704 = arith.addi %add3A_703, %select_n3A_702 : i32
    %ge3A_705 = arith.constant 120 : i32
    %ge3A_706 = arith.cmpi sge, %add3A_668, %ge3A_705 : i32
    %jit3A_707 = arith.constant 56 : i32
    %jit3A_708 = arith.constant 0 : i32
    %select_n3A_709 = arith.select %ge3A_706, %jit3A_707, %jit3A_708 : i32
    %add3A_710 = arith.addi %add3A_704, %select_n3A_709 : i32
    %ge3A_711 = arith.constant 168 : i32
    %ge3A_712 = arith.cmpi sge, %add3A_668, %ge3A_711 : i32
    %jit3A_713 = arith.constant 48 : i32
    %jit3A_714 = arith.constant 0 : i32
    %select_n3A_715 = arith.select %ge3A_712, %jit3A_713, %jit3A_714 : i32
    %add3A_716 = arith.addi %add3A_710, %select_n3A_715 : i32
    %ge3A_717 = arith.constant 208 : i32
    %ge3A_718 = arith.cmpi sge, %add3A_668, %ge3A_717 : i32
    %jit3A_719 = arith.constant 40 : i32
    %jit3A_720 = arith.constant 0 : i32
    %select_n3A_721 = arith.select %ge3A_718, %jit3A_719, %jit3A_720 : i32
    %add3A_722 = arith.addi %add3A_716, %select_n3A_721 : i32
    %ge3A_723 = arith.constant 240 : i32
    %ge3A_724 = arith.cmpi sge, %add3A_668, %ge3A_723 : i32
    %jit3A_725 = arith.constant 32 : i32
    %jit3A_726 = arith.constant 0 : i32
    %select_n3A_727 = arith.select %ge3A_724, %jit3A_725, %jit3A_726 : i32
    %add3A_728 = arith.addi %add3A_722, %select_n3A_727 : i32
    %ge3A_729 = arith.constant 264 : i32
    %ge3A_730 = arith.cmpi sge, %add3A_668, %ge3A_729 : i32
    %jit3A_731 = arith.constant 24 : i32
    %jit3A_732 = arith.constant 0 : i32
    %select_n3A_733 = arith.select %ge3A_730, %jit3A_731, %jit3A_732 : i32
    %add3A_734 = arith.addi %add3A_728, %select_n3A_733 : i32
    %ge3A_735 = arith.constant 280 : i32
    %ge3A_736 = arith.cmpi sge, %add3A_668, %ge3A_735 : i32
    %jit3A_737 = arith.constant 16 : i32
    %jit3A_738 = arith.constant 0 : i32
    %select_n3A_739 = arith.select %ge3A_736, %jit3A_737, %jit3A_738 : i32
    %add3A_740 = arith.addi %add3A_734, %select_n3A_739 : i32
    %sub3A_741 = arith.subi %add3A_668, %add3A_740 : i32
    %mul3A_742 = arith.constant 32 : i32
    %mul3A_743 = arith.muli %sub3A_741, %mul3A_742 : i32
    %mul3A_744 = arith.constant 2048 : i32
    %mul3A_745 = arith.muli %add3A_697, %mul3A_744 : i32
    %add3A_746 = arith.addi %mul3A_745, %mul3A_743 : i32
    %add3A_747 = arith.constant 0 : i32
    %add3A_748 = arith.addi %mul3A_743, %add3A_747 : i32
    %get3A_749 = arith.index_cast %add3A_748 : i32 to index
    %get3A_750 = tpu.vector_load %arg6[%get3A_749] {strides = array<i32>} : memref<2048xi32, #tpu.memory_space<vmem>>, vector<16xi32>,
    %get3A_751 = vector.shape_cast %get3A_750 : vector<16xi32> to vector<16xi32>
    %add3A_752 = vector.broadcast %add3A_697 : i32 to vector<16xi32>
    %add3A_753 = arith.addi %get3A_751, %add3A_752 : vector<16xi32>
    %min3A_754 = arith.constant 9215 : i32
    %min3A_755 = vector.broadcast %min3A_754 : i32 to vector<16xi32>
    %min3A_756 = arith.minsi %add3A_753, %min3A_755 : vector<16xi32>
    %swap3A_757 = arith.constant 192 : index
    %swap3A_758 = tpu.vector_load %arg7[%swap3A_757] {strides = array<i32>} : memref<288xi32, #tpu.memory_space<vmem>>, vector<16xi32>,
    %swap3A_759 = vector.shape_cast %swap3A_758 : vector<16xi32> to vector<16xi32>
    %swap3A_760 = vector.shape_cast %min3A_756 : vector<16xi32> to vector<16xi32>
    tpu.vector_store %arg7[%swap3A_757], %swap3A_760 {strides = array<i32>} : memref<288xi32, #tpu.memory_space<vmem>>, vector<16xi32>,
    %add3A_761 = arith.constant 16 : i32
    %add3A_762 = arith.addi %mul3A_743, %add3A_761 : i32
    %get3A_763 = arith.index_cast %add3A_762 : i32 to index
    %get3A_764 = tpu.vector_load %arg6[%get3A_763] {strides = array<i32>} : memref<2048xi32, #tpu.memory_space<vmem>>, vector<16xi32>,
    %get3A_765 = vector.shape_cast %get3A_764 : vector<16xi32> to vector<16xi32>
    %add3A_766 = vector.broadcast %add3A_697 : i32 to vector<16xi32>
    %add3A_767 = arith.addi %get3A_765, %add3A_766 : vector<16xi32>
    %min3A_768 = arith.constant 9215 : i32
    %min3A_769 = vector.broadcast %min3A_768 : i32 to vector<16xi32>
    %min3A_770 = arith.minsi %add3A_767, %min3A_769 : vector<16xi32>
    %swap3A_771 = arith.constant 208 : index
    %swap3A_772 = tpu.vector_load %arg7[%swap3A_771] {strides = array<i32>} : memref<288xi32, #tpu.memory_space<vmem>>, vector<16xi32>,
    %swap3A_773 = vector.shape_cast %swap3A_772 : vector<16xi32> to vector<16xi32>
    %swap3A_774 = vector.shape_cast %min3A_770 : vector<16xi32> to vector<16xi32>
    tpu.vector_store %arg7[%swap3A_771], %swap3A_774 {strides = array<i32>} : memref<288xi32, #tpu.memory_space<vmem>>, vector<16xi32>,
    %mul3A_775 = arith.constant 9 : i32
    %mul3A_776 = arith.muli %mul3A_775, %add3A : i32
    %add3A_777 = arith.constant 7 : i32
    %add3A_778 = arith.addi %mul3A_776, %add3A_777 : i32
    %ge3A_779 = arith.constant 64 : i32
    %ge3A_780 = arith.cmpi sge, %add3A_778, %ge3A_779 : i32
    %convert_element_type3A_781 = arith.extui %ge3A_780 : i1 to i32
    %add3A_782 = arith.constant 0 : i32
    %add3A_783 = arith.addi %add3A_782, %convert_element_type3A_781 : i32
    %ge3A_784 = arith.constant 120 : i32
    %ge3A_785 = arith.cmpi sge, %add3A_778, %ge3A_784 : i32
    %convert_element_type3A_786 = arith.extui %ge3A_785 : i1 to i32
    %add3A_787 = arith.addi %add3A_783, %convert_element_type3A_786 : i32
    %ge3A_788 = arith.constant 168 : i32
    %ge3A_789 = arith.cmpi sge, %add3A_778, %ge3A_788 : i32
    %convert_element_type3A_790 = arith.extui %ge3A_789 : i1 to i32
    %add3A_791 = arith.addi %add3A_787, %convert_element_type3A_790 : i32
    %ge3A_792 = arith.constant 208 : i32
    %ge3A_793 = arith.cmpi sge, %add3A_778, %ge3A_792 : i32
    %convert_element_type3A_794 = arith.extui %ge3A_793 : i1 to i32
    %add3A_795 = arith.addi %add3A_791, %convert_element_type3A_794 : i32
    %ge3A_796 = arith.constant 240 : i32
    %ge3A_797 = arith.cmpi sge, %add3A_778, %ge3A_796 : i32
    %convert_element_type3A_798 = arith.extui %ge3A_797 : i1 to i32
    %add3A_799 = arith.addi %add3A_795, %convert_element_type3A_798 : i32
    %ge3A_800 = arith.constant 264 : i32
    %ge3A_801 = arith.cmpi sge, %add3A_778, %ge3A_800 : i32
    %convert_element_type3A_802 = arith.extui %ge3A_801 : i1 to i32
    %add3A_803 = arith.addi %add3A_799, %convert_element_type3A_802 : i32
    %ge3A_804 = arith.constant 280 : i32
    %ge3A_805 = arith.cmpi sge, %add3A_778, %ge3A_804 : i32
    %convert_element_type3A_806 = arith.extui %ge3A_805 : i1 to i32
    %add3A_807 = arith.addi %add3A_803, %convert_element_type3A_806 : i32
    %ge3A_808 = arith.constant 64 : i32
    %ge3A_809 = arith.cmpi sge, %add3A_778, %ge3A_808 : i32
    %jit3A_810 = arith.constant 64 : i32
    %jit3A_811 = arith.constant 0 : i32
    %select_n3A_812 = arith.select %ge3A_809, %jit3A_810, %jit3A_811 : i32
    %add3A_813 = arith.constant 0 : i32
    %add3A_814 = arith.addi %add3A_813, %select_n3A_812 : i32
    %ge3A_815 = arith.constant 120 : i32
    %ge3A_816 = arith.cmpi sge, %add3A_778, %ge3A_815 : i32
    %jit3A_817 = arith.constant 56 : i32
    %jit3A_818 = arith.constant 0 : i32
    %select_n3A_819 = arith.select %ge3A_816, %jit3A_817, %jit3A_818 : i32
    %add3A_820 = arith.addi %add3A_814, %select_n3A_819 : i32
    %ge3A_821 = arith.constant 168 : i32
    %ge3A_822 = arith.cmpi sge, %add3A_778, %ge3A_821 : i32
    %jit3A_823 = arith.constant 48 : i32
    %jit3A_824 = arith.constant 0 : i32
    %select_n3A_825 = arith.select %ge3A_822, %jit3A_823, %jit3A_824 : i32
    %add3A_826 = arith.addi %add3A_820, %select_n3A_825 : i32
    %ge3A_827 = arith.constant 208 : i32
    %ge3A_828 = arith.cmpi sge, %add3A_778, %ge3A_827 : i32
    %jit3A_829 = arith.constant 40 : i32
    %jit3A_830 = arith.constant 0 : i32
    %select_n3A_831 = arith.select %ge3A_828, %jit3A_829, %jit3A_830 : i32
    %add3A_832 = arith.addi %add3A_826, %select_n3A_831 : i32
    %ge3A_833 = arith.constant 240 : i32
    %ge3A_834 = arith.cmpi sge, %add3A_778, %ge3A_833 : i32
    %jit3A_835 = arith.constant 32 : i32
    %jit3A_836 = arith.constant 0 : i32
    %select_n3A_837 = arith.select %ge3A_834, %jit3A_835, %jit3A_836 : i32
    %add3A_838 = arith.addi %add3A_832, %select_n3A_837 : i32
    %ge3A_839 = arith.constant 264 : i32
    %ge3A_840 = arith.cmpi sge, %add3A_778, %ge3A_839 : i32
    %jit3A_841 = arith.constant 24 : i32
    %jit3A_842 = arith.constant 0 : i32
    %select_n3A_843 = arith.select %ge3A_840, %jit3A_841, %jit3A_842 : i32
    %add3A_844 = arith.addi %add3A_838, %select_n3A_843 : i32
    %ge3A_845 = arith.constant 280 : i32
    %ge3A_846 = arith.cmpi sge, %add3A_778, %ge3A_845 : i32
    %jit3A_847 = arith.constant 16 : i32
    %jit3A_848 = arith.constant 0 : i32
    %select_n3A_849 = arith.select %ge3A_846, %jit3A_847, %jit3A_848 : i32
    %add3A_850 = arith.addi %add3A_844, %select_n3A_849 : i32
    %sub3A_851 = arith.subi %add3A_778, %add3A_850 : i32
    %mul3A_852 = arith.constant 32 : i32
    %mul3A_853 = arith.muli %sub3A_851, %mul3A_852 : i32
    %mul3A_854 = arith.constant 2048 : i32
    %mul3A_855 = arith.muli %add3A_807, %mul3A_854 : i32
    %add3A_856 = arith.addi %mul3A_855, %mul3A_853 : i32
    %add3A_857 = arith.constant 0 : i32
    %add3A_858 = arith.addi %mul3A_853, %add3A_857 : i32
    %get3A_859 = arith.index_cast %add3A_858 : i32 to index
    %get3A_860 = tpu.vector_load %arg6[%get3A_859] {strides = array<i32>} : memref<2048xi32, #tpu.memory_space<vmem>>, vector<16xi32>,
    %get3A_861 = vector.shape_cast %get3A_860 : vector<16xi32> to vector<16xi32>
    %add3A_862 = vector.broadcast %add3A_807 : i32 to vector<16xi32>
    %add3A_863 = arith.addi %get3A_861, %add3A_862 : vector<16xi32>
    %min3A_864 = arith.constant 9215 : i32
    %min3A_865 = vector.broadcast %min3A_864 : i32 to vector<16xi32>
    %min3A_866 = arith.minsi %add3A_863, %min3A_865 : vector<16xi32>
    %swap3A_867 = arith.constant 224 : index
    %swap3A_868 = tpu.vector_load %arg7[%swap3A_867] {strides = array<i32>} : memref<288xi32, #tpu.memory_space<vmem>>, vector<16xi32>,
    %swap3A_869 = vector.shape_cast %swap3A_868 : vector<16xi32> to vector<16xi32>
    %swap3A_870 = vector.shape_cast %min3A_866 : vector<16xi32> to vector<16xi32>
    tpu.vector_store %arg7[%swap3A_867], %swap3A_870 {strides = array<i32>} : memref<288xi32, #tpu.memory_space<vmem>>, vector<16xi32>,
    %add3A_871 = arith.constant 16 : i32
    %add3A_872 = arith.addi %mul3A_853, %add3A_871 : i32
    %get3A_873 = arith.index_cast %add3A_872 : i32 to index
    %get3A_874 = tpu.vector_load %arg6[%get3A_873] {strides = array<i32>} : memref<2048xi32, #tpu.memory_space<vmem>>, vector<16xi32>,
    %get3A_875 = vector.shape_cast %get3A_874 : vector<16xi32> to vector<16xi32>
    %add3A_876 = vector.broadcast %add3A_807 : i32 to vector<16xi32>
    %add3A_877 = arith.addi %get3A_875, %add3A_876 : vector<16xi32>
    %min3A_878 = arith.constant 9215 : i32
    %min3A_879 = vector.broadcast %min3A_878 : i32 to vector<16xi32>
    %min3A_880 = arith.minsi %add3A_877, %min3A_879 : vector<16xi32>
    %swap3A_881 = arith.constant 240 : index
    %swap3A_882 = tpu.vector_load %arg7[%swap3A_881] {strides = array<i32>} : memref<288xi32, #tpu.memory_space<vmem>>, vector<16xi32>,
    %swap3A_883 = vector.shape_cast %swap3A_882 : vector<16xi32> to vector<16xi32>
    %swap3A_884 = vector.shape_cast %min3A_880 : vector<16xi32> to vector<16xi32>
    tpu.vector_store %arg7[%swap3A_881], %swap3A_884 {strides = array<i32>} : memref<288xi32, #tpu.memory_space<vmem>>, vector<16xi32>,
    %mul3A_885 = arith.constant 9 : i32
    %mul3A_886 = arith.muli %mul3A_885, %add3A : i32
    %add3A_887 = arith.constant 8 : i32
    %add3A_888 = arith.addi %mul3A_886, %add3A_887 : i32
    %ge3A_889 = arith.constant 64 : i32
    %ge3A_890 = arith.cmpi sge, %add3A_888, %ge3A_889 : i32
    %convert_element_type3A_891 = arith.extui %ge3A_890 : i1 to i32
    %add3A_892 = arith.constant 0 : i32
    %add3A_893 = arith.addi %add3A_892, %convert_element_type3A_891 : i32
    %ge3A_894 = arith.constant 120 : i32
    %ge3A_895 = arith.cmpi sge, %add3A_888, %ge3A_894 : i32
    %convert_element_type3A_896 = arith.extui %ge3A_895 : i1 to i32
    %add3A_897 = arith.addi %add3A_893, %convert_element_type3A_896 : i32
    %ge3A_898 = arith.constant 168 : i32
    %ge3A_899 = arith.cmpi sge, %add3A_888, %ge3A_898 : i32
    %convert_element_type3A_900 = arith.extui %ge3A_899 : i1 to i32
    %add3A_901 = arith.addi %add3A_897, %convert_element_type3A_900 : i32
    %ge3A_902 = arith.constant 208 : i32
    %ge3A_903 = arith.cmpi sge, %add3A_888, %ge3A_902 : i32
    %convert_element_type3A_904 = arith.extui %ge3A_903 : i1 to i32
    %add3A_905 = arith.addi %add3A_901, %convert_element_type3A_904 : i32
    %ge3A_906 = arith.constant 240 : i32
    %ge3A_907 = arith.cmpi sge, %add3A_888, %ge3A_906 : i32
    %convert_element_type3A_908 = arith.extui %ge3A_907 : i1 to i32
    %add3A_909 = arith.addi %add3A_905, %convert_element_type3A_908 : i32
    %ge3A_910 = arith.constant 264 : i32
    %ge3A_911 = arith.cmpi sge, %add3A_888, %ge3A_910 : i32
    %convert_element_type3A_912 = arith.extui %ge3A_911 : i1 to i32
    %add3A_913 = arith.addi %add3A_909, %convert_element_type3A_912 : i32
    %ge3A_914 = arith.constant 280 : i32
    %ge3A_915 = arith.cmpi sge, %add3A_888, %ge3A_914 : i32
    %convert_element_type3A_916 = arith.extui %ge3A_915 : i1 to i32
    %add3A_917 = arith.addi %add3A_913, %convert_element_type3A_916 : i32
    %ge3A_918 = arith.constant 64 : i32
    %ge3A_919 = arith.cmpi sge, %add3A_888, %ge3A_918 : i32
    %jit3A_920 = arith.constant 64 : i32
    %jit3A_921 = arith.constant 0 : i32
    %select_n3A_922 = arith.select %ge3A_919, %jit3A_920, %jit3A_921 : i32
    %add3A_923 = arith.constant 0 : i32
    %add3A_924 = arith.addi %add3A_923, %select_n3A_922 : i32
    %ge3A_925 = arith.constant 120 : i32
    %ge3A_926 = arith.cmpi sge, %add3A_888, %ge3A_925 : i32
    %jit3A_927 = arith.constant 56 : i32
    %jit3A_928 = arith.constant 0 : i32
    %select_n3A_929 = arith.select %ge3A_926, %jit3A_927, %jit3A_928 : i32
    %add3A_930 = arith.addi %add3A_924, %select_n3A_929 : i32
    %ge3A_931 = arith.constant 168 : i32
    %ge3A_932 = arith.cmpi sge, %add3A_888, %ge3A_931 : i32
    %jit3A_933 = arith.constant 48 : i32
    %jit3A_934 = arith.constant 0 : i32
    %select_n3A_935 = arith.select %ge3A_932, %jit3A_933, %jit3A_934 : i32
    %add3A_936 = arith.addi %add3A_930, %select_n3A_935 : i32
    %ge3A_937 = arith.constant 208 : i32
    %ge3A_938 = arith.cmpi sge, %add3A_888, %ge3A_937 : i32
    %jit3A_939 = arith.constant 40 : i32
    %jit3A_940 = arith.constant 0 : i32
    %select_n3A_941 = arith.select %ge3A_938, %jit3A_939, %jit3A_940 : i32
    %add3A_942 = arith.addi %add3A_936, %select_n3A_941 : i32
    %ge3A_943 = arith.constant 240 : i32
    %ge3A_944 = arith.cmpi sge, %add3A_888, %ge3A_943 : i32
    %jit3A_945 = arith.constant 32 : i32
    %jit3A_946 = arith.constant 0 : i32
    %select_n3A_947 = arith.select %ge3A_944, %jit3A_945, %jit3A_946 : i32
    %add3A_948 = arith.addi %add3A_942, %select_n3A_947 : i32
    %ge3A_949 = arith.constant 264 : i32
    %ge3A_950 = arith.cmpi sge, %add3A_888, %ge3A_949 : i32
    %jit3A_951 = arith.constant 24 : i32
    %jit3A_952 = arith.constant 0 : i32
    %select_n3A_953 = arith.select %ge3A_950, %jit3A_951, %jit3A_952 : i32
    %add3A_954 = arith.addi %add3A_948, %select_n3A_953 : i32
    %ge3A_955 = arith.constant 280 : i32
    %ge3A_956 = arith.cmpi sge, %add3A_888, %ge3A_955 : i32
    %jit3A_957 = arith.constant 16 : i32
    %jit3A_958 = arith.constant 0 : i32
    %select_n3A_959 = arith.select %ge3A_956, %jit3A_957, %jit3A_958 : i32
    %add3A_960 = arith.addi %add3A_954, %select_n3A_959 : i32
    %sub3A_961 = arith.subi %add3A_888, %add3A_960 : i32
    %mul3A_962 = arith.constant 32 : i32
    %mul3A_963 = arith.muli %sub3A_961, %mul3A_962 : i32
    %mul3A_964 = arith.constant 2048 : i32
    %mul3A_965 = arith.muli %add3A_917, %mul3A_964 : i32
    %add3A_966 = arith.addi %mul3A_965, %mul3A_963 : i32
    %add3A_967 = arith.constant 0 : i32
    %add3A_968 = arith.addi %mul3A_963, %add3A_967 : i32
    %get3A_969 = arith.index_cast %add3A_968 : i32 to index
    %get3A_970 = tpu.vector_load %arg6[%get3A_969] {strides = array<i32>} : memref<2048xi32, #tpu.memory_space<vmem>>, vector<16xi32>,
    %get3A_971 = vector.shape_cast %get3A_970 : vector<16xi32> to vector<16xi32>
    %add3A_972 = vector.broadcast %add3A_917 : i32 to vector<16xi32>
    %add3A_973 = arith.addi %get3A_971, %add3A_972 : vector<16xi32>
    %min3A_974 = arith.constant 9215 : i32
    %min3A_975 = vector.broadcast %min3A_974 : i32 to vector<16xi32>
    %min3A_976 = arith.minsi %add3A_973, %min3A_975 : vector<16xi32>
    %swap3A_977 = arith.constant 256 : index
    %swap3A_978 = tpu.vector_load %arg7[%swap3A_977] {strides = array<i32>} : memref<288xi32, #tpu.memory_space<vmem>>, vector<16xi32>,
    %swap3A_979 = vector.shape_cast %swap3A_978 : vector<16xi32> to vector<16xi32>
    %swap3A_980 = vector.shape_cast %min3A_976 : vector<16xi32> to vector<16xi32>
    tpu.vector_store %arg7[%swap3A_977], %swap3A_980 {strides = array<i32>} : memref<288xi32, #tpu.memory_space<vmem>>, vector<16xi32>,
    %add3A_981 = arith.constant 16 : i32
    %add3A_982 = arith.addi %mul3A_963, %add3A_981 : i32
    %get3A_983 = arith.index_cast %add3A_982 : i32 to index
    %get3A_984 = tpu.vector_load %arg6[%get3A_983] {strides = array<i32>} : memref<2048xi32, #tpu.memory_space<vmem>>, vector<16xi32>,
    %get3A_985 = vector.shape_cast %get3A_984 : vector<16xi32> to vector<16xi32>
    %add3A_986 = vector.broadcast %add3A_917 : i32 to vector<16xi32>
    %add3A_987 = arith.addi %get3A_985, %add3A_986 : vector<16xi32>
    %min3A_988 = arith.constant 9215 : i32
    %min3A_989 = vector.broadcast %min3A_988 : i32 to vector<16xi32>
    %min3A_990 = arith.minsi %add3A_987, %min3A_989 : vector<16xi32>
    %swap3A_991 = arith.constant 272 : index
    %swap3A_992 = tpu.vector_load %arg7[%swap3A_991] {strides = array<i32>} : memref<288xi32, #tpu.memory_space<vmem>>, vector<16xi32>,
    %swap3A_993 = vector.shape_cast %swap3A_992 : vector<16xi32> to vector<16xi32>
    %swap3A_994 = vector.shape_cast %min3A_990 : vector<16xi32> to vector<16xi32>
    tpu.vector_store %arg7[%swap3A_991], %swap3A_994 {strides = array<i32>} : memref<288xi32, #tpu.memory_space<vmem>>, vector<16xi32>,
    %scan3A = arith.constant 0 : i32
    %scan3A_995 = arith.constant 0 : i32
    %scan3A_996 = arith.constant 8 : i32
    %scan3A_997 = arith.addi %scan3A_995, %scan3A_996 : i32
    %scan3A_998 = arith.constant 1 : i32
    scf.for %scan3A_1318 = %scan3A_995 to %scan3A_997 step %scan3A_998  : i32 {
      %broadcast_in_dim3A = arith.constant 0.000000e+00 : f32
      %broadcast_in_dim3A_1319 = vector.broadcast %broadcast_in_dim3A : f32 to vector<16xf32>
      %swap3A_1320 = arith.index_cast %scan3A_1318 : i32 to index
      %swap3A_1321 = arith.constant 0 : index
      %swap3A_1322 = tpu.vector_load %arg11[%swap3A_1320, %swap3A_1321] {strides = array<i32>} : memref<8x1024xf32, #tpu.memory_space<vmem>>, vector<1x16xf32>,
      %swap3A_1323 = vector.shape_cast %swap3A_1322 : vector<1x16xf32> to vector<16xf32>
      %swap3A_1324 = vector.shape_cast %broadcast_in_dim3A_1319 : vector<16xf32> to vector<1x16xf32>
      tpu.vector_store %arg11[%swap3A_1320, %swap3A_1321], %swap3A_1324 {strides = array<i32>} : memref<8x1024xf32, #tpu.memory_space<vmem>>, vector<1x16xf32>,
      %broadcast_in_dim3A_1325 = arith.constant 0.000000e+00 : f32
      %broadcast_in_dim3A_1326 = vector.broadcast %broadcast_in_dim3A_1325 : f32 to vector<16xf32>
      %swap3A_1327 = arith.index_cast %scan3A_1318 : i32 to index
      %swap3A_1328 = arith.constant 16 : index
      %swap3A_1329 = tpu.vector_load %arg11[%swap3A_1327, %swap3A_1328] {strides = array<i32>} : memref<8x1024xf32, #tpu.memory_space<vmem>>, vector<1x16xf32>,
      %swap3A_1330 = vector.shape_cast %swap3A_1329 : vector<1x16xf32> to vector<16xf32>
      %swap3A_1331 = vector.shape_cast %broadcast_in_dim3A_1326 : vector<16xf32> to vector<1x16xf32>
      tpu.vector_store %arg11[%swap3A_1327, %swap3A_1328], %swap3A_1331 {strides = array<i32>} : memref<8x1024xf32, #tpu.memory_space<vmem>>, vector<1x16xf32>,
      %broadcast_in_dim3A_1332 = arith.constant 0.000000e+00 : f32
      %broadcast_in_dim3A_1333 = vector.broadcast %broadcast_in_dim3A_1332 : f32 to vector<16xf32>
      %swap3A_1334 = arith.index_cast %scan3A_1318 : i32 to index
      %swap3A_1335 = arith.constant 32 : index
      %swap3A_1336 = tpu.vector_load %arg11[%swap3A_1334, %swap3A_1335] {strides = array<i32>} : memref<8x1024xf32, #tpu.memory_space<vmem>>, vector<1x16xf32>,
      %swap3A_1337 = vector.shape_cast %swap3A_1336 : vector<1x16xf32> to vector<16xf32>
      %swap3A_1338 = vector.shape_cast %broadcast_in_dim3A_1333 : vector<16xf32> to vector<1x16xf32>
      tpu.vector_store %arg11[%swap3A_1334, %swap3A_1335], %swap3A_1338 {strides = array<i32>} : memref<8x1024xf32, #tpu.memory_space<vmem>>, vector<1x16xf32>,
      %broadcast_in_dim3A_1339 = arith.constant 0.000000e+00 : f32
      %broadcast_in_dim3A_1340 = vector.broadcast %broadcast_in_dim3A_1339 : f32 to vector<16xf32>
      %swap3A_1341 = arith.index_cast %scan3A_1318 : i32 to index
      %swap3A_1342 = arith.constant 48 : index
      %swap3A_1343 = tpu.vector_load %arg11[%swap3A_1341, %swap3A_1342] {strides = array<i32>} : memref<8x1024xf32, #tpu.memory_space<vmem>>, vector<1x16xf32>,
      %swap3A_1344 = vector.shape_cast %swap3A_1343 : vector<1x16xf32> to vector<16xf32>
      %swap3A_1345 = vector.shape_cast %broadcast_in_dim3A_1340 : vector<16xf32> to vector<1x16xf32>
      tpu.vector_store %arg11[%swap3A_1341, %swap3A_1342], %swap3A_1345 {strides = array<i32>} : memref<8x1024xf32, #tpu.memory_space<vmem>>, vector<1x16xf32>,
      %broadcast_in_dim3A_1346 = arith.constant 0.000000e+00 : f32
      %broadcast_in_dim3A_1347 = vector.broadcast %broadcast_in_dim3A_1346 : f32 to vector<16xf32>
      %swap3A_1348 = arith.index_cast %scan3A_1318 : i32 to index
      %swap3A_1349 = arith.constant 64 : index
      %swap3A_1350 = tpu.vector_load %arg11[%swap3A_1348, %swap3A_1349] {strides = array<i32>} : memref<8x1024xf32, #tpu.memory_space<vmem>>, vector<1x16xf32>,
      %swap3A_1351 = vector.shape_cast %swap3A_1350 : vector<1x16xf32> to vector<16xf32>
      %swap3A_1352 = vector.shape_cast %broadcast_in_dim3A_1347 : vector<16xf32> to vector<1x16xf32>
      tpu.vector_store %arg11[%swap3A_1348, %swap3A_1349], %swap3A_1352 {strides = array<i32>} : memref<8x1024xf32, #tpu.memory_space<vmem>>, vector<1x16xf32>,
      %broadcast_in_dim3A_1353 = arith.constant 0.000000e+00 : f32
      %broadcast_in_dim3A_1354 = vector.broadcast %broadcast_in_dim3A_1353 : f32 to vector<16xf32>
      %swap3A_1355 = arith.index_cast %scan3A_1318 : i32 to index
      %swap3A_1356 = arith.constant 80 : index
      %swap3A_1357 = tpu.vector_load %arg11[%swap3A_1355, %swap3A_1356] {strides = array<i32>} : memref<8x1024xf32, #tpu.memory_space<vmem>>, vector<1x16xf32>,
      %swap3A_1358 = vector.shape_cast %swap3A_1357 : vector<1x16xf32> to vector<16xf32>
      %swap3A_1359 = vector.shape_cast %broadcast_in_dim3A_1354 : vector<16xf32> to vector<1x16xf32>
      tpu.vector_store %arg11[%swap3A_1355, %swap3A_1356], %swap3A_1359 {strides = array<i32>} : memref<8x1024xf32, #tpu.memory_space<vmem>>, vector<1x16xf32>,
      %broadcast_in_dim3A_1360 = arith.constant 0.000000e+00 : f32
      %broadcast_in_dim3A_1361 = vector.broadcast %broadcast_in_dim3A_1360 : f32 to vector<16xf32>
      %swap3A_1362 = arith.index_cast %scan3A_1318 : i32 to index
      %swap3A_1363 = arith.constant 96 : index
      %swap3A_1364 = tpu.vector_load %arg11[%swap3A_1362, %swap3A_1363] {strides = array<i32>} : memref<8x1024xf32, #tpu.memory_space<vmem>>, vector<1x16xf32>,
      %swap3A_1365 = vector.shape_cast %swap3A_1364 : vector<1x16xf32> to vector<16xf32>
      %swap3A_1366 = vector.shape_cast %broadcast_in_dim3A_1361 : vector<16xf32> to vector<1x16xf32>
      tpu.vector_store %arg11[%swap3A_1362, %swap3A_1363], %swap3A_1366 {strides = array<i32>} : memref<8x1024xf32, #tpu.memory_space<vmem>>, vector<1x16xf32>,
      %broadcast_in_dim3A_1367 = arith.constant 0.000000e+00 : f32
      %broadcast_in_dim3A_1368 = vector.broadcast %broadcast_in_dim3A_1367 : f32 to vector<16xf32>
      %swap3A_1369 = arith.index_cast %scan3A_1318 : i32 to index
      %swap3A_1370 = arith.constant 112 : index
      %swap3A_1371 = tpu.vector_load %arg11[%swap3A_1369, %swap3A_1370] {strides = array<i32>} : memref<8x1024xf32, #tpu.memory_space<vmem>>, vector<1x16xf32>,
      %swap3A_1372 = vector.shape_cast %swap3A_1371 : vector<1x16xf32> to vector<16xf32>
      %swap3A_1373 = vector.shape_cast %broadcast_in_dim3A_1368 : vector<16xf32> to vector<1x16xf32>
      tpu.vector_store %arg11[%swap3A_1369, %swap3A_1370], %swap3A_1373 {strides = array<i32>} : memref<8x1024xf32, #tpu.memory_space<vmem>>, vector<1x16xf32>,
      %broadcast_in_dim3A_1374 = arith.constant 0.000000e+00 : f32
      %broadcast_in_dim3A_1375 = vector.broadcast %broadcast_in_dim3A_1374 : f32 to vector<16xf32>
      %swap3A_1376 = arith.index_cast %scan3A_1318 : i32 to index
      %swap3A_1377 = arith.constant 128 : index
      %swap3A_1378 = tpu.vector_load %arg11[%swap3A_1376, %swap3A_1377] {strides = array<i32>} : memref<8x1024xf32, #tpu.memory_space<vmem>>, vector<1x16xf32>,
      %swap3A_1379 = vector.shape_cast %swap3A_1378 : vector<1x16xf32> to vector<16xf32>
      %swap3A_1380 = vector.shape_cast %broadcast_in_dim3A_1375 : vector<16xf32> to vector<1x16xf32>
      tpu.vector_store %arg11[%swap3A_1376, %swap3A_1377], %swap3A_1380 {strides = array<i32>} : memref<8x1024xf32, #tpu.memory_space<vmem>>, vector<1x16xf32>,
      %broadcast_in_dim3A_1381 = arith.constant 0.000000e+00 : f32
      %broadcast_in_dim3A_1382 = vector.broadcast %broadcast_in_dim3A_1381 : f32 to vector<16xf32>
      %swap3A_1383 = arith.index_cast %scan3A_1318 : i32 to index
      %swap3A_1384 = arith.constant 144 : index
      %swap3A_1385 = tpu.vector_load %arg11[%swap3A_1383, %swap3A_1384] {strides = array<i32>} : memref<8x1024xf32, #tpu.memory_space<vmem>>, vector<1x16xf32>,
      %swap3A_1386 = vector.shape_cast %swap3A_1385 : vector<1x16xf32> to vector<16xf32>
      %swap3A_1387 = vector.shape_cast %broadcast_in_dim3A_1382 : vector<16xf32> to vector<1x16xf32>
      tpu.vector_store %arg11[%swap3A_1383, %swap3A_1384], %swap3A_1387 {strides = array<i32>} : memref<8x1024xf32, #tpu.memory_space<vmem>>, vector<1x16xf32>,
      %broadcast_in_dim3A_1388 = arith.constant 0.000000e+00 : f32
      %broadcast_in_dim3A_1389 = vector.broadcast %broadcast_in_dim3A_1388 : f32 to vector<16xf32>
      %swap3A_1390 = arith.index_cast %scan3A_1318 : i32 to index
      %swap3A_1391 = arith.constant 160 : index
      %swap3A_1392 = tpu.vector_load %arg11[%swap3A_1390, %swap3A_1391] {strides = array<i32>} : memref<8x1024xf32, #tpu.memory_space<vmem>>, vector<1x16xf32>,
      %swap3A_1393 = vector.shape_cast %swap3A_1392 : vector<1x16xf32> to vector<16xf32>
      %swap3A_1394 = vector.shape_cast %broadcast_in_dim3A_1389 : vector<16xf32> to vector<1x16xf32>
      tpu.vector_store %arg11[%swap3A_1390, %swap3A_1391], %swap3A_1394 {strides = array<i32>} : memref<8x1024xf32, #tpu.memory_space<vmem>>, vector<1x16xf32>,
      %broadcast_in_dim3A_1395 = arith.constant 0.000000e+00 : f32
      %broadcast_in_dim3A_1396 = vector.broadcast %broadcast_in_dim3A_1395 : f32 to vector<16xf32>
      %swap3A_1397 = arith.index_cast %scan3A_1318 : i32 to index
      %swap3A_1398 = arith.constant 176 : index
      %swap3A_1399 = tpu.vector_load %arg11[%swap3A_1397, %swap3A_1398] {strides = array<i32>} : memref<8x1024xf32, #tpu.memory_space<vmem>>, vector<1x16xf32>,
      %swap3A_1400 = vector.shape_cast %swap3A_1399 : vector<1x16xf32> to vector<16xf32>
      %swap3A_1401 = vector.shape_cast %broadcast_in_dim3A_1396 : vector<16xf32> to vector<1x16xf32>
      tpu.vector_store %arg11[%swap3A_1397, %swap3A_1398], %swap3A_1401 {strides = array<i32>} : memref<8x1024xf32, #tpu.memory_space<vmem>>, vector<1x16xf32>,
      %broadcast_in_dim3A_1402 = arith.constant 0.000000e+00 : f32
      %broadcast_in_dim3A_1403 = vector.broadcast %broadcast_in_dim3A_1402 : f32 to vector<16xf32>
      %swap3A_1404 = arith.index_cast %scan3A_1318 : i32 to index
      %swap3A_1405 = arith.constant 192 : index
      %swap3A_1406 = tpu.vector_load %arg11[%swap3A_1404, %swap3A_1405] {strides = array<i32>} : memref<8x1024xf32, #tpu.memory_space<vmem>>, vector<1x16xf32>,
      %swap3A_1407 = vector.shape_cast %swap3A_1406 : vector<1x16xf32> to vector<16xf32>
      %swap3A_1408 = vector.shape_cast %broadcast_in_dim3A_1403 : vector<16xf32> to vector<1x16xf32>
      tpu.vector_store %arg11[%swap3A_1404, %swap3A_1405], %swap3A_1408 {strides = array<i32>} : memref<8x1024xf32, #tpu.memory_space<vmem>>, vector<1x16xf32>,
      %broadcast_in_dim3A_1409 = arith.constant 0.000000e+00 : f32
      %broadcast_in_dim3A_1410 = vector.broadcast %broadcast_in_dim3A_1409 : f32 to vector<16xf32>
      %swap3A_1411 = arith.index_cast %scan3A_1318 : i32 to index
      %swap3A_1412 = arith.constant 208 : index
      %swap3A_1413 = tpu.vector_load %arg11[%swap3A_1411, %swap3A_1412] {strides = array<i32>} : memref<8x1024xf32, #tpu.memory_space<vmem>>, vector<1x16xf32>,
      %swap3A_1414 = vector.shape_cast %swap3A_1413 : vector<1x16xf32> to vector<16xf32>
      %swap3A_1415 = vector.shape_cast %broadcast_in_dim3A_1410 : vector<16xf32> to vector<1x16xf32>
      tpu.vector_store %arg11[%swap3A_1411, %swap3A_1412], %swap3A_1415 {strides = array<i32>} : memref<8x1024xf32, #tpu.memory_space<vmem>>, vector<1x16xf32>,
      %broadcast_in_dim3A_1416 = arith.constant 0.000000e+00 : f32
      %broadcast_in_dim3A_1417 = vector.broadcast %broadcast_in_dim3A_1416 : f32 to vector<16xf32>
      %swap3A_1418 = arith.index_cast %scan3A_1318 : i32 to index
      %swap3A_1419 = arith.constant 224 : index
      %swap3A_1420 = tpu.vector_load %arg11[%swap3A_1418, %swap3A_1419] {strides = array<i32>} : memref<8x1024xf32, #tpu.memory_space<vmem>>, vector<1x16xf32>,
      %swap3A_1421 = vector.shape_cast %swap3A_1420 : vector<1x16xf32> to vector<16xf32>
      %swap3A_1422 = vector.shape_cast %broadcast_in_dim3A_1417 : vector<16xf32> to vector<1x16xf32>
      tpu.vector_store %arg11[%swap3A_1418, %swap3A_1419], %swap3A_1422 {strides = array<i32>} : memref<8x1024xf32, #tpu.memory_space<vmem>>, vector<1x16xf32>,
      %broadcast_in_dim3A_1423 = arith.constant 0.000000e+00 : f32
      %broadcast_in_dim3A_1424 = vector.broadcast %broadcast_in_dim3A_1423 : f32 to vector<16xf32>
      %swap3A_1425 = arith.index_cast %scan3A_1318 : i32 to index
      %swap3A_1426 = arith.constant 240 : index
      %swap3A_1427 = tpu.vector_load %arg11[%swap3A_1425, %swap3A_1426] {strides = array<i32>} : memref<8x1024xf32, #tpu.memory_space<vmem>>, vector<1x16xf32>,
      %swap3A_1428 = vector.shape_cast %swap3A_1427 : vector<1x16xf32> to vector<16xf32>
      %swap3A_1429 = vector.shape_cast %broadcast_in_dim3A_1424 : vector<16xf32> to vector<1x16xf32>
      tpu.vector_store %arg11[%swap3A_1425, %swap3A_1426], %swap3A_1429 {strides = array<i32>} : memref<8x1024xf32, #tpu.memory_space<vmem>>, vector<1x16xf32>,
      %broadcast_in_dim3A_1430 = arith.constant 0.000000e+00 : f32
      %broadcast_in_dim3A_1431 = vector.broadcast %broadcast_in_dim3A_1430 : f32 to vector<16xf32>
      %swap3A_1432 = arith.index_cast %scan3A_1318 : i32 to index
      %swap3A_1433 = arith.constant 256 : index
      %swap3A_1434 = tpu.vector_load %arg11[%swap3A_1432, %swap3A_1433] {strides = array<i32>} : memref<8x1024xf32, #tpu.memory_space<vmem>>, vector<1x16xf32>,
      %swap3A_1435 = vector.shape_cast %swap3A_1434 : vector<1x16xf32> to vector<16xf32>
      %swap3A_1436 = vector.shape_cast %broadcast_in_dim3A_1431 : vector<16xf32> to vector<1x16xf32>
      tpu.vector_store %arg11[%swap3A_1432, %swap3A_1433], %swap3A_1436 {strides = array<i32>} : memref<8x1024xf32, #tpu.memory_space<vmem>>, vector<1x16xf32>,
      %broadcast_in_dim3A_1437 = arith.constant 0.000000e+00 : f32
      %broadcast_in_dim3A_1438 = vector.broadcast %broadcast_in_dim3A_1437 : f32 to vector<16xf32>
      %swap3A_1439 = arith.index_cast %scan3A_1318 : i32 to index
      %swap3A_1440 = arith.constant 272 : index
      %swap3A_1441 = tpu.vector_load %arg11[%swap3A_1439, %swap3A_1440] {strides = array<i32>} : memref<8x1024xf32, #tpu.memory_space<vmem>>, vector<1x16xf32>,
      %swap3A_1442 = vector.shape_cast %swap3A_1441 : vector<1x16xf32> to vector<16xf32>
      %swap3A_1443 = vector.shape_cast %broadcast_in_dim3A_1438 : vector<16xf32> to vector<1x16xf32>
      tpu.vector_store %arg11[%swap3A_1439, %swap3A_1440], %swap3A_1443 {strides = array<i32>} : memref<8x1024xf32, #tpu.memory_space<vmem>>, vector<1x16xf32>,
      %broadcast_in_dim3A_1444 = arith.constant 0.000000e+00 : f32
      %broadcast_in_dim3A_1445 = vector.broadcast %broadcast_in_dim3A_1444 : f32 to vector<16xf32>
      %swap3A_1446 = arith.index_cast %scan3A_1318 : i32 to index
      %swap3A_1447 = arith.constant 288 : index
      %swap3A_1448 = tpu.vector_load %arg11[%swap3A_1446, %swap3A_1447] {strides = array<i32>} : memref<8x1024xf32, #tpu.memory_space<vmem>>, vector<1x16xf32>,
      %swap3A_1449 = vector.shape_cast %swap3A_1448 : vector<1x16xf32> to vector<16xf32>
      %swap3A_1450 = vector.shape_cast %broadcast_in_dim3A_1445 : vector<16xf32> to vector<1x16xf32>
      tpu.vector_store %arg11[%swap3A_1446, %swap3A_1447], %swap3A_1450 {strides = array<i32>} : memref<8x1024xf32, #tpu.memory_space<vmem>>, vector<1x16xf32>,
      %broadcast_in_dim3A_1451 = arith.constant 0.000000e+00 : f32
      %broadcast_in_dim3A_1452 = vector.broadcast %broadcast_in_dim3A_1451 : f32 to vector<16xf32>
      %swap3A_1453 = arith.index_cast %scan3A_1318 : i32 to index
      %swap3A_1454 = arith.constant 304 : index
      %swap3A_1455 = tpu.vector_load %arg11[%swap3A_1453, %swap3A_1454] {strides = array<i32>} : memref<8x1024xf32, #tpu.memory_space<vmem>>, vector<1x16xf32>,
      %swap3A_1456 = vector.shape_cast %swap3A_1455 : vector<1x16xf32> to vector<16xf32>
      %swap3A_1457 = vector.shape_cast %broadcast_in_dim3A_1452 : vector<16xf32> to vector<1x16xf32>
      tpu.vector_store %arg11[%swap3A_1453, %swap3A_1454], %swap3A_1457 {strides = array<i32>} : memref<8x1024xf32, #tpu.memory_space<vmem>>, vector<1x16xf32>,
      %broadcast_in_dim3A_1458 = arith.constant 0.000000e+00 : f32
      %broadcast_in_dim3A_1459 = vector.broadcast %broadcast_in_dim3A_1458 : f32 to vector<16xf32>
      %swap3A_1460 = arith.index_cast %scan3A_1318 : i32 to index
      %swap3A_1461 = arith.constant 320 : index
      %swap3A_1462 = tpu.vector_load %arg11[%swap3A_1460, %swap3A_1461] {strides = array<i32>} : memref<8x1024xf32, #tpu.memory_space<vmem>>, vector<1x16xf32>,
      %swap3A_1463 = vector.shape_cast %swap3A_1462 : vector<1x16xf32> to vector<16xf32>
      %swap3A_1464 = vector.shape_cast %broadcast_in_dim3A_1459 : vector<16xf32> to vector<1x16xf32>
      tpu.vector_store %arg11[%swap3A_1460, %swap3A_1461], %swap3A_1464 {strides = array<i32>} : memref<8x1024xf32, #tpu.memory_space<vmem>>, vector<1x16xf32>,
      %broadcast_in_dim3A_1465 = arith.constant 0.000000e+00 : f32
      %broadcast_in_dim3A_1466 = vector.broadcast %broadcast_in_dim3A_1465 : f32 to vector<16xf32>
      %swap3A_1467 = arith.index_cast %scan3A_1318 : i32 to index
      %swap3A_1468 = arith.constant 336 : index
      %swap3A_1469 = tpu.vector_load %arg11[%swap3A_1467, %swap3A_1468] {strides = array<i32>} : memref<8x1024xf32, #tpu.memory_space<vmem>>, vector<1x16xf32>,
      %swap3A_1470 = vector.shape_cast %swap3A_1469 : vector<1x16xf32> to vector<16xf32>
      %swap3A_1471 = vector.shape_cast %broadcast_in_dim3A_1466 : vector<16xf32> to vector<1x16xf32>
      tpu.vector_store %arg11[%swap3A_1467, %swap3A_1468], %swap3A_1471 {strides = array<i32>} : memref<8x1024xf32, #tpu.memory_space<vmem>>, vector<1x16xf32>,
      %broadcast_in_dim3A_1472 = arith.constant 0.000000e+00 : f32
      %broadcast_in_dim3A_1473 = vector.broadcast %broadcast_in_dim3A_1472 : f32 to vector<16xf32>
      %swap3A_1474 = arith.index_cast %scan3A_1318 : i32 to index
      %swap3A_1475 = arith.constant 352 : index
      %swap3A_1476 = tpu.vector_load %arg11[%swap3A_1474, %swap3A_1475] {strides = array<i32>} : memref<8x1024xf32, #tpu.memory_space<vmem>>, vector<1x16xf32>,
      %swap3A_1477 = vector.shape_cast %swap3A_1476 : vector<1x16xf32> to vector<16xf32>
      %swap3A_1478 = vector.shape_cast %broadcast_in_dim3A_1473 : vector<16xf32> to vector<1x16xf32>
      tpu.vector_store %arg11[%swap3A_1474, %swap3A_1475], %swap3A_1478 {strides = array<i32>} : memref<8x1024xf32, #tpu.memory_space<vmem>>, vector<1x16xf32>,
      %broadcast_in_dim3A_1479 = arith.constant 0.000000e+00 : f32
      %broadcast_in_dim3A_1480 = vector.broadcast %broadcast_in_dim3A_1479 : f32 to vector<16xf32>
      %swap3A_1481 = arith.index_cast %scan3A_1318 : i32 to index
      %swap3A_1482 = arith.constant 368 : index
      %swap3A_1483 = tpu.vector_load %arg11[%swap3A_1481, %swap3A_1482] {strides = array<i32>} : memref<8x1024xf32, #tpu.memory_space<vmem>>, vector<1x16xf32>,
      %swap3A_1484 = vector.shape_cast %swap3A_1483 : vector<1x16xf32> to vector<16xf32>
      %swap3A_1485 = vector.shape_cast %broadcast_in_dim3A_1480 : vector<16xf32> to vector<1x16xf32>
      tpu.vector_store %arg11[%swap3A_1481, %swap3A_1482], %swap3A_1485 {strides = array<i32>} : memref<8x1024xf32, #tpu.memory_space<vmem>>, vector<1x16xf32>,
      %broadcast_in_dim3A_1486 = arith.constant 0.000000e+00 : f32
      %broadcast_in_dim3A_1487 = vector.broadcast %broadcast_in_dim3A_1486 : f32 to vector<16xf32>
      %swap3A_1488 = arith.index_cast %scan3A_1318 : i32 to index
      %swap3A_1489 = arith.constant 384 : index
      %swap3A_1490 = tpu.vector_load %arg11[%swap3A_1488, %swap3A_1489] {strides = array<i32>} : memref<8x1024xf32, #tpu.memory_space<vmem>>, vector<1x16xf32>,
      %swap3A_1491 = vector.shape_cast %swap3A_1490 : vector<1x16xf32> to vector<16xf32>
      %swap3A_1492 = vector.shape_cast %broadcast_in_dim3A_1487 : vector<16xf32> to vector<1x16xf32>
      tpu.vector_store %arg11[%swap3A_1488, %swap3A_1489], %swap3A_1492 {strides = array<i32>} : memref<8x1024xf32, #tpu.memory_space<vmem>>, vector<1x16xf32>,
      %broadcast_in_dim3A_1493 = arith.constant 0.000000e+00 : f32
      %broadcast_in_dim3A_1494 = vector.broadcast %broadcast_in_dim3A_1493 : f32 to vector<16xf32>
      %swap3A_1495 = arith.index_cast %scan3A_1318 : i32 to index
      %swap3A_1496 = arith.constant 400 : index
      %swap3A_1497 = tpu.vector_load %arg11[%swap3A_1495, %swap3A_1496] {strides = array<i32>} : memref<8x1024xf32, #tpu.memory_space<vmem>>, vector<1x16xf32>,
      %swap3A_1498 = vector.shape_cast %swap3A_1497 : vector<1x16xf32> to vector<16xf32>
      %swap3A_1499 = vector.shape_cast %broadcast_in_dim3A_1494 : vector<16xf32> to vector<1x16xf32>
      tpu.vector_store %arg11[%swap3A_1495, %swap3A_1496], %swap3A_1499 {strides = array<i32>} : memref<8x1024xf32, #tpu.memory_space<vmem>>, vector<1x16xf32>,
      %broadcast_in_dim3A_1500 = arith.constant 0.000000e+00 : f32
      %broadcast_in_dim3A_1501 = vector.broadcast %broadcast_in_dim3A_1500 : f32 to vector<16xf32>
      %swap3A_1502 = arith.index_cast %scan3A_1318 : i32 to index
      %swap3A_1503 = arith.constant 416 : index
      %swap3A_1504 = tpu.vector_load %arg11[%swap3A_1502, %swap3A_1503] {strides = array<i32>} : memref<8x1024xf32, #tpu.memory_space<vmem>>, vector<1x16xf32>,
      %swap3A_1505 = vector.shape_cast %swap3A_1504 : vector<1x16xf32> to vector<16xf32>
      %swap3A_1506 = vector.shape_cast %broadcast_in_dim3A_1501 : vector<16xf32> to vector<1x16xf32>
      tpu.vector_store %arg11[%swap3A_1502, %swap3A_1503], %swap3A_1506 {strides = array<i32>} : memref<8x1024xf32, #tpu.memory_space<vmem>>, vector<1x16xf32>,
      %broadcast_in_dim3A_1507 = arith.constant 0.000000e+00 : f32
      %broadcast_in_dim3A_1508 = vector.broadcast %broadcast_in_dim3A_1507 : f32 to vector<16xf32>
      %swap3A_1509 = arith.index_cast %scan3A_1318 : i32 to index
      %swap3A_1510 = arith.constant 432 : index
      %swap3A_1511 = tpu.vector_load %arg11[%swap3A_1509, %swap3A_1510] {strides = array<i32>} : memref<8x1024xf32, #tpu.memory_space<vmem>>, vector<1x16xf32>,
      %swap3A_1512 = vector.shape_cast %swap3A_1511 : vector<1x16xf32> to vector<16xf32>
      %swap3A_1513 = vector.shape_cast %broadcast_in_dim3A_1508 : vector<16xf32> to vector<1x16xf32>
      tpu.vector_store %arg11[%swap3A_1509, %swap3A_1510], %swap3A_1513 {strides = array<i32>} : memref<8x1024xf32, #tpu.memory_space<vmem>>, vector<1x16xf32>,
      %broadcast_in_dim3A_1514 = arith.constant 0.000000e+00 : f32
      %broadcast_in_dim3A_1515 = vector.broadcast %broadcast_in_dim3A_1514 : f32 to vector<16xf32>
      %swap3A_1516 = arith.index_cast %scan3A_1318 : i32 to index
      %swap3A_1517 = arith.constant 448 : index
      %swap3A_1518 = tpu.vector_load %arg11[%swap3A_1516, %swap3A_1517] {strides = array<i32>} : memref<8x1024xf32, #tpu.memory_space<vmem>>, vector<1x16xf32>,
      %swap3A_1519 = vector.shape_cast %swap3A_1518 : vector<1x16xf32> to vector<16xf32>
      %swap3A_1520 = vector.shape_cast %broadcast_in_dim3A_1515 : vector<16xf32> to vector<1x16xf32>
      tpu.vector_store %arg11[%swap3A_1516, %swap3A_1517], %swap3A_1520 {strides = array<i32>} : memref<8x1024xf32, #tpu.memory_space<vmem>>, vector<1x16xf32>,
      %broadcast_in_dim3A_1521 = arith.constant 0.000000e+00 : f32
      %broadcast_in_dim3A_1522 = vector.broadcast %broadcast_in_dim3A_1521 : f32 to vector<16xf32>
      %swap3A_1523 = arith.index_cast %scan3A_1318 : i32 to index
      %swap3A_1524 = arith.constant 464 : index
      %swap3A_1525 = tpu.vector_load %arg11[%swap3A_1523, %swap3A_1524] {strides = array<i32>} : memref<8x1024xf32, #tpu.memory_space<vmem>>, vector<1x16xf32>,
      %swap3A_1526 = vector.shape_cast %swap3A_1525 : vector<1x16xf32> to vector<16xf32>
      %swap3A_1527 = vector.shape_cast %broadcast_in_dim3A_1522 : vector<16xf32> to vector<1x16xf32>
      tpu.vector_store %arg11[%swap3A_1523, %swap3A_1524], %swap3A_1527 {strides = array<i32>} : memref<8x1024xf32, #tpu.memory_space<vmem>>, vector<1x16xf32>,
      %broadcast_in_dim3A_1528 = arith.constant 0.000000e+00 : f32
      %broadcast_in_dim3A_1529 = vector.broadcast %broadcast_in_dim3A_1528 : f32 to vector<16xf32>
      %swap3A_1530 = arith.index_cast %scan3A_1318 : i32 to index
      %swap3A_1531 = arith.constant 480 : index
      %swap3A_1532 = tpu.vector_load %arg11[%swap3A_1530, %swap3A_1531] {strides = array<i32>} : memref<8x1024xf32, #tpu.memory_space<vmem>>, vector<1x16xf32>,
      %swap3A_1533 = vector.shape_cast %swap3A_1532 : vector<1x16xf32> to vector<16xf32>
      %swap3A_1534 = vector.shape_cast %broadcast_in_dim3A_1529 : vector<16xf32> to vector<1x16xf32>
      tpu.vector_store %arg11[%swap3A_1530, %swap3A_1531], %swap3A_1534 {strides = array<i32>} : memref<8x1024xf32, #tpu.memory_space<vmem>>, vector<1x16xf32>,
      %broadcast_in_dim3A_1535 = arith.constant 0.000000e+00 : f32
      %broadcast_in_dim3A_1536 = vector.broadcast %broadcast_in_dim3A_1535 : f32 to vector<16xf32>
      %swap3A_1537 = arith.index_cast %scan3A_1318 : i32 to index
      %swap3A_1538 = arith.constant 496 : index
      %swap3A_1539 = tpu.vector_load %arg11[%swap3A_1537, %swap3A_1538] {strides = array<i32>} : memref<8x1024xf32, #tpu.memory_space<vmem>>, vector<1x16xf32>,
      %swap3A_1540 = vector.shape_cast %swap3A_1539 : vector<1x16xf32> to vector<16xf32>
      %swap3A_1541 = vector.shape_cast %broadcast_in_dim3A_1536 : vector<16xf32> to vector<1x16xf32>
      tpu.vector_store %arg11[%swap3A_1537, %swap3A_1538], %swap3A_1541 {strides = array<i32>} : memref<8x1024xf32, #tpu.memory_space<vmem>>, vector<1x16xf32>,
      %broadcast_in_dim3A_1542 = arith.constant 0.000000e+00 : f32
      %broadcast_in_dim3A_1543 = vector.broadcast %broadcast_in_dim3A_1542 : f32 to vector<16xf32>
      %swap3A_1544 = arith.index_cast %scan3A_1318 : i32 to index
      %swap3A_1545 = arith.constant 512 : index
      %swap3A_1546 = tpu.vector_load %arg11[%swap3A_1544, %swap3A_1545] {strides = array<i32>} : memref<8x1024xf32, #tpu.memory_space<vmem>>, vector<1x16xf32>,
      %swap3A_1547 = vector.shape_cast %swap3A_1546 : vector<1x16xf32> to vector<16xf32>
      %swap3A_1548 = vector.shape_cast %broadcast_in_dim3A_1543 : vector<16xf32> to vector<1x16xf32>
      tpu.vector_store %arg11[%swap3A_1544, %swap3A_1545], %swap3A_1548 {strides = array<i32>} : memref<8x1024xf32, #tpu.memory_space<vmem>>, vector<1x16xf32>,
      %broadcast_in_dim3A_1549 = arith.constant 0.000000e+00 : f32
      %broadcast_in_dim3A_1550 = vector.broadcast %broadcast_in_dim3A_1549 : f32 to vector<16xf32>
      %swap3A_1551 = arith.index_cast %scan3A_1318 : i32 to index
      %swap3A_1552 = arith.constant 528 : index
      %swap3A_1553 = tpu.vector_load %arg11[%swap3A_1551, %swap3A_1552] {strides = array<i32>} : memref<8x1024xf32, #tpu.memory_space<vmem>>, vector<1x16xf32>,
      %swap3A_1554 = vector.shape_cast %swap3A_1553 : vector<1x16xf32> to vector<16xf32>
      %swap3A_1555 = vector.shape_cast %broadcast_in_dim3A_1550 : vector<16xf32> to vector<1x16xf32>
      tpu.vector_store %arg11[%swap3A_1551, %swap3A_1552], %swap3A_1555 {strides = array<i32>} : memref<8x1024xf32, #tpu.memory_space<vmem>>, vector<1x16xf32>,
      %broadcast_in_dim3A_1556 = arith.constant 0.000000e+00 : f32
      %broadcast_in_dim3A_1557 = vector.broadcast %broadcast_in_dim3A_1556 : f32 to vector<16xf32>
      %swap3A_1558 = arith.index_cast %scan3A_1318 : i32 to index
      %swap3A_1559 = arith.constant 544 : index
      %swap3A_1560 = tpu.vector_load %arg11[%swap3A_1558, %swap3A_1559] {strides = array<i32>} : memref<8x1024xf32, #tpu.memory_space<vmem>>, vector<1x16xf32>,
      %swap3A_1561 = vector.shape_cast %swap3A_1560 : vector<1x16xf32> to vector<16xf32>
      %swap3A_1562 = vector.shape_cast %broadcast_in_dim3A_1557 : vector<16xf32> to vector<1x16xf32>
      tpu.vector_store %arg11[%swap3A_1558, %swap3A_1559], %swap3A_1562 {strides = array<i32>} : memref<8x1024xf32, #tpu.memory_space<vmem>>, vector<1x16xf32>,
      %broadcast_in_dim3A_1563 = arith.constant 0.000000e+00 : f32
      %broadcast_in_dim3A_1564 = vector.broadcast %broadcast_in_dim3A_1563 : f32 to vector<16xf32>
      %swap3A_1565 = arith.index_cast %scan3A_1318 : i32 to index
      %swap3A_1566 = arith.constant 560 : index
      %swap3A_1567 = tpu.vector_load %arg11[%swap3A_1565, %swap3A_1566] {strides = array<i32>} : memref<8x1024xf32, #tpu.memory_space<vmem>>, vector<1x16xf32>,
      %swap3A_1568 = vector.shape_cast %swap3A_1567 : vector<1x16xf32> to vector<16xf32>
      %swap3A_1569 = vector.shape_cast %broadcast_in_dim3A_1564 : vector<16xf32> to vector<1x16xf32>
      tpu.vector_store %arg11[%swap3A_1565, %swap3A_1566], %swap3A_1569 {strides = array<i32>} : memref<8x1024xf32, #tpu.memory_space<vmem>>, vector<1x16xf32>,
      %broadcast_in_dim3A_1570 = arith.constant 0.000000e+00 : f32
      %broadcast_in_dim3A_1571 = vector.broadcast %broadcast_in_dim3A_1570 : f32 to vector<16xf32>
      %swap3A_1572 = arith.index_cast %scan3A_1318 : i32 to index
      %swap3A_1573 = arith.constant 576 : index
      %swap3A_1574 = tpu.vector_load %arg11[%swap3A_1572, %swap3A_1573] {strides = array<i32>} : memref<8x1024xf32, #tpu.memory_space<vmem>>, vector<1x16xf32>,
      %swap3A_1575 = vector.shape_cast %swap3A_1574 : vector<1x16xf32> to vector<16xf32>
      %swap3A_1576 = vector.shape_cast %broadcast_in_dim3A_1571 : vector<16xf32> to vector<1x16xf32>
      tpu.vector_store %arg11[%swap3A_1572, %swap3A_1573], %swap3A_1576 {strides = array<i32>} : memref<8x1024xf32, #tpu.memory_space<vmem>>, vector<1x16xf32>,
      %broadcast_in_dim3A_1577 = arith.constant 0.000000e+00 : f32
      %broadcast_in_dim3A_1578 = vector.broadcast %broadcast_in_dim3A_1577 : f32 to vector<16xf32>
      %swap3A_1579 = arith.index_cast %scan3A_1318 : i32 to index
      %swap3A_1580 = arith.constant 592 : index
      %swap3A_1581 = tpu.vector_load %arg11[%swap3A_1579, %swap3A_1580] {strides = array<i32>} : memref<8x1024xf32, #tpu.memory_space<vmem>>, vector<1x16xf32>,
      %swap3A_1582 = vector.shape_cast %swap3A_1581 : vector<1x16xf32> to vector<16xf32>
      %swap3A_1583 = vector.shape_cast %broadcast_in_dim3A_1578 : vector<16xf32> to vector<1x16xf32>
      tpu.vector_store %arg11[%swap3A_1579, %swap3A_1580], %swap3A_1583 {strides = array<i32>} : memref<8x1024xf32, #tpu.memory_space<vmem>>, vector<1x16xf32>,
      %broadcast_in_dim3A_1584 = arith.constant 0.000000e+00 : f32
      %broadcast_in_dim3A_1585 = vector.broadcast %broadcast_in_dim3A_1584 : f32 to vector<16xf32>
      %swap3A_1586 = arith.index_cast %scan3A_1318 : i32 to index
      %swap3A_1587 = arith.constant 608 : index
      %swap3A_1588 = tpu.vector_load %arg11[%swap3A_1586, %swap3A_1587] {strides = array<i32>} : memref<8x1024xf32, #tpu.memory_space<vmem>>, vector<1x16xf32>,
      %swap3A_1589 = vector.shape_cast %swap3A_1588 : vector<1x16xf32> to vector<16xf32>
      %swap3A_1590 = vector.shape_cast %broadcast_in_dim3A_1585 : vector<16xf32> to vector<1x16xf32>
      tpu.vector_store %arg11[%swap3A_1586, %swap3A_1587], %swap3A_1590 {strides = array<i32>} : memref<8x1024xf32, #tpu.memory_space<vmem>>, vector<1x16xf32>,
      %broadcast_in_dim3A_1591 = arith.constant 0.000000e+00 : f32
      %broadcast_in_dim3A_1592 = vector.broadcast %broadcast_in_dim3A_1591 : f32 to vector<16xf32>
      %swap3A_1593 = arith.index_cast %scan3A_1318 : i32 to index
      %swap3A_1594 = arith.constant 624 : index
      %swap3A_1595 = tpu.vector_load %arg11[%swap3A_1593, %swap3A_1594] {strides = array<i32>} : memref<8x1024xf32, #tpu.memory_space<vmem>>, vector<1x16xf32>,
      %swap3A_1596 = vector.shape_cast %swap3A_1595 : vector<1x16xf32> to vector<16xf32>
      %swap3A_1597 = vector.shape_cast %broadcast_in_dim3A_1592 : vector<16xf32> to vector<1x16xf32>
      tpu.vector_store %arg11[%swap3A_1593, %swap3A_1594], %swap3A_1597 {strides = array<i32>} : memref<8x1024xf32, #tpu.memory_space<vmem>>, vector<1x16xf32>,
      %broadcast_in_dim3A_1598 = arith.constant 0.000000e+00 : f32
      %broadcast_in_dim3A_1599 = vector.broadcast %broadcast_in_dim3A_1598 : f32 to vector<16xf32>
      %swap3A_1600 = arith.index_cast %scan3A_1318 : i32 to index
      %swap3A_1601 = arith.constant 640 : index
      %swap3A_1602 = tpu.vector_load %arg11[%swap3A_1600, %swap3A_1601] {strides = array<i32>} : memref<8x1024xf32, #tpu.memory_space<vmem>>, vector<1x16xf32>,
      %swap3A_1603 = vector.shape_cast %swap3A_1602 : vector<1x16xf32> to vector<16xf32>
      %swap3A_1604 = vector.shape_cast %broadcast_in_dim3A_1599 : vector<16xf32> to vector<1x16xf32>
      tpu.vector_store %arg11[%swap3A_1600, %swap3A_1601], %swap3A_1604 {strides = array<i32>} : memref<8x1024xf32, #tpu.memory_space<vmem>>, vector<1x16xf32>,
      %broadcast_in_dim3A_1605 = arith.constant 0.000000e+00 : f32
      %broadcast_in_dim3A_1606 = vector.broadcast %broadcast_in_dim3A_1605 : f32 to vector<16xf32>
      %swap3A_1607 = arith.index_cast %scan3A_1318 : i32 to index
      %swap3A_1608 = arith.constant 656 : index
      %swap3A_1609 = tpu.vector_load %arg11[%swap3A_1607, %swap3A_1608] {strides = array<i32>} : memref<8x1024xf32, #tpu.memory_space<vmem>>, vector<1x16xf32>,
      %swap3A_1610 = vector.shape_cast %swap3A_1609 : vector<1x16xf32> to vector<16xf32>
      %swap3A_1611 = vector.shape_cast %broadcast_in_dim3A_1606 : vector<16xf32> to vector<1x16xf32>
      tpu.vector_store %arg11[%swap3A_1607, %swap3A_1608], %swap3A_1611 {strides = array<i32>} : memref<8x1024xf32, #tpu.memory_space<vmem>>, vector<1x16xf32>,
      %broadcast_in_dim3A_1612 = arith.constant 0.000000e+00 : f32
      %broadcast_in_dim3A_1613 = vector.broadcast %broadcast_in_dim3A_1612 : f32 to vector<16xf32>
      %swap3A_1614 = arith.index_cast %scan3A_1318 : i32 to index
      %swap3A_1615 = arith.constant 672 : index
      %swap3A_1616 = tpu.vector_load %arg11[%swap3A_1614, %swap3A_1615] {strides = array<i32>} : memref<8x1024xf32, #tpu.memory_space<vmem>>, vector<1x16xf32>,
      %swap3A_1617 = vector.shape_cast %swap3A_1616 : vector<1x16xf32> to vector<16xf32>
      %swap3A_1618 = vector.shape_cast %broadcast_in_dim3A_1613 : vector<16xf32> to vector<1x16xf32>
      tpu.vector_store %arg11[%swap3A_1614, %swap3A_1615], %swap3A_1618 {strides = array<i32>} : memref<8x1024xf32, #tpu.memory_space<vmem>>, vector<1x16xf32>,
      %broadcast_in_dim3A_1619 = arith.constant 0.000000e+00 : f32
      %broadcast_in_dim3A_1620 = vector.broadcast %broadcast_in_dim3A_1619 : f32 to vector<16xf32>
      %swap3A_1621 = arith.index_cast %scan3A_1318 : i32 to index
      %swap3A_1622 = arith.constant 688 : index
      %swap3A_1623 = tpu.vector_load %arg11[%swap3A_1621, %swap3A_1622] {strides = array<i32>} : memref<8x1024xf32, #tpu.memory_space<vmem>>, vector<1x16xf32>,
      %swap3A_1624 = vector.shape_cast %swap3A_1623 : vector<1x16xf32> to vector<16xf32>
      %swap3A_1625 = vector.shape_cast %broadcast_in_dim3A_1620 : vector<16xf32> to vector<1x16xf32>
      tpu.vector_store %arg11[%swap3A_1621, %swap3A_1622], %swap3A_1625 {strides = array<i32>} : memref<8x1024xf32, #tpu.memory_space<vmem>>, vector<1x16xf32>,
      %broadcast_in_dim3A_1626 = arith.constant 0.000000e+00 : f32
      %broadcast_in_dim3A_1627 = vector.broadcast %broadcast_in_dim3A_1626 : f32 to vector<16xf32>
      %swap3A_1628 = arith.index_cast %scan3A_1318 : i32 to index
      %swap3A_1629 = arith.constant 704 : index
      %swap3A_1630 = tpu.vector_load %arg11[%swap3A_1628, %swap3A_1629] {strides = array<i32>} : memref<8x1024xf32, #tpu.memory_space<vmem>>, vector<1x16xf32>,
      %swap3A_1631 = vector.shape_cast %swap3A_1630 : vector<1x16xf32> to vector<16xf32>
      %swap3A_1632 = vector.shape_cast %broadcast_in_dim3A_1627 : vector<16xf32> to vector<1x16xf32>
      tpu.vector_store %arg11[%swap3A_1628, %swap3A_1629], %swap3A_1632 {strides = array<i32>} : memref<8x1024xf32, #tpu.memory_space<vmem>>, vector<1x16xf32>,
      %broadcast_in_dim3A_1633 = arith.constant 0.000000e+00 : f32
      %broadcast_in_dim3A_1634 = vector.broadcast %broadcast_in_dim3A_1633 : f32 to vector<16xf32>
      %swap3A_1635 = arith.index_cast %scan3A_1318 : i32 to index
      %swap3A_1636 = arith.constant 720 : index
      %swap3A_1637 = tpu.vector_load %arg11[%swap3A_1635, %swap3A_1636] {strides = array<i32>} : memref<8x1024xf32, #tpu.memory_space<vmem>>, vector<1x16xf32>,
      %swap3A_1638 = vector.shape_cast %swap3A_1637 : vector<1x16xf32> to vector<16xf32>
      %swap3A_1639 = vector.shape_cast %broadcast_in_dim3A_1634 : vector<16xf32> to vector<1x16xf32>
      tpu.vector_store %arg11[%swap3A_1635, %swap3A_1636], %swap3A_1639 {strides = array<i32>} : memref<8x1024xf32, #tpu.memory_space<vmem>>, vector<1x16xf32>,
      %broadcast_in_dim3A_1640 = arith.constant 0.000000e+00 : f32
      %broadcast_in_dim3A_1641 = vector.broadcast %broadcast_in_dim3A_1640 : f32 to vector<16xf32>
      %swap3A_1642 = arith.index_cast %scan3A_1318 : i32 to index
      %swap3A_1643 = arith.constant 736 : index
      %swap3A_1644 = tpu.vector_load %arg11[%swap3A_1642, %swap3A_1643] {strides = array<i32>} : memref<8x1024xf32, #tpu.memory_space<vmem>>, vector<1x16xf32>,
      %swap3A_1645 = vector.shape_cast %swap3A_1644 : vector<1x16xf32> to vector<16xf32>
      %swap3A_1646 = vector.shape_cast %broadcast_in_dim3A_1641 : vector<16xf32> to vector<1x16xf32>
      tpu.vector_store %arg11[%swap3A_1642, %swap3A_1643], %swap3A_1646 {strides = array<i32>} : memref<8x1024xf32, #tpu.memory_space<vmem>>, vector<1x16xf32>,
      %broadcast_in_dim3A_1647 = arith.constant 0.000000e+00 : f32
      %broadcast_in_dim3A_1648 = vector.broadcast %broadcast_in_dim3A_1647 : f32 to vector<16xf32>
      %swap3A_1649 = arith.index_cast %scan3A_1318 : i32 to index
      %swap3A_1650 = arith.constant 752 : index
      %swap3A_1651 = tpu.vector_load %arg11[%swap3A_1649, %swap3A_1650] {strides = array<i32>} : memref<8x1024xf32, #tpu.memory_space<vmem>>, vector<1x16xf32>,
      %swap3A_1652 = vector.shape_cast %swap3A_1651 : vector<1x16xf32> to vector<16xf32>
      %swap3A_1653 = vector.shape_cast %broadcast_in_dim3A_1648 : vector<16xf32> to vector<1x16xf32>
      tpu.vector_store %arg11[%swap3A_1649, %swap3A_1650], %swap3A_1653 {strides = array<i32>} : memref<8x1024xf32, #tpu.memory_space<vmem>>, vector<1x16xf32>,
      %broadcast_in_dim3A_1654 = arith.constant 0.000000e+00 : f32
      %broadcast_in_dim3A_1655 = vector.broadcast %broadcast_in_dim3A_1654 : f32 to vector<16xf32>
      %swap3A_1656 = arith.index_cast %scan3A_1318 : i32 to index
      %swap3A_1657 = arith.constant 768 : index
      %swap3A_1658 = tpu.vector_load %arg11[%swap3A_1656, %swap3A_1657] {strides = array<i32>} : memref<8x1024xf32, #tpu.memory_space<vmem>>, vector<1x16xf32>,
      %swap3A_1659 = vector.shape_cast %swap3A_1658 : vector<1x16xf32> to vector<16xf32>
      %swap3A_1660 = vector.shape_cast %broadcast_in_dim3A_1655 : vector<16xf32> to vector<1x16xf32>
      tpu.vector_store %arg11[%swap3A_1656, %swap3A_1657], %swap3A_1660 {strides = array<i32>} : memref<8x1024xf32, #tpu.memory_space<vmem>>, vector<1x16xf32>,
      %broadcast_in_dim3A_1661 = arith.constant 0.000000e+00 : f32
      %broadcast_in_dim3A_1662 = vector.broadcast %broadcast_in_dim3A_1661 : f32 to vector<16xf32>
      %swap3A_1663 = arith.index_cast %scan3A_1318 : i32 to index
      %swap3A_1664 = arith.constant 784 : index
      %swap3A_1665 = tpu.vector_load %arg11[%swap3A_1663, %swap3A_1664] {strides = array<i32>} : memref<8x1024xf32, #tpu.memory_space<vmem>>, vector<1x16xf32>,
      %swap3A_1666 = vector.shape_cast %swap3A_1665 : vector<1x16xf32> to vector<16xf32>
      %swap3A_1667 = vector.shape_cast %broadcast_in_dim3A_1662 : vector<16xf32> to vector<1x16xf32>
      tpu.vector_store %arg11[%swap3A_1663, %swap3A_1664], %swap3A_1667 {strides = array<i32>} : memref<8x1024xf32, #tpu.memory_space<vmem>>, vector<1x16xf32>,
      %broadcast_in_dim3A_1668 = arith.constant 0.000000e+00 : f32
      %broadcast_in_dim3A_1669 = vector.broadcast %broadcast_in_dim3A_1668 : f32 to vector<16xf32>
      %swap3A_1670 = arith.index_cast %scan3A_1318 : i32 to index
      %swap3A_1671 = arith.constant 800 : index
      %swap3A_1672 = tpu.vector_load %arg11[%swap3A_1670, %swap3A_1671] {strides = array<i32>} : memref<8x1024xf32, #tpu.memory_space<vmem>>, vector<1x16xf32>,
      %swap3A_1673 = vector.shape_cast %swap3A_1672 : vector<1x16xf32> to vector<16xf32>
      %swap3A_1674 = vector.shape_cast %broadcast_in_dim3A_1669 : vector<16xf32> to vector<1x16xf32>
      tpu.vector_store %arg11[%swap3A_1670, %swap3A_1671], %swap3A_1674 {strides = array<i32>} : memref<8x1024xf32, #tpu.memory_space<vmem>>, vector<1x16xf32>,
      %broadcast_in_dim3A_1675 = arith.constant 0.000000e+00 : f32
      %broadcast_in_dim3A_1676 = vector.broadcast %broadcast_in_dim3A_1675 : f32 to vector<16xf32>
      %swap3A_1677 = arith.index_cast %scan3A_1318 : i32 to index
      %swap3A_1678 = arith.constant 816 : index
      %swap3A_1679 = tpu.vector_load %arg11[%swap3A_1677, %swap3A_1678] {strides = array<i32>} : memref<8x1024xf32, #tpu.memory_space<vmem>>, vector<1x16xf32>,
      %swap3A_1680 = vector.shape_cast %swap3A_1679 : vector<1x16xf32> to vector<16xf32>
      %swap3A_1681 = vector.shape_cast %broadcast_in_dim3A_1676 : vector<16xf32> to vector<1x16xf32>
      tpu.vector_store %arg11[%swap3A_1677, %swap3A_1678], %swap3A_1681 {strides = array<i32>} : memref<8x1024xf32, #tpu.memory_space<vmem>>, vector<1x16xf32>,
      %broadcast_in_dim3A_1682 = arith.constant 0.000000e+00 : f32
      %broadcast_in_dim3A_1683 = vector.broadcast %broadcast_in_dim3A_1682 : f32 to vector<16xf32>
      %swap3A_1684 = arith.index_cast %scan3A_1318 : i32 to index
      %swap3A_1685 = arith.constant 832 : index
      %swap3A_1686 = tpu.vector_load %arg11[%swap3A_1684, %swap3A_1685] {strides = array<i32>} : memref<8x1024xf32, #tpu.memory_space<vmem>>, vector<1x16xf32>,
      %swap3A_1687 = vector.shape_cast %swap3A_1686 : vector<1x16xf32> to vector<16xf32>
      %swap3A_1688 = vector.shape_cast %broadcast_in_dim3A_1683 : vector<16xf32> to vector<1x16xf32>
      tpu.vector_store %arg11[%swap3A_1684, %swap3A_1685], %swap3A_1688 {strides = array<i32>} : memref<8x1024xf32, #tpu.memory_space<vmem>>, vector<1x16xf32>,
      %broadcast_in_dim3A_1689 = arith.constant 0.000000e+00 : f32
      %broadcast_in_dim3A_1690 = vector.broadcast %broadcast_in_dim3A_1689 : f32 to vector<16xf32>
      %swap3A_1691 = arith.index_cast %scan3A_1318 : i32 to index
      %swap3A_1692 = arith.constant 848 : index
      %swap3A_1693 = tpu.vector_load %arg11[%swap3A_1691, %swap3A_1692] {strides = array<i32>} : memref<8x1024xf32, #tpu.memory_space<vmem>>, vector<1x16xf32>,
      %swap3A_1694 = vector.shape_cast %swap3A_1693 : vector<1x16xf32> to vector<16xf32>
      %swap3A_1695 = vector.shape_cast %broadcast_in_dim3A_1690 : vector<16xf32> to vector<1x16xf32>
      tpu.vector_store %arg11[%swap3A_1691, %swap3A_1692], %swap3A_1695 {strides = array<i32>} : memref<8x1024xf32, #tpu.memory_space<vmem>>, vector<1x16xf32>,
      %broadcast_in_dim3A_1696 = arith.constant 0.000000e+00 : f32
      %broadcast_in_dim3A_1697 = vector.broadcast %broadcast_in_dim3A_1696 : f32 to vector<16xf32>
      %swap3A_1698 = arith.index_cast %scan3A_1318 : i32 to index
      %swap3A_1699 = arith.constant 864 : index
      %swap3A_1700 = tpu.vector_load %arg11[%swap3A_1698, %swap3A_1699] {strides = array<i32>} : memref<8x1024xf32, #tpu.memory_space<vmem>>, vector<1x16xf32>,
      %swap3A_1701 = vector.shape_cast %swap3A_1700 : vector<1x16xf32> to vector<16xf32>
      %swap3A_1702 = vector.shape_cast %broadcast_in_dim3A_1697 : vector<16xf32> to vector<1x16xf32>
      tpu.vector_store %arg11[%swap3A_1698, %swap3A_1699], %swap3A_1702 {strides = array<i32>} : memref<8x1024xf32, #tpu.memory_space<vmem>>, vector<1x16xf32>,
      %broadcast_in_dim3A_1703 = arith.constant 0.000000e+00 : f32
      %broadcast_in_dim3A_1704 = vector.broadcast %broadcast_in_dim3A_1703 : f32 to vector<16xf32>
      %swap3A_1705 = arith.index_cast %scan3A_1318 : i32 to index
      %swap3A_1706 = arith.constant 880 : index
      %swap3A_1707 = tpu.vector_load %arg11[%swap3A_1705, %swap3A_1706] {strides = array<i32>} : memref<8x1024xf32, #tpu.memory_space<vmem>>, vector<1x16xf32>,
      %swap3A_1708 = vector.shape_cast %swap3A_1707 : vector<1x16xf32> to vector<16xf32>
      %swap3A_1709 = vector.shape_cast %broadcast_in_dim3A_1704 : vector<16xf32> to vector<1x16xf32>
      tpu.vector_store %arg11[%swap3A_1705, %swap3A_1706], %swap3A_1709 {strides = array<i32>} : memref<8x1024xf32, #tpu.memory_space<vmem>>, vector<1x16xf32>,
      %broadcast_in_dim3A_1710 = arith.constant 0.000000e+00 : f32
      %broadcast_in_dim3A_1711 = vector.broadcast %broadcast_in_dim3A_1710 : f32 to vector<16xf32>
      %swap3A_1712 = arith.index_cast %scan3A_1318 : i32 to index
      %swap3A_1713 = arith.constant 896 : index
      %swap3A_1714 = tpu.vector_load %arg11[%swap3A_1712, %swap3A_1713] {strides = array<i32>} : memref<8x1024xf32, #tpu.memory_space<vmem>>, vector<1x16xf32>,
      %swap3A_1715 = vector.shape_cast %swap3A_1714 : vector<1x16xf32> to vector<16xf32>
      %swap3A_1716 = vector.shape_cast %broadcast_in_dim3A_1711 : vector<16xf32> to vector<1x16xf32>
      tpu.vector_store %arg11[%swap3A_1712, %swap3A_1713], %swap3A_1716 {strides = array<i32>} : memref<8x1024xf32, #tpu.memory_space<vmem>>, vector<1x16xf32>,
      %broadcast_in_dim3A_1717 = arith.constant 0.000000e+00 : f32
      %broadcast_in_dim3A_1718 = vector.broadcast %broadcast_in_dim3A_1717 : f32 to vector<16xf32>
      %swap3A_1719 = arith.index_cast %scan3A_1318 : i32 to index
      %swap3A_1720 = arith.constant 912 : index
      %swap3A_1721 = tpu.vector_load %arg11[%swap3A_1719, %swap3A_1720] {strides = array<i32>} : memref<8x1024xf32, #tpu.memory_space<vmem>>, vector<1x16xf32>,
      %swap3A_1722 = vector.shape_cast %swap3A_1721 : vector<1x16xf32> to vector<16xf32>
      %swap3A_1723 = vector.shape_cast %broadcast_in_dim3A_1718 : vector<16xf32> to vector<1x16xf32>
      tpu.vector_store %arg11[%swap3A_1719, %swap3A_1720], %swap3A_1723 {strides = array<i32>} : memref<8x1024xf32, #tpu.memory_space<vmem>>, vector<1x16xf32>,
      %broadcast_in_dim3A_1724 = arith.constant 0.000000e+00 : f32
      %broadcast_in_dim3A_1725 = vector.broadcast %broadcast_in_dim3A_1724 : f32 to vector<16xf32>
      %swap3A_1726 = arith.index_cast %scan3A_1318 : i32 to index
      %swap3A_1727 = arith.constant 928 : index
      %swap3A_1728 = tpu.vector_load %arg11[%swap3A_1726, %swap3A_1727] {strides = array<i32>} : memref<8x1024xf32, #tpu.memory_space<vmem>>, vector<1x16xf32>,
      %swap3A_1729 = vector.shape_cast %swap3A_1728 : vector<1x16xf32> to vector<16xf32>
      %swap3A_1730 = vector.shape_cast %broadcast_in_dim3A_1725 : vector<16xf32> to vector<1x16xf32>
      tpu.vector_store %arg11[%swap3A_1726, %swap3A_1727], %swap3A_1730 {strides = array<i32>} : memref<8x1024xf32, #tpu.memory_space<vmem>>, vector<1x16xf32>,
      %broadcast_in_dim3A_1731 = arith.constant 0.000000e+00 : f32
      %broadcast_in_dim3A_1732 = vector.broadcast %broadcast_in_dim3A_1731 : f32 to vector<16xf32>
      %swap3A_1733 = arith.index_cast %scan3A_1318 : i32 to index
      %swap3A_1734 = arith.constant 944 : index
      %swap3A_1735 = tpu.vector_load %arg11[%swap3A_1733, %swap3A_1734] {strides = array<i32>} : memref<8x1024xf32, #tpu.memory_space<vmem>>, vector<1x16xf32>,
      %swap3A_1736 = vector.shape_cast %swap3A_1735 : vector<1x16xf32> to vector<16xf32>
      %swap3A_1737 = vector.shape_cast %broadcast_in_dim3A_1732 : vector<16xf32> to vector<1x16xf32>
      tpu.vector_store %arg11[%swap3A_1733, %swap3A_1734], %swap3A_1737 {strides = array<i32>} : memref<8x1024xf32, #tpu.memory_space<vmem>>, vector<1x16xf32>,
      %broadcast_in_dim3A_1738 = arith.constant 0.000000e+00 : f32
      %broadcast_in_dim3A_1739 = vector.broadcast %broadcast_in_dim3A_1738 : f32 to vector<16xf32>
      %swap3A_1740 = arith.index_cast %scan3A_1318 : i32 to index
      %swap3A_1741 = arith.constant 960 : index
      %swap3A_1742 = tpu.vector_load %arg11[%swap3A_1740, %swap3A_1741] {strides = array<i32>} : memref<8x1024xf32, #tpu.memory_space<vmem>>, vector<1x16xf32>,
      %swap3A_1743 = vector.shape_cast %swap3A_1742 : vector<1x16xf32> to vector<16xf32>
      %swap3A_1744 = vector.shape_cast %broadcast_in_dim3A_1739 : vector<16xf32> to vector<1x16xf32>
      tpu.vector_store %arg11[%swap3A_1740, %swap3A_1741], %swap3A_1744 {strides = array<i32>} : memref<8x1024xf32, #tpu.memory_space<vmem>>, vector<1x16xf32>,
      %broadcast_in_dim3A_1745 = arith.constant 0.000000e+00 : f32
      %broadcast_in_dim3A_1746 = vector.broadcast %broadcast_in_dim3A_1745 : f32 to vector<16xf32>
      %swap3A_1747 = arith.index_cast %scan3A_1318 : i32 to index
      %swap3A_1748 = arith.constant 976 : index
      %swap3A_1749 = tpu.vector_load %arg11[%swap3A_1747, %swap3A_1748] {strides = array<i32>} : memref<8x1024xf32, #tpu.memory_space<vmem>>, vector<1x16xf32>,
      %swap3A_1750 = vector.shape_cast %swap3A_1749 : vector<1x16xf32> to vector<16xf32>
      %swap3A_1751 = vector.shape_cast %broadcast_in_dim3A_1746 : vector<16xf32> to vector<1x16xf32>
      tpu.vector_store %arg11[%swap3A_1747, %swap3A_1748], %swap3A_1751 {strides = array<i32>} : memref<8x1024xf32, #tpu.memory_space<vmem>>, vector<1x16xf32>,
      %broadcast_in_dim3A_1752 = arith.constant 0.000000e+00 : f32
      %broadcast_in_dim3A_1753 = vector.broadcast %broadcast_in_dim3A_1752 : f32 to vector<16xf32>
      %swap3A_1754 = arith.index_cast %scan3A_1318 : i32 to index
      %swap3A_1755 = arith.constant 992 : index
      %swap3A_1756 = tpu.vector_load %arg11[%swap3A_1754, %swap3A_1755] {strides = array<i32>} : memref<8x1024xf32, #tpu.memory_space<vmem>>, vector<1x16xf32>,
      %swap3A_1757 = vector.shape_cast %swap3A_1756 : vector<1x16xf32> to vector<16xf32>
      %swap3A_1758 = vector.shape_cast %broadcast_in_dim3A_1753 : vector<16xf32> to vector<1x16xf32>
      tpu.vector_store %arg11[%swap3A_1754, %swap3A_1755], %swap3A_1758 {strides = array<i32>} : memref<8x1024xf32, #tpu.memory_space<vmem>>, vector<1x16xf32>,
      %broadcast_in_dim3A_1759 = arith.constant 0.000000e+00 : f32
      %broadcast_in_dim3A_1760 = vector.broadcast %broadcast_in_dim3A_1759 : f32 to vector<16xf32>
      %swap3A_1761 = arith.index_cast %scan3A_1318 : i32 to index
      %swap3A_1762 = arith.constant 1008 : index
      %swap3A_1763 = tpu.vector_load %arg11[%swap3A_1761, %swap3A_1762] {strides = array<i32>} : memref<8x1024xf32, #tpu.memory_space<vmem>>, vector<1x16xf32>,
      %swap3A_1764 = vector.shape_cast %swap3A_1763 : vector<1x16xf32> to vector<16xf32>
      %swap3A_1765 = vector.shape_cast %broadcast_in_dim3A_1760 : vector<16xf32> to vector<1x16xf32>
      tpu.vector_store %arg11[%swap3A_1761, %swap3A_1762], %swap3A_1765 {strides = array<i32>} : memref<8x1024xf32, #tpu.memory_space<vmem>>, vector<1x16xf32>,
    }
    %scan3A_999 = arith.constant 8 : i32
    %mul3A_1000 = arith.constant 8 : i32
    %mul3A_1001 = arith.muli %arg1, %mul3A_1000 : i32
    "tpu.region"() ({
      %run_scoped3A = tpu.sem_alloc : memref<!tpu.dma_semaphore, #tpu.memory_space<semaphore_mem>>
      %dma_start3A_1318 = arith.constant 0 : i32
      %dma_start3A_1319 = tpu.memref_slice %arg13[%mul3A_1001, %dma_start3A_1318] : memref<128x1024xf32, #tpu.memory_space<vmem_shared>> -> memref<8x1024xf32, #tpu.memory_space<vmem_shared>>
      %dma_start3A_1320 = arith.constant 0 : i32
      %dma_start3A_1321 = tpu.memref_slice %arg13[%mul3A_1001, %dma_start3A_1320] : memref<128x1024xf32, #tpu.memory_space<vmem_shared>> -> memref<8x1024xf32, #tpu.memory_space<vmem_shared>>
      tpu.enqueue_dma source(%arg11 : memref<8x1024xf32, #tpu.memory_space<vmem>>) target(%dma_start3A_1321 : memref<8x1024xf32, #tpu.memory_space<vmem_shared>>) target_semaphore(%run_scoped3A : memref<!tpu.dma_semaphore, #tpu.memory_space<semaphore_mem>>)
      %dma_wait3A_1322 = arith.constant 0 : i32
      %dma_wait3A_1323 = tpu.memref_slice %arg13[%mul3A_1001, %dma_wait3A_1322] : memref<128x1024xf32, #tpu.memory_space<vmem_shared>> -> memref<8x1024xf32, #tpu.memory_space<vmem_shared>>
      %dma_wait3A_1324 = arith.constant 0 : i32
      %dma_wait3A_1325 = tpu.memref_slice %arg13[%mul3A_1001, %dma_wait3A_1324] : memref<128x1024xf32, #tpu.memory_space<vmem_shared>> -> memref<8x1024xf32, #tpu.memory_space<vmem_shared>>
      tpu.wait_dma2 semaphore(%run_scoped3A : memref<!tpu.dma_semaphore, #tpu.memory_space<semaphore_mem>>) src(%arg11 : memref<8x1024xf32, #tpu.memory_space<vmem>>) dst(%dma_wait3A_1325 : memref<8x1024xf32, #tpu.memory_space<vmem_shared>>)
      tpu.yield
    }) : () -> ()
    %barrier3A = arith.constant 0 : index
    tpu.barrier barrier_id(%barrier3A)
    %ge3A_1002 = arith.constant 2 : i32
    %ge3A_1003 = arith.cmpi sge, %add3A, %ge3A_1002 : i32
    %convert_element_type3A_1004 = arith.extui %ge3A_1003 : i1 to i32
    %add3A_1005 = arith.constant 0 : i32
    %add3A_1006 = arith.addi %add3A_1005, %convert_element_type3A_1004 : i32
    %ge3A_1007 = arith.constant 6 : i32
    %ge3A_1008 = arith.cmpi sge, %add3A, %ge3A_1007 : i32
    %convert_element_type3A_1009 = arith.extui %ge3A_1008 : i1 to i32
    %add3A_1010 = arith.addi %add3A_1006, %convert_element_type3A_1009 : i32
    %ge3A_1011 = arith.constant 12 : i32
    %ge3A_1012 = arith.cmpi sge, %add3A, %ge3A_1011 : i32
    %convert_element_type3A_1013 = arith.extui %ge3A_1012 : i1 to i32
    %add3A_1014 = arith.addi %add3A_1010, %convert_element_type3A_1013 : i32
    %ge3A_1015 = arith.constant 20 : i32
    %ge3A_1016 = arith.cmpi sge, %add3A, %ge3A_1015 : i32
    %convert_element_type3A_1017 = arith.extui %ge3A_1016 : i1 to i32
    %add3A_1018 = arith.addi %add3A_1014, %convert_element_type3A_1017 : i32
    %ge3A_1019 = arith.constant 30 : i32
    %ge3A_1020 = arith.cmpi sge, %add3A, %ge3A_1019 : i32
    %convert_element_type3A_1021 = arith.extui %ge3A_1020 : i1 to i32
    %add3A_1022 = arith.addi %add3A_1018, %convert_element_type3A_1021 : i32
    %ge3A_1023 = arith.constant 42 : i32
    %ge3A_1024 = arith.cmpi sge, %add3A, %ge3A_1023 : i32
    %convert_element_type3A_1025 = arith.extui %ge3A_1024 : i1 to i32
    %add3A_1026 = arith.addi %add3A_1022, %convert_element_type3A_1025 : i32
    %add3A_1027 = arith.constant 1 : i32
    %add3A_1028 = arith.addi %add3A_1027, %add3A_1026 : i32
    %ge3A_1029 = arith.constant 2 : i32
    %ge3A_1030 = arith.cmpi sge, %add3A, %ge3A_1029 : i32
    %jit3A_1031 = arith.constant 2 : i32
    %jit3A_1032 = arith.constant 0 : i32
    %select_n3A_1033 = arith.select %ge3A_1030, %jit3A_1031, %jit3A_1032 : i32
    %add3A_1034 = arith.constant 0 : i32
    %add3A_1035 = arith.addi %add3A_1034, %select_n3A_1033 : i32
    %ge3A_1036 = arith.constant 6 : i32
    %ge3A_1037 = arith.cmpi sge, %add3A, %ge3A_1036 : i32
    %jit3A_1038 = arith.constant 4 : i32
    %jit3A_1039 = arith.constant 0 : i32
    %select_n3A_1040 = arith.select %ge3A_1037, %jit3A_1038, %jit3A_1039 : i32
    %add3A_1041 = arith.addi %add3A_1035, %select_n3A_1040 : i32
    %ge3A_1042 = arith.constant 12 : i32
    %ge3A_1043 = arith.cmpi sge, %add3A, %ge3A_1042 : i32
    %jit3A_1044 = arith.constant 6 : i32
    %jit3A_1045 = arith.constant 0 : i32
    %select_n3A_1046 = arith.select %ge3A_1043, %jit3A_1044, %jit3A_1045 : i32
    %add3A_1047 = arith.addi %add3A_1041, %select_n3A_1046 : i32
    %ge3A_1048 = arith.constant 20 : i32
    %ge3A_1049 = arith.cmpi sge, %add3A, %ge3A_1048 : i32
    %jit3A_1050 = arith.constant 8 : i32
    %jit3A_1051 = arith.constant 0 : i32
    %select_n3A_1052 = arith.select %ge3A_1049, %jit3A_1050, %jit3A_1051 : i32
    %add3A_1053 = arith.addi %add3A_1047, %select_n3A_1052 : i32
    %ge3A_1054 = arith.constant 30 : i32
    %ge3A_1055 = arith.cmpi sge, %add3A, %ge3A_1054 : i32
    %jit3A_1056 = arith.constant 10 : i32
    %jit3A_1057 = arith.constant 0 : i32
    %select_n3A_1058 = arith.select %ge3A_1055, %jit3A_1056, %jit3A_1057 : i32
    %add3A_1059 = arith.addi %add3A_1053, %select_n3A_1058 : i32
    %ge3A_1060 = arith.constant 42 : i32
    %ge3A_1061 = arith.cmpi sge, %add3A, %ge3A_1060 : i32
    %jit3A_1062 = arith.constant 12 : i32
    %jit3A_1063 = arith.constant 0 : i32
    %select_n3A_1064 = arith.select %ge3A_1061, %jit3A_1062, %jit3A_1063 : i32
    %add3A_1065 = arith.addi %add3A_1059, %select_n3A_1064 : i32
    %mul3A_1066 = arith.constant 2048 : i32
    %mul3A_1067 = arith.muli %add3A_1028, %mul3A_1066 : i32
    %mul3A_1068 = arith.constant 256 : i32
    %mul3A_1069 = arith.muli %mul3A_1068, %add3A_1028 : i32
    %sub3A_1070 = arith.constant 2048 : i32
    %sub3A_1071 = arith.subi %sub3A_1070, %mul3A_1069 : i32
    %add3A_1072 = arith.addi %mul3A_1067, %sub3A_1071 : i32
    %sub3A_1073 = arith.subi %add3A, %add3A_1065 : i32
    %mul3A_1074 = arith.constant 128 : i32
    %mul3A_1075 = arith.muli %sub3A_1073, %mul3A_1074 : i32
    %add3A_1076 = arith.addi %add3A_1072, %mul3A_1075 : i32
    %add3A_1077 = arith.constant 32 : i32
    %add3A_1078 = arith.addi %add3A, %add3A_1077 : i32
    %ge3A_1079 = arith.constant 2 : i32
    %ge3A_1080 = arith.cmpi sge, %add3A_1078, %ge3A_1079 : i32
    %convert_element_type3A_1081 = arith.extui %ge3A_1080 : i1 to i32
    %add3A_1082 = arith.constant 0 : i32
    %add3A_1083 = arith.addi %add3A_1082, %convert_element_type3A_1081 : i32
    %ge3A_1084 = arith.constant 6 : i32
    %ge3A_1085 = arith.cmpi sge, %add3A_1078, %ge3A_1084 : i32
    %convert_element_type3A_1086 = arith.extui %ge3A_1085 : i1 to i32
    %add3A_1087 = arith.addi %add3A_1083, %convert_element_type3A_1086 : i32
    %ge3A_1088 = arith.constant 12 : i32
    %ge3A_1089 = arith.cmpi sge, %add3A_1078, %ge3A_1088 : i32
    %convert_element_type3A_1090 = arith.extui %ge3A_1089 : i1 to i32
    %add3A_1091 = arith.addi %add3A_1087, %convert_element_type3A_1090 : i32
    %ge3A_1092 = arith.constant 20 : i32
    %ge3A_1093 = arith.cmpi sge, %add3A_1078, %ge3A_1092 : i32
    %convert_element_type3A_1094 = arith.extui %ge3A_1093 : i1 to i32
    %add3A_1095 = arith.addi %add3A_1091, %convert_element_type3A_1094 : i32
    %ge3A_1096 = arith.constant 30 : i32
    %ge3A_1097 = arith.cmpi sge, %add3A_1078, %ge3A_1096 : i32
    %convert_element_type3A_1098 = arith.extui %ge3A_1097 : i1 to i32
    %add3A_1099 = arith.addi %add3A_1095, %convert_element_type3A_1098 : i32
    %ge3A_1100 = arith.constant 42 : i32
    %ge3A_1101 = arith.cmpi sge, %add3A_1078, %ge3A_1100 : i32
    %convert_element_type3A_1102 = arith.extui %ge3A_1101 : i1 to i32
    %add3A_1103 = arith.addi %add3A_1099, %convert_element_type3A_1102 : i32
    %add3A_1104 = arith.constant 1 : i32
    %add3A_1105 = arith.addi %add3A_1104, %add3A_1103 : i32
    %ge3A_1106 = arith.constant 2 : i32
    %ge3A_1107 = arith.cmpi sge, %add3A_1078, %ge3A_1106 : i32
    %jit3A_1108 = arith.constant 2 : i32
    %jit3A_1109 = arith.constant 0 : i32
    %select_n3A_1110 = arith.select %ge3A_1107, %jit3A_1108, %jit3A_1109 : i32
    %add3A_1111 = arith.constant 0 : i32
    %add3A_1112 = arith.addi %add3A_1111, %select_n3A_1110 : i32
    %ge3A_1113 = arith.constant 6 : i32
    %ge3A_1114 = arith.cmpi sge, %add3A_1078, %ge3A_1113 : i32
    %jit3A_1115 = arith.constant 4 : i32
    %jit3A_1116 = arith.constant 0 : i32
    %select_n3A_1117 = arith.select %ge3A_1114, %jit3A_1115, %jit3A_1116 : i32
    %add3A_1118 = arith.addi %add3A_1112, %select_n3A_1117 : i32
    %ge3A_1119 = arith.constant 12 : i32
    %ge3A_1120 = arith.cmpi sge, %add3A_1078, %ge3A_1119 : i32
    %jit3A_1121 = arith.constant 6 : i32
    %jit3A_1122 = arith.constant 0 : i32
    %select_n3A_1123 = arith.select %ge3A_1120, %jit3A_1121, %jit3A_1122 : i32
    %add3A_1124 = arith.addi %add3A_1118, %select_n3A_1123 : i32
    %ge3A_1125 = arith.constant 20 : i32
    %ge3A_1126 = arith.cmpi sge, %add3A_1078, %ge3A_1125 : i32
    %jit3A_1127 = arith.constant 8 : i32
    %jit3A_1128 = arith.constant 0 : i32
    %select_n3A_1129 = arith.select %ge3A_1126, %jit3A_1127, %jit3A_1128 : i32
    %add3A_1130 = arith.addi %add3A_1124, %select_n3A_1129 : i32
    %ge3A_1131 = arith.constant 30 : i32
    %ge3A_1132 = arith.cmpi sge, %add3A_1078, %ge3A_1131 : i32
    %jit3A_1133 = arith.constant 10 : i32
    %jit3A_1134 = arith.constant 0 : i32
    %select_n3A_1135 = arith.select %ge3A_1132, %jit3A_1133, %jit3A_1134 : i32
    %add3A_1136 = arith.addi %add3A_1130, %select_n3A_1135 : i32
    %ge3A_1137 = arith.constant 42 : i32
    %ge3A_1138 = arith.cmpi sge, %add3A_1078, %ge3A_1137 : i32
    %jit3A_1139 = arith.constant 12 : i32
    %jit3A_1140 = arith.constant 0 : i32
    %select_n3A_1141 = arith.select %ge3A_1138, %jit3A_1139, %jit3A_1140 : i32
    %add3A_1142 = arith.addi %add3A_1136, %select_n3A_1141 : i32
    %mul3A_1143 = arith.constant 2048 : i32
    %mul3A_1144 = arith.muli %add3A_1105, %mul3A_1143 : i32
    %mul3A_1145 = arith.constant 256 : i32
    %mul3A_1146 = arith.muli %mul3A_1145, %add3A_1105 : i32
    %sub3A_1147 = arith.constant 2048 : i32
    %sub3A_1148 = arith.subi %sub3A_1147, %mul3A_1146 : i32
    %add3A_1149 = arith.addi %mul3A_1144, %sub3A_1148 : i32
    %sub3A_1150 = arith.subi %add3A_1078, %add3A_1142 : i32
    %mul3A_1151 = arith.constant 128 : i32
    %mul3A_1152 = arith.muli %sub3A_1150, %mul3A_1151 : i32
    %add3A_1153 = arith.addi %add3A_1149, %mul3A_1152 : i32
    %dma_start3A_1154 = arith.constant 0 : i32
    %dma_start3A_1155 = tpu.memref_slice %arg4[%add3A_1076, %dma_start3A_1154] : memref<16384x1024xf32, #tpu.memory_space<hbm>> -> memref<128x1024xf32, #tpu.memory_space<hbm>>
    tpu.enqueue_dma source(%arg13 : memref<128x1024xf32, #tpu.memory_space<vmem_shared>>) target(%dma_start3A_1155 : memref<128x1024xf32, #tpu.memory_space<hbm>>) target_semaphore(%arg20 : memref<!tpu.dma_semaphore, #tpu.memory_space<semaphore_mem>>)
    %lt3A = arith.constant 24 : i32
    %lt3A_1156 = arith.cmpi slt, %add3A, %lt3A : i32
    %convert_element_type3A_1157 = arith.extui %lt3A_1156 : i1 to i32
    %cond3A_1158 = arith.constant 0 : i32
    %cond3A_1159 = arith.cmpi ne, %convert_element_type3A_1157, %cond3A_1158 : i32
    scf.if %cond3A_1159 {
      %dma_start3A_1318 = arith.constant 0 : i32
      %dma_start3A_1319 = tpu.memref_slice %arg4[%add3A_1153, %dma_start3A_1318] : memref<16384x1024xf32, #tpu.memory_space<hbm>> -> memref<128x1024xf32, #tpu.memory_space<hbm>>
      tpu.enqueue_dma source(%arg13 : memref<128x1024xf32, #tpu.memory_space<vmem_shared>>) target(%dma_start3A_1319 : memref<128x1024xf32, #tpu.memory_space<hbm>>) target_semaphore(%arg20 : memref<!tpu.dma_semaphore, #tpu.memory_space<semaphore_mem>>)
    } else {
    }
    %dma_start3A_1160 = arith.constant 64 : i32
    %dma_start3A_1161 = tpu.memref_slice %arg7[%dma_start3A_1160] : memref<288xi32, #tpu.memory_space<vmem>> -> memref<32xi32, #tpu.memory_space<vmem>>
    %dma_start3A_1162 = arith.constant 0 : i32
    %dma_start3A_1163 = arith.constant 0 : i32
    %dma_start3A_1164 = tpu.memref_slice %arg2[%dma_start3A_1162, %dma_start3A_1163] : memref<9216x1024xf32, #tpu.memory_space<hbm>> -> memref<9216x1024xf32, #tpu.memory_space<hbm>>
    tpu.enqueue_indirect_dma source(%dma_start3A_1164 : memref<9216x1024xf32, #tpu.memory_space<hbm>>) target(%arg10 : memref<32x1024xf32, #tpu.memory_space<vmem>>) offsets(%dma_start3A_1161 : memref<32xi32, #tpu.memory_space<vmem>>) semaphore(%arg16 : memref<!tpu.dma_semaphore, #tpu.memory_space<semaphore_mem>>)
    %dma_wait3A = arith.constant 0 : i32
    %dma_wait3A_1165 = tpu.memref_slice %arg7[%dma_wait3A] : memref<288xi32, #tpu.memory_space<vmem>> -> memref<32xi32, #tpu.memory_space<vmem>>
    %dma_wait3A_1166 = arith.constant 0 : i32
    %dma_wait3A_1167 = arith.constant 0 : i32
    %dma_wait3A_1168 = tpu.memref_slice %arg2[%dma_wait3A_1166, %dma_wait3A_1167] : memref<9216x1024xf32, #tpu.memory_space<hbm>> -> memref<9216x1024xf32, #tpu.memory_space<hbm>>
    tpu.wait_indirect_dma semaphore(%arg14 : memref<!tpu.dma_semaphore, #tpu.memory_space<semaphore_mem>>) src(%dma_wait3A_1168 : memref<9216x1024xf32, #tpu.memory_space<hbm>>) dst(%arg8 : memref<32x1024xf32, #tpu.memory_space<vmem>>)
    %dma_start3A_1169 = arith.constant 0 : i32
    %dma_start3A_1170 = tpu.memref_slice %arg4[%add3A_80, %dma_start3A_1169] : memref<16384x1024xf32, #tpu.memory_space<hbm>> -> memref<32x1024xf32, #tpu.memory_space<hbm>>
    %dma_start3A_1171 = arith.constant 0 : i32
    %dma_start3A_1172 = tpu.memref_slice %arg4[%add3A_80, %dma_start3A_1171] : memref<16384x1024xf32, #tpu.memory_space<hbm>> -> memref<32x1024xf32, #tpu.memory_space<hbm>>
    tpu.enqueue_dma source(%arg8 : memref<32x1024xf32, #tpu.memory_space<vmem>>) target(%dma_start3A_1172 : memref<32x1024xf32, #tpu.memory_space<hbm>>) target_semaphore(%arg17 : memref<!tpu.dma_semaphore, #tpu.memory_space<semaphore_mem>>)
    %dma_wait3A_1173 = arith.constant 0 : i32
    %dma_wait3A_1174 = tpu.memref_slice %arg4[%add3A_80, %dma_wait3A_1173] : memref<16384x1024xf32, #tpu.memory_space<hbm>> -> memref<32x1024xf32, #tpu.memory_space<hbm>>
    %dma_wait3A_1175 = arith.constant 0 : i32
    %dma_wait3A_1176 = tpu.memref_slice %arg4[%add3A_80, %dma_wait3A_1175] : memref<16384x1024xf32, #tpu.memory_space<hbm>> -> memref<32x1024xf32, #tpu.memory_space<hbm>>
    tpu.wait_dma2 semaphore(%arg17 : memref<!tpu.dma_semaphore, #tpu.memory_space<semaphore_mem>>) src(%arg8 : memref<32x1024xf32, #tpu.memory_space<vmem>>) dst(%dma_wait3A_1176 : memref<32x1024xf32, #tpu.memory_space<hbm>>)
    %dma_start3A_1177 = arith.constant 96 : i32
    %dma_start3A_1178 = tpu.memref_slice %arg7[%dma_start3A_1177] : memref<288xi32, #tpu.memory_space<vmem>> -> memref<32xi32, #tpu.memory_space<vmem>>
    %dma_start3A_1179 = arith.constant 0 : i32
    %dma_start3A_1180 = arith.constant 0 : i32
    %dma_start3A_1181 = tpu.memref_slice %arg2[%dma_start3A_1179, %dma_start3A_1180] : memref<9216x1024xf32, #tpu.memory_space<hbm>> -> memref<9216x1024xf32, #tpu.memory_space<hbm>>
    tpu.enqueue_indirect_dma source(%dma_start3A_1181 : memref<9216x1024xf32, #tpu.memory_space<hbm>>) target(%arg8 : memref<32x1024xf32, #tpu.memory_space<vmem>>) offsets(%dma_start3A_1178 : memref<32xi32, #tpu.memory_space<vmem>>) semaphore(%arg14 : memref<!tpu.dma_semaphore, #tpu.memory_space<semaphore_mem>>)
    %dma_wait3A_1182 = arith.constant 32 : i32
    %dma_wait3A_1183 = tpu.memref_slice %arg7[%dma_wait3A_1182] : memref<288xi32, #tpu.memory_space<vmem>> -> memref<32xi32, #tpu.memory_space<vmem>>
    %dma_wait3A_1184 = arith.constant 0 : i32
    %dma_wait3A_1185 = arith.constant 0 : i32
    %dma_wait3A_1186 = tpu.memref_slice %arg2[%dma_wait3A_1184, %dma_wait3A_1185] : memref<9216x1024xf32, #tpu.memory_space<hbm>> -> memref<9216x1024xf32, #tpu.memory_space<hbm>>
    tpu.wait_indirect_dma semaphore(%arg15 : memref<!tpu.dma_semaphore, #tpu.memory_space<semaphore_mem>>) src(%dma_wait3A_1186 : memref<9216x1024xf32, #tpu.memory_space<hbm>>) dst(%arg9 : memref<32x1024xf32, #tpu.memory_space<vmem>>)
    %dma_start3A_1187 = arith.constant 0 : i32
    %dma_start3A_1188 = tpu.memref_slice %arg4[%add3A_191, %dma_start3A_1187] : memref<16384x1024xf32, #tpu.memory_space<hbm>> -> memref<32x1024xf32, #tpu.memory_space<hbm>>
    %dma_start3A_1189 = arith.constant 0 : i32
    %dma_start3A_1190 = tpu.memref_slice %arg4[%add3A_191, %dma_start3A_1189] : memref<16384x1024xf32, #tpu.memory_space<hbm>> -> memref<32x1024xf32, #tpu.memory_space<hbm>>
    tpu.enqueue_dma source(%arg9 : memref<32x1024xf32, #tpu.memory_space<vmem>>) target(%dma_start3A_1190 : memref<32x1024xf32, #tpu.memory_space<hbm>>) target_semaphore(%arg18 : memref<!tpu.dma_semaphore, #tpu.memory_space<semaphore_mem>>)
    %dma_wait3A_1191 = arith.constant 0 : i32
    %dma_wait3A_1192 = tpu.memref_slice %arg4[%add3A_191, %dma_wait3A_1191] : memref<16384x1024xf32, #tpu.memory_space<hbm>> -> memref<32x1024xf32, #tpu.memory_space<hbm>>
    %dma_wait3A_1193 = arith.constant 0 : i32
    %dma_wait3A_1194 = tpu.memref_slice %arg4[%add3A_191, %dma_wait3A_1193] : memref<16384x1024xf32, #tpu.memory_space<hbm>> -> memref<32x1024xf32, #tpu.memory_space<hbm>>
    tpu.wait_dma2 semaphore(%arg18 : memref<!tpu.dma_semaphore, #tpu.memory_space<semaphore_mem>>) src(%arg9 : memref<32x1024xf32, #tpu.memory_space<vmem>>) dst(%dma_wait3A_1194 : memref<32x1024xf32, #tpu.memory_space<hbm>>)
    %dma_start3A_1195 = arith.constant 128 : i32
    %dma_start3A_1196 = tpu.memref_slice %arg7[%dma_start3A_1195] : memref<288xi32, #tpu.memory_space<vmem>> -> memref<32xi32, #tpu.memory_space<vmem>>
    %dma_start3A_1197 = arith.constant 0 : i32
    %dma_start3A_1198 = arith.constant 0 : i32
    %dma_start3A_1199 = tpu.memref_slice %arg2[%dma_start3A_1197, %dma_start3A_1198] : memref<9216x1024xf32, #tpu.memory_space<hbm>> -> memref<9216x1024xf32, #tpu.memory_space<hbm>>
    tpu.enqueue_indirect_dma source(%dma_start3A_1199 : memref<9216x1024xf32, #tpu.memory_space<hbm>>) target(%arg9 : memref<32x1024xf32, #tpu.memory_space<vmem>>) offsets(%dma_start3A_1196 : memref<32xi32, #tpu.memory_space<vmem>>) semaphore(%arg15 : memref<!tpu.dma_semaphore, #tpu.memory_space<semaphore_mem>>)
    %dma_wait3A_1200 = arith.constant 64 : i32
    %dma_wait3A_1201 = tpu.memref_slice %arg7[%dma_wait3A_1200] : memref<288xi32, #tpu.memory_space<vmem>> -> memref<32xi32, #tpu.memory_space<vmem>>
    %dma_wait3A_1202 = arith.constant 0 : i32
    %dma_wait3A_1203 = arith.constant 0 : i32
    %dma_wait3A_1204 = tpu.memref_slice %arg2[%dma_wait3A_1202, %dma_wait3A_1203] : memref<9216x1024xf32, #tpu.memory_space<hbm>> -> memref<9216x1024xf32, #tpu.memory_space<hbm>>
    tpu.wait_indirect_dma semaphore(%arg16 : memref<!tpu.dma_semaphore, #tpu.memory_space<semaphore_mem>>) src(%dma_wait3A_1204 : memref<9216x1024xf32, #tpu.memory_space<hbm>>) dst(%arg10 : memref<32x1024xf32, #tpu.memory_space<vmem>>)
    %dma_start3A_1205 = arith.constant 0 : i32
    %dma_start3A_1206 = tpu.memref_slice %arg4[%add3A_306, %dma_start3A_1205] : memref<16384x1024xf32, #tpu.memory_space<hbm>> -> memref<32x1024xf32, #tpu.memory_space<hbm>>
    %dma_start3A_1207 = arith.constant 0 : i32
    %dma_start3A_1208 = tpu.memref_slice %arg4[%add3A_306, %dma_start3A_1207] : memref<16384x1024xf32, #tpu.memory_space<hbm>> -> memref<32x1024xf32, #tpu.memory_space<hbm>>
    tpu.enqueue_dma source(%arg10 : memref<32x1024xf32, #tpu.memory_space<vmem>>) target(%dma_start3A_1208 : memref<32x1024xf32, #tpu.memory_space<hbm>>) target_semaphore(%arg19 : memref<!tpu.dma_semaphore, #tpu.memory_space<semaphore_mem>>)
    %dma_wait3A_1209 = arith.constant 0 : i32
    %dma_wait3A_1210 = tpu.memref_slice %arg4[%add3A_306, %dma_wait3A_1209] : memref<16384x1024xf32, #tpu.memory_space<hbm>> -> memref<32x1024xf32, #tpu.memory_space<hbm>>
    %dma_wait3A_1211 = arith.constant 0 : i32
    %dma_wait3A_1212 = tpu.memref_slice %arg4[%add3A_306, %dma_wait3A_1211] : memref<16384x1024xf32, #tpu.memory_space<hbm>> -> memref<32x1024xf32, #tpu.memory_space<hbm>>
    tpu.wait_dma2 semaphore(%arg19 : memref<!tpu.dma_semaphore, #tpu.memory_space<semaphore_mem>>) src(%arg10 : memref<32x1024xf32, #tpu.memory_space<vmem>>) dst(%dma_wait3A_1212 : memref<32x1024xf32, #tpu.memory_space<hbm>>)
    %dma_start3A_1213 = arith.constant 160 : i32
    %dma_start3A_1214 = tpu.memref_slice %arg7[%dma_start3A_1213] : memref<288xi32, #tpu.memory_space<vmem>> -> memref<32xi32, #tpu.memory_space<vmem>>
    %dma_start3A_1215 = arith.constant 0 : i32
    %dma_start3A_1216 = arith.constant 0 : i32
    %dma_start3A_1217 = tpu.memref_slice %arg2[%dma_start3A_1215, %dma_start3A_1216] : memref<9216x1024xf32, #tpu.memory_space<hbm>> -> memref<9216x1024xf32, #tpu.memory_space<hbm>>
    tpu.enqueue_indirect_dma source(%dma_start3A_1217 : memref<9216x1024xf32, #tpu.memory_space<hbm>>) target(%arg10 : memref<32x1024xf32, #tpu.memory_space<vmem>>) offsets(%dma_start3A_1214 : memref<32xi32, #tpu.memory_space<vmem>>) semaphore(%arg16 : memref<!tpu.dma_semaphore, #tpu.memory_space<semaphore_mem>>)
    %dma_wait3A_1218 = arith.constant 96 : i32
    %dma_wait3A_1219 = tpu.memref_slice %arg7[%dma_wait3A_1218] : memref<288xi32, #tpu.memory_space<vmem>> -> memref<32xi32, #tpu.memory_space<vmem>>
    %dma_wait3A_1220 = arith.constant 0 : i32
    %dma_wait3A_1221 = arith.constant 0 : i32
    %dma_wait3A_1222 = tpu.memref_slice %arg2[%dma_wait3A_1220, %dma_wait3A_1221] : memref<9216x1024xf32, #tpu.memory_space<hbm>> -> memref<9216x1024xf32, #tpu.memory_space<hbm>>
    tpu.wait_indirect_dma semaphore(%arg14 : memref<!tpu.dma_semaphore, #tpu.memory_space<semaphore_mem>>) src(%dma_wait3A_1222 : memref<9216x1024xf32, #tpu.memory_space<hbm>>) dst(%arg8 : memref<32x1024xf32, #tpu.memory_space<vmem>>)
    %dma_start3A_1223 = arith.constant 0 : i32
    %dma_start3A_1224 = tpu.memref_slice %arg4[%add3A_416, %dma_start3A_1223] : memref<16384x1024xf32, #tpu.memory_space<hbm>> -> memref<32x1024xf32, #tpu.memory_space<hbm>>
    %dma_start3A_1225 = arith.constant 0 : i32
    %dma_start3A_1226 = tpu.memref_slice %arg4[%add3A_416, %dma_start3A_1225] : memref<16384x1024xf32, #tpu.memory_space<hbm>> -> memref<32x1024xf32, #tpu.memory_space<hbm>>
    tpu.enqueue_dma source(%arg8 : memref<32x1024xf32, #tpu.memory_space<vmem>>) target(%dma_start3A_1226 : memref<32x1024xf32, #tpu.memory_space<hbm>>) target_semaphore(%arg17 : memref<!tpu.dma_semaphore, #tpu.memory_space<semaphore_mem>>)
    %dma_wait3A_1227 = arith.constant 0 : i32
    %dma_wait3A_1228 = tpu.memref_slice %arg4[%add3A_416, %dma_wait3A_1227] : memref<16384x1024xf32, #tpu.memory_space<hbm>> -> memref<32x1024xf32, #tpu.memory_space<hbm>>
    %dma_wait3A_1229 = arith.constant 0 : i32
    %dma_wait3A_1230 = tpu.memref_slice %arg4[%add3A_416, %dma_wait3A_1229] : memref<16384x1024xf32, #tpu.memory_space<hbm>> -> memref<32x1024xf32, #tpu.memory_space<hbm>>
    tpu.wait_dma2 semaphore(%arg17 : memref<!tpu.dma_semaphore, #tpu.memory_space<semaphore_mem>>) src(%arg8 : memref<32x1024xf32, #tpu.memory_space<vmem>>) dst(%dma_wait3A_1230 : memref<32x1024xf32, #tpu.memory_space<hbm>>)
    %dma_start3A_1231 = arith.constant 192 : i32
    %dma_start3A_1232 = tpu.memref_slice %arg7[%dma_start3A_1231] : memref<288xi32, #tpu.memory_space<vmem>> -> memref<32xi32, #tpu.memory_space<vmem>>
    %dma_start3A_1233 = arith.constant 0 : i32
    %dma_start3A_1234 = arith.constant 0 : i32
    %dma_start3A_1235 = tpu.memref_slice %arg2[%dma_start3A_1233, %dma_start3A_1234] : memref<9216x1024xf32, #tpu.memory_space<hbm>> -> memref<9216x1024xf32, #tpu.memory_space<hbm>>
    tpu.enqueue_indirect_dma source(%dma_start3A_1235 : memref<9216x1024xf32, #tpu.memory_space<hbm>>) target(%arg8 : memref<32x1024xf32, #tpu.memory_space<vmem>>) offsets(%dma_start3A_1232 : memref<32xi32, #tpu.memory_space<vmem>>) semaphore(%arg14 : memref<!tpu.dma_semaphore, #tpu.memory_space<semaphore_mem>>)
    %dma_wait3A_1236 = arith.constant 128 : i32
    %dma_wait3A_1237 = tpu.memref_slice %arg7[%dma_wait3A_1236] : memref<288xi32, #tpu.memory_space<vmem>> -> memref<32xi32, #tpu.memory_space<vmem>>
    %dma_wait3A_1238 = arith.constant 0 : i32
    %dma_wait3A_1239 = arith.constant 0 : i32
    %dma_wait3A_1240 = tpu.memref_slice %arg2[%dma_wait3A_1238, %dma_wait3A_1239] : memref<9216x1024xf32, #tpu.memory_space<hbm>> -> memref<9216x1024xf32, #tpu.memory_space<hbm>>
    tpu.wait_indirect_dma semaphore(%arg15 : memref<!tpu.dma_semaphore, #tpu.memory_space<semaphore_mem>>) src(%dma_wait3A_1240 : memref<9216x1024xf32, #tpu.memory_space<hbm>>) dst(%arg9 : memref<32x1024xf32, #tpu.memory_space<vmem>>)
    %dma_start3A_1241 = arith.constant 0 : i32
    %dma_start3A_1242 = tpu.memref_slice %arg4[%add3A_526, %dma_start3A_1241] : memref<16384x1024xf32, #tpu.memory_space<hbm>> -> memref<32x1024xf32, #tpu.memory_space<hbm>>
    %dma_start3A_1243 = arith.constant 0 : i32
    %dma_start3A_1244 = tpu.memref_slice %arg4[%add3A_526, %dma_start3A_1243] : memref<16384x1024xf32, #tpu.memory_space<hbm>> -> memref<32x1024xf32, #tpu.memory_space<hbm>>
    tpu.enqueue_dma source(%arg9 : memref<32x1024xf32, #tpu.memory_space<vmem>>) target(%dma_start3A_1244 : memref<32x1024xf32, #tpu.memory_space<hbm>>) target_semaphore(%arg18 : memref<!tpu.dma_semaphore, #tpu.memory_space<semaphore_mem>>)
    %dma_wait3A_1245 = arith.constant 0 : i32
    %dma_wait3A_1246 = tpu.memref_slice %arg4[%add3A_526, %dma_wait3A_1245] : memref<16384x1024xf32, #tpu.memory_space<hbm>> -> memref<32x1024xf32, #tpu.memory_space<hbm>>
    %dma_wait3A_1247 = arith.constant 0 : i32
    %dma_wait3A_1248 = tpu.memref_slice %arg4[%add3A_526, %dma_wait3A_1247] : memref<16384x1024xf32, #tpu.memory_space<hbm>> -> memref<32x1024xf32, #tpu.memory_space<hbm>>
    tpu.wait_dma2 semaphore(%arg18 : memref<!tpu.dma_semaphore, #tpu.memory_space<semaphore_mem>>) src(%arg9 : memref<32x1024xf32, #tpu.memory_space<vmem>>) dst(%dma_wait3A_1248 : memref<32x1024xf32, #tpu.memory_space<hbm>>)
    %dma_start3A_1249 = arith.constant 224 : i32
    %dma_start3A_1250 = tpu.memref_slice %arg7[%dma_start3A_1249] : memref<288xi32, #tpu.memory_space<vmem>> -> memref<32xi32, #tpu.memory_space<vmem>>
    %dma_start3A_1251 = arith.constant 0 : i32
    %dma_start3A_1252 = arith.constant 0 : i32
    %dma_start3A_1253 = tpu.memref_slice %arg2[%dma_start3A_1251, %dma_start3A_1252] : memref<9216x1024xf32, #tpu.memory_space<hbm>> -> memref<9216x1024xf32, #tpu.memory_space<hbm>>
    tpu.enqueue_indirect_dma source(%dma_start3A_1253 : memref<9216x1024xf32, #tpu.memory_space<hbm>>) target(%arg9 : memref<32x1024xf32, #tpu.memory_space<vmem>>) offsets(%dma_start3A_1250 : memref<32xi32, #tpu.memory_space<vmem>>) semaphore(%arg15 : memref<!tpu.dma_semaphore, #tpu.memory_space<semaphore_mem>>)
    %dma_wait3A_1254 = arith.constant 160 : i32
    %dma_wait3A_1255 = tpu.memref_slice %arg7[%dma_wait3A_1254] : memref<288xi32, #tpu.memory_space<vmem>> -> memref<32xi32, #tpu.memory_space<vmem>>
    %dma_wait3A_1256 = arith.constant 0 : i32
    %dma_wait3A_1257 = arith.constant 0 : i32
    %dma_wait3A_1258 = tpu.memref_slice %arg2[%dma_wait3A_1256, %dma_wait3A_1257] : memref<9216x1024xf32, #tpu.memory_space<hbm>> -> memref<9216x1024xf32, #tpu.memory_space<hbm>>
    tpu.wait_indirect_dma semaphore(%arg16 : memref<!tpu.dma_semaphore, #tpu.memory_space<semaphore_mem>>) src(%dma_wait3A_1258 : memref<9216x1024xf32, #tpu.memory_space<hbm>>) dst(%arg10 : memref<32x1024xf32, #tpu.memory_space<vmem>>)
    %dma_start3A_1259 = arith.constant 0 : i32
    %dma_start3A_1260 = tpu.memref_slice %arg4[%add3A_636, %dma_start3A_1259] : memref<16384x1024xf32, #tpu.memory_space<hbm>> -> memref<32x1024xf32, #tpu.memory_space<hbm>>
    %dma_start3A_1261 = arith.constant 0 : i32
    %dma_start3A_1262 = tpu.memref_slice %arg4[%add3A_636, %dma_start3A_1261] : memref<16384x1024xf32, #tpu.memory_space<hbm>> -> memref<32x1024xf32, #tpu.memory_space<hbm>>
    tpu.enqueue_dma source(%arg10 : memref<32x1024xf32, #tpu.memory_space<vmem>>) target(%dma_start3A_1262 : memref<32x1024xf32, #tpu.memory_space<hbm>>) target_semaphore(%arg19 : memref<!tpu.dma_semaphore, #tpu.memory_space<semaphore_mem>>)
    %dma_wait3A_1263 = arith.constant 0 : i32
    %dma_wait3A_1264 = tpu.memref_slice %arg4[%add3A_636, %dma_wait3A_1263] : memref<16384x1024xf32, #tpu.memory_space<hbm>> -> memref<32x1024xf32, #tpu.memory_space<hbm>>
    %dma_wait3A_1265 = arith.constant 0 : i32
    %dma_wait3A_1266 = tpu.memref_slice %arg4[%add3A_636, %dma_wait3A_1265] : memref<16384x1024xf32, #tpu.memory_space<hbm>> -> memref<32x1024xf32, #tpu.memory_space<hbm>>
    tpu.wait_dma2 semaphore(%arg19 : memref<!tpu.dma_semaphore, #tpu.memory_space<semaphore_mem>>) src(%arg10 : memref<32x1024xf32, #tpu.memory_space<vmem>>) dst(%dma_wait3A_1266 : memref<32x1024xf32, #tpu.memory_space<hbm>>)
    %dma_start3A_1267 = arith.constant 256 : i32
    %dma_start3A_1268 = tpu.memref_slice %arg7[%dma_start3A_1267] : memref<288xi32, #tpu.memory_space<vmem>> -> memref<32xi32, #tpu.memory_space<vmem>>
    %dma_start3A_1269 = arith.constant 0 : i32
    %dma_start3A_1270 = arith.constant 0 : i32
    %dma_start3A_1271 = tpu.memref_slice %arg2[%dma_start3A_1269, %dma_start3A_1270] : memref<9216x1024xf32, #tpu.memory_space<hbm>> -> memref<9216x1024xf32, #tpu.memory_space<hbm>>
    tpu.enqueue_indirect_dma source(%dma_start3A_1271 : memref<9216x1024xf32, #tpu.memory_space<hbm>>) target(%arg10 : memref<32x1024xf32, #tpu.memory_space<vmem>>) offsets(%dma_start3A_1268 : memref<32xi32, #tpu.memory_space<vmem>>) semaphore(%arg16 : memref<!tpu.dma_semaphore, #tpu.memory_space<semaphore_mem>>)
    %dma_wait3A_1272 = arith.constant 192 : i32
    %dma_wait3A_1273 = tpu.memref_slice %arg7[%dma_wait3A_1272] : memref<288xi32, #tpu.memory_space<vmem>> -> memref<32xi32, #tpu.memory_space<vmem>>
    %dma_wait3A_1274 = arith.constant 0 : i32
    %dma_wait3A_1275 = arith.constant 0 : i32
    %dma_wait3A_1276 = tpu.memref_slice %arg2[%dma_wait3A_1274, %dma_wait3A_1275] : memref<9216x1024xf32, #tpu.memory_space<hbm>> -> memref<9216x1024xf32, #tpu.memory_space<hbm>>
    tpu.wait_indirect_dma semaphore(%arg14 : memref<!tpu.dma_semaphore, #tpu.memory_space<semaphore_mem>>) src(%dma_wait3A_1276 : memref<9216x1024xf32, #tpu.memory_space<hbm>>) dst(%arg8 : memref<32x1024xf32, #tpu.memory_space<vmem>>)
    %dma_start3A_1277 = arith.constant 0 : i32
    %dma_start3A_1278 = tpu.memref_slice %arg4[%add3A_746, %dma_start3A_1277] : memref<16384x1024xf32, #tpu.memory_space<hbm>> -> memref<32x1024xf32, #tpu.memory_space<hbm>>
    %dma_start3A_1279 = arith.constant 0 : i32
    %dma_start3A_1280 = tpu.memref_slice %arg4[%add3A_746, %dma_start3A_1279] : memref<16384x1024xf32, #tpu.memory_space<hbm>> -> memref<32x1024xf32, #tpu.memory_space<hbm>>
    tpu.enqueue_dma source(%arg8 : memref<32x1024xf32, #tpu.memory_space<vmem>>) target(%dma_start3A_1280 : memref<32x1024xf32, #tpu.memory_space<hbm>>) target_semaphore(%arg17 : memref<!tpu.dma_semaphore, #tpu.memory_space<semaphore_mem>>)
    %dma_wait3A_1281 = arith.constant 224 : i32
    %dma_wait3A_1282 = tpu.memref_slice %arg7[%dma_wait3A_1281] : memref<288xi32, #tpu.memory_space<vmem>> -> memref<32xi32, #tpu.memory_space<vmem>>
    %dma_wait3A_1283 = arith.constant 0 : i32
    %dma_wait3A_1284 = arith.constant 0 : i32
    %dma_wait3A_1285 = tpu.memref_slice %arg2[%dma_wait3A_1283, %dma_wait3A_1284] : memref<9216x1024xf32, #tpu.memory_space<hbm>> -> memref<9216x1024xf32, #tpu.memory_space<hbm>>
    tpu.wait_indirect_dma semaphore(%arg15 : memref<!tpu.dma_semaphore, #tpu.memory_space<semaphore_mem>>) src(%dma_wait3A_1285 : memref<9216x1024xf32, #tpu.memory_space<hbm>>) dst(%arg9 : memref<32x1024xf32, #tpu.memory_space<vmem>>)
    %dma_start3A_1286 = arith.constant 0 : i32
    %dma_start3A_1287 = tpu.memref_slice %arg4[%add3A_856, %dma_start3A_1286] : memref<16384x1024xf32, #tpu.memory_space<hbm>> -> memref<32x1024xf32, #tpu.memory_space<hbm>>
    %dma_start3A_1288 = arith.constant 0 : i32
    %dma_start3A_1289 = tpu.memref_slice %arg4[%add3A_856, %dma_start3A_1288] : memref<16384x1024xf32, #tpu.memory_space<hbm>> -> memref<32x1024xf32, #tpu.memory_space<hbm>>
    tpu.enqueue_dma source(%arg9 : memref<32x1024xf32, #tpu.memory_space<vmem>>) target(%dma_start3A_1289 : memref<32x1024xf32, #tpu.memory_space<hbm>>) target_semaphore(%arg18 : memref<!tpu.dma_semaphore, #tpu.memory_space<semaphore_mem>>)
    %dma_wait3A_1290 = arith.constant 256 : i32
    %dma_wait3A_1291 = tpu.memref_slice %arg7[%dma_wait3A_1290] : memref<288xi32, #tpu.memory_space<vmem>> -> memref<32xi32, #tpu.memory_space<vmem>>
    %dma_wait3A_1292 = arith.constant 0 : i32
    %dma_wait3A_1293 = arith.constant 0 : i32
    %dma_wait3A_1294 = tpu.memref_slice %arg2[%dma_wait3A_1292, %dma_wait3A_1293] : memref<9216x1024xf32, #tpu.memory_space<hbm>> -> memref<9216x1024xf32, #tpu.memory_space<hbm>>
    tpu.wait_indirect_dma semaphore(%arg16 : memref<!tpu.dma_semaphore, #tpu.memory_space<semaphore_mem>>) src(%dma_wait3A_1294 : memref<9216x1024xf32, #tpu.memory_space<hbm>>) dst(%arg10 : memref<32x1024xf32, #tpu.memory_space<vmem>>)
    %dma_start3A_1295 = arith.constant 0 : i32
    %dma_start3A_1296 = tpu.memref_slice %arg4[%add3A_966, %dma_start3A_1295] : memref<16384x1024xf32, #tpu.memory_space<hbm>> -> memref<32x1024xf32, #tpu.memory_space<hbm>>
    %dma_start3A_1297 = arith.constant 0 : i32
    %dma_start3A_1298 = tpu.memref_slice %arg4[%add3A_966, %dma_start3A_1297] : memref<16384x1024xf32, #tpu.memory_space<hbm>> -> memref<32x1024xf32, #tpu.memory_space<hbm>>
    tpu.enqueue_dma source(%arg10 : memref<32x1024xf32, #tpu.memory_space<vmem>>) target(%dma_start3A_1298 : memref<32x1024xf32, #tpu.memory_space<hbm>>) target_semaphore(%arg19 : memref<!tpu.dma_semaphore, #tpu.memory_space<semaphore_mem>>)
    %dma_wait3A_1299 = arith.constant 0 : i32
    %dma_wait3A_1300 = tpu.memref_slice %arg4[%add3A_746, %dma_wait3A_1299] : memref<16384x1024xf32, #tpu.memory_space<hbm>> -> memref<32x1024xf32, #tpu.memory_space<hbm>>
    %dma_wait3A_1301 = arith.constant 0 : i32
    %dma_wait3A_1302 = tpu.memref_slice %arg4[%add3A_746, %dma_wait3A_1301] : memref<16384x1024xf32, #tpu.memory_space<hbm>> -> memref<32x1024xf32, #tpu.memory_space<hbm>>
    tpu.wait_dma2 semaphore(%arg17 : memref<!tpu.dma_semaphore, #tpu.memory_space<semaphore_mem>>) src(%arg8 : memref<32x1024xf32, #tpu.memory_space<vmem>>) dst(%dma_wait3A_1302 : memref<32x1024xf32, #tpu.memory_space<hbm>>)
    %dma_wait3A_1303 = arith.constant 0 : i32
    %dma_wait3A_1304 = tpu.memref_slice %arg4[%add3A_856, %dma_wait3A_1303] : memref<16384x1024xf32, #tpu.memory_space<hbm>> -> memref<32x1024xf32, #tpu.memory_space<hbm>>
    %dma_wait3A_1305 = arith.constant 0 : i32
    %dma_wait3A_1306 = tpu.memref_slice %arg4[%add3A_856, %dma_wait3A_1305] : memref<16384x1024xf32, #tpu.memory_space<hbm>> -> memref<32x1024xf32, #tpu.memory_space<hbm>>
    tpu.wait_dma2 semaphore(%arg18 : memref<!tpu.dma_semaphore, #tpu.memory_space<semaphore_mem>>) src(%arg9 : memref<32x1024xf32, #tpu.memory_space<vmem>>) dst(%dma_wait3A_1306 : memref<32x1024xf32, #tpu.memory_space<hbm>>)
    %dma_wait3A_1307 = arith.constant 0 : i32
    %dma_wait3A_1308 = tpu.memref_slice %arg4[%add3A_966, %dma_wait3A_1307] : memref<16384x1024xf32, #tpu.memory_space<hbm>> -> memref<32x1024xf32, #tpu.memory_space<hbm>>
    %dma_wait3A_1309 = arith.constant 0 : i32
    %dma_wait3A_1310 = tpu.memref_slice %arg4[%add3A_966, %dma_wait3A_1309] : memref<16384x1024xf32, #tpu.memory_space<hbm>> -> memref<32x1024xf32, #tpu.memory_space<hbm>>
    tpu.wait_dma2 semaphore(%arg19 : memref<!tpu.dma_semaphore, #tpu.memory_space<semaphore_mem>>) src(%arg10 : memref<32x1024xf32, #tpu.memory_space<vmem>>) dst(%dma_wait3A_1310 : memref<32x1024xf32, #tpu.memory_space<hbm>>)
    %dma_wait3A_1311 = arith.constant 0 : i32
    %dma_wait3A_1312 = tpu.memref_slice %arg4[%add3A_1076, %dma_wait3A_1311] : memref<16384x1024xf32, #tpu.memory_space<hbm>> -> memref<128x1024xf32, #tpu.memory_space<hbm>>
    tpu.wait_dma2 semaphore(%arg20 : memref<!tpu.dma_semaphore, #tpu.memory_space<semaphore_mem>>) src(%arg13 : memref<128x1024xf32, #tpu.memory_space<vmem_shared>>) dst(%dma_wait3A_1312 : memref<128x1024xf32, #tpu.memory_space<hbm>>)
    %lt3A_1313 = arith.constant 24 : i32
    %lt3A_1314 = arith.cmpi slt, %add3A, %lt3A_1313 : i32
    %convert_element_type3A_1315 = arith.extui %lt3A_1314 : i1 to i32
    %cond3A_1316 = arith.constant 0 : i32
    %cond3A_1317 = arith.cmpi ne, %convert_element_type3A_1315, %cond3A_1316 : i32
    scf.if %cond3A_1317 {
      %dma_wait3A_1318 = arith.constant 0 : i32
      %dma_wait3A_1319 = tpu.memref_slice %arg4[%add3A_1153, %dma_wait3A_1318] : memref<16384x1024xf32, #tpu.memory_space<hbm>> -> memref<128x1024xf32, #tpu.memory_space<hbm>>
      tpu.wait_dma2 semaphore(%arg20 : memref<!tpu.dma_semaphore, #tpu.memory_space<semaphore_mem>>) src(%arg13 : memref<128x1024xf32, #tpu.memory_space<vmem_shared>>) dst(%dma_wait3A_1319 : memref<128x1024xf32, #tpu.memory_space<hbm>>)
    } else {
    }
    return
  }
}

</mosaic_0001>

<sc_bundles>
// kernel: kernel.3.cloned.1.call-start
scs
__scs_entry_jumppad:
0x0: {  	(pc) =	sbr.rel $0x88, $3  }
0x1: {  	(tag) =	ssettag $0x0;
	lr =	simm.s32 $0x1  }
0x2: {  	[smem:$0x3F9F] =	sst lr;
	_ =	strace $0xD0000000  }
0x3: {  	_ = 	snop  }
0x4: {  	_ = 	snop  }
0x5: {  	_ = 	snop  }
0x6: {  	_ = 	snop  }
0x7: {  	_ = 	snop  }
__scs_overlays_trampoline_lowered:
0x8: {  	[smem:$0x3FAE] =	sst s0  }
0x9: {  	[smem:$0x3FAF] =	sst s1  }
0xa: {  	[smem:$0x3FB0] =	sst s2  }
0xb: {  	[smem:$0x3FB1] =	sst s3  }
0xc: {  	[smem:$0x3FB2] =	sst s4  }
0xd: {  	[smem:$0x3FB3] =	sst s5  }
0xe: {  	[smem:$0x3FB4] =	sst s6  }
0xf: {  	[smem:$0x3FB5] =	sst s7  }
0x10: {  	[smem:$0x3FB6] =	sst s8  }
0x11: {  	[smem:$0x3FB7] =	sst s9;
	s0 =	simm.s32 @!p0 $0x0  }
0x12: {  	s1 =	sld [smem:$0x3F9D];
	s0 =	simm.s32 @p0 $0x1  }
0x13: {  	[smem:$0x3FB8] =	sst s0;
	s0 =	simm.s32 @!p1 $0x0  }
0x14: {  	s2 =	sld [smem:$0x3F9C];
	s0 =	simm.s32 @p1 $0x1  }
0x15: {  	[smem:$0x3FB9] =	sst s0;
	s0 =	simm.s32 @!p2 $0x0  }
0x16: {  	s3 =	sld [smem:$0x3FDB];
	s0 =	simm.s32 @p2 $0x1  }
0x17: {  	s4 =	simm.s32 $0x1BF5;
	[smem:$0x3FBB] =	sst s0  }
0x18: {  	s0 =	sld [smem:$0x3F9E];
	_ =	swait.ge [sflag:s4], $0x0  }
0x19: {  	s7 =	sld [smem:$0x3F9F]  }
0x1a: {  	s8 =	sadd.s32 $0xFFFFE003, lr  }
0x1b: {  	s9 =	sadd.s32 $0xFFFFFEF7, lr;
	s5 =	simm.s32 $0xFFFFFFFF;
	p2 =	slt.u32 s8, $0xFFFFF086  }
0x1c: {  	p1 =	slt.u32 s9, $0xF7A;
	s5 =	simm.s32 @!p2 $0x0  }
0x1d: {  	s5 =	simm.s32 @p1 $0x1;
	p0 =	seq.s32 s7, s2  }
0x1e: {  	s7 =	smul.u32 @!p0 $0xF7A, s2;
	p2 =	seq.s32 @!p0 s5, $0x0  }
0x1f: {  	s9 =	smul.u32 $0xF7A, s1;
	s8 =	simm.s32 @!p0 $0x1BF5;
	p2 =	por !p2, p0  }
0x20: {  	[sflag:s8] =	ssyncset.s32 @!p0 $0xFFFFF086;
	s6 =	sadd.s32 @!p0 s3, s7;
	s7 =	simm.s32 @!p0 $0x108  }
0x21: {  	s3 =	sadd.s32 s3, s9;
	s6 =	sadd.s32 @!p0 $0x88, s6;
	s7 =	simm.s32 @p2 $0x1082  }
0x22: {  	[simem:s7], [sflag:s8] =	dma.local @!p0 [hbm:s6], $0xF7A  }
0x23: {  	s9 =	sor.u32 $0xD0000000, s2;
	s6 =	simm.s32 $0x108;
	_ =	swait.ge @!p0 [sflag:s8], $0x0  }
0x24: {  	s3 =	sadd.s32 $0x88, s3;
	s6 =	simm.s32 @!p1 $0x1082;
	[sflag:s4] =	ssyncset.s32 $0xFFFFF086  }
0x25: {  	[simem:s6], [sflag:s4] =	dma.local [hbm:s3], $0xF7A  }
0x26: {  	[smem:$0x3F9F] =	sst s1;
	(tag) =	ssettag s2;
	_ =	strace s9  }
0x27: {  	s1 =	sld [smem:$0x3FAF]  }
0x28: {  	s2 =	sld [smem:$0x3FB0]  }
0x29: {  	s4 =	sld [smem:$0x3FB2]  }
0x2a: {  	p0 =	seq.s32 s5, $0x0;
	s5 =	sld [smem:$0x3FB3]  }
0x2b: {  	s6 =	sld [smem:$0x3FB4]  }
0x2c: {  	s7 =	sld [smem:$0x3FB5]  }
0x2d: {  	s3 =	simm.s32 $0x108;
	s8 =	sld [smem:$0x3FB6]  }
0x2e: {  	s3 =	simm.s32 @!p0 $0x1082;
	s9 =	sld [smem:$0x3FB7]  }
0x2f: {  	lr =	sadd.s32 s0, s3;
	s0 =	sld [smem:$0x3FAE]  }
0x30: {  	s3 =	sld [smem:$0x3FB1]  }
0x31: {  	[smem:$0x3FBA] =	sst s10  }
0x32: {  	s10 =	sld [smem:$0x3FB8];
	_ =	sdelay $0x3  }
0x33: {  	p0 =	seq.s32 s10, $0x1;
	s10 =	sld [smem:$0x3FBA];
	_ =	sdelay $0x3  }
0x34: {  	[smem:$0x3FBA] =	sst s10  }
0x35: {  	s10 =	sld [smem:$0x3FB9];
	_ =	sdelay $0x3  }
0x36: {  	p1 =	seq.s32 s10, $0x1;
	s10 =	sld [smem:$0x3FBA];
	_ =	sdelay $0x3  }
0x37: {  	[smem:$0x3FBA] =	sst s10  }
0x38: {  	s10 =	sld [smem:$0x3FBB]  }
0x39: {  	_ = 	snop;
	(pc) =	sbr.ind lr, $3  }
0x3a: {  	_ = 	snop  }
0x3b: {  	_ = 	snop  }
0x3c: {  	p2 =	seq.s32 s10, $0x1;
	s10 =	sld [smem:$0x3FBA]  }
0x3d: {  	_ =	shalt  }
0x3e: {  	_ =	shalt  }
0x3f: {  	_ =	shalt  }
0x40: {  	_ =	shalt  }
0x41: {  	_ =	shalt  }
0x42: {  	_ =	shalt  }
0x43: {  	_ =	shalt  }
0x44: {  	_ =	shalt  }
0x45: {  	_ =	shalt  }
0x46: {  	_ =	shalt  }
0x47: {  	_ =	shalt  }
0x48: {  	_ =	shalt  }
0x49: {  	_ =	shalt  }
0x4a: {  	_ =	shalt  }
0x4b: {  	_ =	shalt  }
0x4c: {  	_ =	shalt  }
0x4d: {  	_ =	shalt  }
0x4e: {  	_ =	shalt  }
0x4f: {  	_ =	shalt  }
0x50: {  	_ =	shalt  }
0x51: {  	_ =	shalt  }
0x52: {  	_ =	shalt  }
0x53: {  	_ =	shalt  }
0x54: {  	_ =	shalt  }
0x55: {  	_ =	shalt  }
0x56: {  	_ =	shalt  }
0x57: {  	_ =	shalt  }
0x58: {  	_ =	shalt  }
0x59: {  	_ =	shalt  }
0x5a: {  	_ =	shalt  }
0x5b: {  	_ =	shalt  }
0x5c: {  	_ =	shalt  }
0x5d: {  	_ =	shalt  }
0x5e: {  	_ =	shalt  }
0x5f: {  	_ =	shalt  }
0x60: {  	_ =	shalt  }
0x61: {  	_ =	shalt  }
0x62: {  	_ =	shalt  }
0x63: {  	_ =	shalt  }
0x64: {  	_ =	shalt  }
0x65: {  	_ =	shalt  }
0x66: {  	_ =	shalt  }
0x67: {  	_ =	shalt  }
0x68: {  	_ =	shalt  }
0x69: {  	_ =	shalt  }
0x6a: {  	_ =	shalt  }
0x6b: {  	_ =	shalt  }
0x6c: {  	_ =	shalt  }
0x6d: {  	_ =	shalt  }
0x6e: {  	_ =	shalt  }
0x6f: {  	_ =	shalt  }
0x70: {  	_ =	shalt  }
0x71: {  	_ =	shalt  }
0x72: {  	_ =	shalt  }
0x73: {  	_ =	shalt  }
0x74: {  	_ =	shalt  }
0x75: {  	_ =	shalt  }
0x76: {  	_ =	shalt  }
0x77: {  	_ =	shalt  }
0x78: {  	_ =	shalt  }
0x79: {  	_ =	shalt  }
0x7a: {  	_ =	shalt  }
0x7b: {  	_ =	shalt  }
0x7c: {  	_ =	shalt  }
0x7d: {  	_ =	shalt  }
0x7e: {  	_ =	shalt  }
0x7f: {  	_ =	shalt  }
0x80: {  	_ =	shalt  }
0x81: {  	_ =	shalt  }
0x82: {  	_ =	shalt  }
0x83: {  	_ =	shalt  }
0x84: {  	_ =	shalt  }
0x85: {  	_ =	shalt  }
0x86: {  	_ =	shalt  }
0x87: {  	_ =	shalt  }
.Lfunc_end0:
.L_simem_size_0:
called_computation_lowered:
.L_overlay_start_0:
0x88: {  	s2 =	sld [smem:$0x3FD9]  }
0x89: {  	s3 =	sld [smem:$0x3FFE];
	_ =	sdelay $0x1  }
0x8a: {  	s1 =	srdreg.scid  }
0x8b: {  	s0 =	sand.u32 $0x1, s1  }
0x8c: {  	s14 =	sshll.u32 s0, $0xA;
	s2 =	sadd.s32 s3, s2  }
0x8d: {  	s2 =	sadd.s32 s2, s14  }
0x8e: {  	[smem:$0x3FC6] =	sst s2  }
0x8f: {  	_ = 	snop  }
0x90: {  	s2 =	sld [smem:$0x3FD0];
	_ =	sdelay $0x2  }
0x91: {  	s4 =	simm.s32 $0xA;
	s5 =	simm.s32 $0x10;
	s15 =	sld [smem:$0x3FC9]  }
0x92: {  	[smem:s5], [sflag:s4] =	dma.local [hbm:s2], $0x1  }
0x93: {  	_ =	swait.eq [sflag:s4], $0x1  }
0x94: {  	[sflag:s4] =	ssyncset.done $0x0  }
0x95: {  	s16 =	sld [smem:$0x10];
	[sflag:s4] =	ssyncadd.s32 $0xFFFFFFFF  }
0x96: {  	s17 =	sld [smem:$0x11];
	(tm) =	ssettm $0x1  }
0x97: {  	s18 =	sld [smem:$0x3FFB];
	_ =	sdelay $0x3  }
0x98: {  	_ =	strace s18  }
0x99: {  	s5 =	sld [smem:$0x3FFC];
	_ =	sdelay $0x3  }
0x9a: {  	_ =	strace s5  }
0x9b: {  	s5 =	sld [smem:$0x3FFD];
	_ =	sdelay $0x3  }
0x9c: {  	_ =	strace s5  }
0x9d: {  	_ =	strace $0x8FFFFFFF  }
0x9e: {  	s19 =	sld [smem:$0x3FDB];
	_ =	sdelay $0x1  }
0x9f: {  	s6 =	simm.s32 $_scs_section_size  }
0xa0: {  	s7 =	simm.s32 $_size__tile_overlayer_lowered;
	s8 =	simm.s32 $_tile_overlayer_lowered  }
0xa1: {  	s22 =	simm.s32 $0x1BFF;
	s21 =	sshll.u32 s8, $0x1;
	s5 =	sadd.s32 s6, s19  }
0xa2: {  	s9 =	simm.s32 $0x0;
	s20 =	sshll.u32 s7, $0x1;
	s7 =	sadd.s32 s21, s5  }
0xa3: {  	[timem:s9], [sflag:s22] =	dma.local [hbm:s7], s20  }
0xa4: {  	_ =	swait.ge [sflag:s22], s20  }
0xa5: {  	s6 =	ssub.s32 $0x0, s20;
	[sflag:s22] =	ssyncset.done $0x0  }
0xa6: {  	[sflag:s22] =	ssyncadd.s32 s6;
	_ =	sdelay $0x1  }
0xa7: {  	s23 =	simm.s32 $0x1B8B  }
0xa8: {  	_ =	swait.ge [sflag:s23], $0x1  }
0xa9: {  	[sflag:s23] =	ssyncset.done $0x0  }
0xaa: {  	s25 =	simm.s32 $0x1B8E;
	s24 =	sld [smem:$0x3FFE];
	[sflag:s23] =	ssyncadd.s32 $0xFFFFFFFF  }
0xab: {  	s26 =	simm.s32 $execute0_lowered;
	[smem:$0x3FD2] =	sst s25  }
0xac: {  	s7 =	sshll.u32 s26, $0x1;
	_ =	strace $0x80000046;
	[dreg:$0x1] =	wrdreg $0xFFFFFFFF  }
0xad: {  	s28 =	simm.s32 $_size_execute0_lowered;
	s5 =	sadd.s32 s5, s7;
	[dreg:$0x0] =	wrdreg $0x0  }
0xae: {  	s7 =	sshll.u32 s28, $0x1;
	[dreg:$0x2] =	wrdreg s5  }
0xaf: {  	[dreg:$0x3] =	wrdreg s7  }
0xb0: {  	[dreg:$0x4] =	wrdreg $0xC0  }
0xb1: {  	_ =	task [dreg:s9], $0x5FFFF  }
0xb2: {  	[dreg:$0x1] =	wrdreg $0xFFFFFFFF  }
0xb3: {  	[dreg:$0x0] =	wrdreg $0x60  }
0xb4: {  	[dreg:$0x2] =	wrdreg s15  }
0xb5: {  	[dreg:$0x3] =	wrdreg s24  }
0xb6: {  	[dreg:$0x4] =	wrdreg s16  }
0xb7: {  	[dreg:$0x5] =	wrdreg s17  }
0xb8: {  	[dreg:$0x6] =	wrdreg $0x1AA000  }
0xb9: {  	[dreg:$0x7] =	wrdreg $0x9  }
0xba: {  	_ =	task.clear_ibuf [dreg:s9], $0x8FFFF;
	_ =	strace $0x90000046  }
0xbb: {  	s29 =	simm.s32 $0x9;
	_ =	strace $0x80000048  }
0xbc: {  	_ =	swait.ge [sflag:s29], $0x1  }
0xbd: {  	[sflag:s29] =	ssyncadd.s32 $0xFFFFFFFF  }
0xbe: {  	_ =	strace $0x90000048  }
0xbf: {  	_ =	sfence  }
0xc0: {  	s30 =	sld [smem:$0x0];
	_ =	sdelay $0x2  }
0xc1: {  	s31 =	sshll.u32 s1, $0xD;
	s1 =	sshrl.u32 s1, $0x2  }
0xc2: {  	s3 =	sand.u32 $0x4000, s31;
	s1 =	sadd.s32 s1, s30  }
0xc3: {  	s0 =	sor.u32 s3, s0;
	s1 =	sshll.u32 s1, $0x11  }
0xc4: {  	s0 =	sor.u32 s1, s0  }
0xc5: {  	s0 =	sadd.s32 $0x8F2B, s0  }
0xc6: {  	[sflag:s0] =	ssyncadd.remote.s32 $0x1  }
0xc7: {  	_ =	sfence.sel $0xFFFF  }
0xc8: {  	[dreg:$0x0] =	wrdreg $0xFFFFFFFF;
	(pc) =	sbr.abs _section_cstart, $3  }
0xc9: {  	[dreg:$0x1] =	wrdreg $0xFFFFFFFF  }
0xca: {  	_ =	task.clear_ibuf [dreg:s9], $0x2FFFF;
	_ =	strace $0x9FFFFFFF  }
0xcb: {  	(tm) =	ssettm $0x7FFFFFFF  }
tec
execute0_lowered:
.L_overlay_start_1:
0x0: {  	(tag) =	ssettag $0x1  }
0x1: {  	s0 =	rddreg [dreg:$0x0]  }
0x2: {  	s3 =	rddreg [dreg:$0x2]  }
0x3: {  	s22 =	rddreg [dreg:$0x4];
	s1 =	srdreg.scid  }
0x4: {  	s6 =	simm.s32 $0x0;
	s23 =	stileid.u32;
	s7 =	simm.s32 $0x1  }
0x5: {  	s8 =	simm.s32 $0x1;
	s9 =	simm.s32 $0x1;
	s11 =	simm.s32 $0x1  }
0x6: {  	s12 =	simm.s32 $0xFFFFFFC8;
	s13 =	simm.s32 $0xFFFFFFC8;
	s15 =	simm.s32 $0x7FFFFE0  }
0x7: {  	s14 =	simm.s32 $0xFFFFFFD0;
	s16 =	simm.s32 $0xFFFFFFD8;
	s17 =	simm.s32 $0x7FFFFE8  }
0x8: {  	s18 =	simm.s32 $0x1;
	s19 =	simm.s32 $0x1;
	s20 =	simm.s32 $0x1  }
0x9: {  	s30 =	simm.s32 $0x1980;
	s31 =	simm.s32 $0x4980;
	s2 =	sand.u32 $0x1, s1  }
0xa: {  	[smem:$0x7FF] =	sst s6;
	s5 =	sshll.u32 s23, $0x1;
	p3 =	sgt.u32 s23, $0x6  }
0xb: {  	p6 =	sgt.u32 s23, $0x3;
	p0 =	sgt.u32 s23, $0xB;
	p2 =	seq.s32 s23, $0xF  }
0xc: {  	s28 =	sadd.s32 $0x200, s0;
	s29 =	sadd.s32 $0x300, s0;
	s1 =	ssub.s32 $0x2, s2  }
0xd: {  	_ =	strace $0x80000047;
	s2 =	sor.u32 s2, s5;
	s5 =	simm.s32 $0x1  }
0xe: {  	s8 =	simm.s32 @!p6 $0x0;
	s9 =	simm.s32 @!p0 $0x0;
	s11 =	simm.s32 @!p2 $0x0  }
0xf: {  	s13 =	simm.s32 @!p3 $0x0;
	s16 =	simm.s32 @!p0 $0x0;
	s17 =	simm.s32 @!p2 $0x0  }
0x10: {  	s4 =	sshrl.u32 s1, $0x1;
	p1 =	seq.s32 s2, $0x1F;
	p4 =	sgt.u32 s2, $0x12  }
0x11: {  	p5 =	sgt.u32 s2, $0x1A;
	s1 =	ssub.s32 s1, s4;
	s4 =	simm.s32 $0x1  }
0x12: {  	s5 =	simm.s32 @!p4 $0x0;
	s7 =	simm.s32 @!p5 $0x0;
	s14 =	simm.s32 @!p4 $0x0  }
0x13: {  	s15 =	simm.s32 @!p5 $0x0;
	p4 =	sgt.u32 s2, $0x6;
	s19 =	simm.s32 @!p1 $0x0  }
0x14: {  	p1 =	sgt.u32 s2, $0x1C;
	p5 =	sgt.u32 s23, $0xC;
	s4 =	simm.s32 @!p3 $0x0  }
0x15: {  	s10 =	sadd.s32 s5, s7;
	s14 =	sadd.s32 s14, s15;
	s15 =	simm.s32 $0x1  }
0x16: {  	p3 =	sgt.u32 s2, $0x16;
	s20 =	simm.s32 @!p1 $0x0;
	s1 =	smax.u32 s1, $0x1  }
0x17: {  	s7 =	sadd.s32 s4, s10;
	s4 =	smul.u32 $0x9, s2;
	s13 =	sadd.s32 s13, s14  }
0x18: {  	s15 =	simm.s32 @!p4 $0x0;
	s18 =	simm.s32 @!p3 $0x0;
	[dreg:$0x16] =	wrdreg s1  }
0x19: {  	s1 =	simm.s32 $0x5980;
	s25 =	sadd.s32 s8, s7;
	s8 =	simm.s32 $0xFFFFFFC0  }
0x1a: {  	s7 =	sadd.s32 s11, s7;
	s10 =	sadd.s32 s18, s10;
	s26 =	sadd.s32 s18, s19  }
0x1b: {  	s5 =	sadd.s32 s9, s25;
	s9 =	simm.s32 $0xFFFFFFC0;
	s7 =	sadd.s32 s15, s7  }
0x1c: {  	s8 =	simm.s32 @!p4 $0x0;
	p4 =	sgt.u32 s2, $0xC;
	s10 =	sadd.s32 s20, s10  }
0x1d: {  	s24 =	sadd.s32 s11, s5;
	s9 =	simm.s32 @!p6 $0x0;
	s7 =	sadd.s32 s18, s7  }
0x1e: {  	s12 =	simm.s32 @!p4 $0x0;
	s10 =	sadd.s32 s19, s10;
	s18 =	simm.s32 $0xFFFFFFD8  }
0x1f: {  	s9 =	sadd.s32 s9, s13;
	s5 =	sadd.s32 s19, s7;
	s13 =	sadd.s32 s17, s13  }
0x20: {  	s12 =	sadd.s32 s12, s8;
	s19 =	simm.s32 $0x7FFFFE0;
	s18 =	simm.s32 @!p3 $0x0  }
0x21: {  	p3 =	sgt.u32 s23, $0x2;
	s9 =	sadd.s32 s16, s9;
	s16 =	simm.s32 $0xFFFFFFD0  }
0x22: {  	s21 =	sadd.s32 s8, s13;
	s13 =	simm.s32 $0x1;
	s8 =	simm.s32 $0x1  }
0x23: {  	s19 =	simm.s32 @!p5 $0x0;
	s9 =	sadd.s32 s17, s9;
	s17 =	simm.s32 $0x1  }
0x24: {  	s8 =	simm.s32 @!p5 $0x0;
	s17 =	simm.s32 @!p4 $0x0;
	p4 =	sgt.u32 s23, $0x8  }
0x25: {  	p5 =	sgt.u32 s23, $0x5;
	s15 =	sadd.s32 s17, s15;
	s13 =	simm.s32 @!p4 $0x0  }
0x26: {  	s16 =	simm.s32 @!p4 $0x0;
	p4 =	sgt.u32 s23, $0x9;
	s17 =	sadd.s32 s13, s26  }
0x27: {  	s13 =	sadd.s32 s4, s9;
	s10 =	sadd.s32 s15, s10;
	s25 =	sadd.s32 s16, s18  }
0x28: {  	s16 =	simm.s32 $0xFFFFFFFE;
	s26 =	sadd.s32 $0x1, s4;
	s8 =	sadd.s32 s8, s17  }
0x29: {  	s9 =	sshll.u32 s13, $0x7;
	[dreg:$0x8] =	wrdreg s26;
	s13 =	sshll.u32 s13, $0xF  }
0x2a: {  	s26 =	sadd.s32 $0x4, s4;
	s17 =	sadd.s32 s20, s8;
	s20 =	simm.s32 $0x7FFFFE8  }
0x2b: {  	s7 =	sshra.s32 s9, $0x2;
	s9 =	sadd.s32 s18, s21;
	[dreg:$0xd] =	wrdreg s26  }
0x2c: {  	s21 =	sadd.s32 s18, s14;
	s18 =	simm.s32 $0x7FF8;
	[dreg:$0x6] =	wrdreg s7  }
0x2d: {  	s8 =	sadd.s32 $0x6, s4;
	s26 =	sadd.s32 $0x100, s0;
	[dreg:$0x7] =	wrdreg s9  }
0x2e: {  	s20 =	simm.s32 @!p1 $0x0;
	s9 =	sadd.s32 s15, s17;
	p1 =	sne.s32 s23, $0x0  }
0x2f: {  	s17 =	simm.s32 $0xFFFFFFFC;
	s15 =	sadd.s32 s19, s25;
	s18 =	simm.s32 @!p4 $0x0  }
0x30: {  	s19 =	simm.s32 $0x1;
	s7 =	sadd.s32 $0x2, s4;
	s25 =	sadd.s32 $0x3, s4  }
0x31: {  	[dreg:$0xf] =	wrdreg s8;
	s8 =	simm.s32 $0x8;
	s14 =	sadd.s32 s20, s21  }
0x32: {  	s16 =	simm.s32 @!p1 $0x0;
	s17 =	simm.s32 @!p3 $0x0;
	s15 =	sadd.s32 s20, s15  }
0x33: {  	s19 =	simm.s32 @!p5 $0x0;
	[dreg:$0x9] =	wrdreg s7;
	s21 =	sshll.u32 s24, $0x15  }
0x34: {  	[dreg:$0xc] =	wrdreg s25;
	s7 =	sadd.s32 $0x5, s4;
	s25 =	sshll.u32 s9, $0x15  }
0x35: {  	v3 =	vmov s9;
	s9 =	simm.s32 $0x0;
	s16 =	sadd.s32 s17, s16;
	s17 =	simm.s32 $0x7FFA  }
0x36: {  	s14 =	sadd.s32 s12, s14;
	s13 =	sadd.s32 s21, s13;
	[dreg:$0xe] =	wrdreg s7  }
0x37: {  	[dreg:$0x19] =	wrdreg s25;
	s25 =	simm.s32 $0x8180;
	s7 =	simm.s32 $0xD180  }
0x38: {  	s17 =	simm.s32 @!p5 $0x0;
	[dreg:$0xa] =	wrdreg s14;
	s14 =	simm.s32 $0x7FD6  }
0x39: {  	s21 =	sshrl.u32 s13, $0x3;
	s16 =	sadd.s32 s17, s16;
	s17 =	simm.s32 $0x7FF6  }
0x3a: {  	s13 =	simm.s32 $0x980;
	s16 =	sadd.s32 s18, s16;
	s17 =	simm.s32 @!p2 $0x0  }
0x3b: {  	s18 =	simm.s32 $0x1;
	p2 =	sgt.u32 s23, $0x4;
	s16 =	sadd.s32 s17, s16  }
0x3c: {  	s17 =	simm.s32 $0x1;
	s18 =	simm.s32 @!p3 $0x0;
	s14 =	simm.s32 @!p2 $0x7FE2  }
0x3d: {  	s17 =	simm.s32 @!p1 $0x0;
	s16 =	sadd.s32 s2, s16;
	s14 =	sadd.s32 s2, s14  }
0x3e: {  	s17 =	sadd.s32 s18, s17;
	s18 =	simm.s32 $0x1;
	s20 =	sshll.u32 s14, $0x11  }
0x3f: {  	s14 =	simm.s32 $0xE40000;
	s17 =	sadd.s32 s19, s17;
	s18 =	simm.s32 @!p4 $0x0  }
0x40: {  	s14 =	simm.s32 @!p2 $0xC80000;
	s17 =	sadd.s32 s18, s17;
	s18 =	sadd.s32 s12, s15  }
0x41: {  	s12 =	sadd.s32 s14, s20;
	s14 =	sadd.s32 $0x7, s4;
	[dreg:$0xb] =	wrdreg s18  }
0x42: {  	s19 =	sshll.u32 s16, $0x11;
	s15 =	sadd.s32 $0x8, s4;
	[dreg:$0x10] =	wrdreg s14  }
0x43: {  	p2 =	sne.s32 s2, $0x1F;
	s11 =	sadd.s32 s11, s17;
	[dreg:$0x11] =	wrdreg s15  }
0x44: {  	s17 =	sadd.s32 $0x400000, s12;
	s18 =	sshll.u32 s23, $0xD;
	s23 =	sshll.u32 s10, $0x15  }
0x45: {  	s15 =	simm.s32 $0x2180;
	s12 =	simm.s32 $0x5180;
	s14 =	simm.s32 $0x6980  }
0x46: {  	s11 =	smul.u32 $0x1C0000, s11;
	s4 =	sshrl.u32 s17, $0x3;
	[dreg:$0x18] =	wrdreg s23  }
0x47: {  	s17 =	simm.s32 $0x3180;
	s20 =	sadd.s32 s3, s4;
	s4 =	simm.s32 $0x4180  }
0x48: {  	s11 =	sadd.s32 s19, s11;
	s19 =	sadd.s32 s18, s22;
	[dreg:$0x14] =	wrdreg s20  }
0x49: {  	s22 =	sshll.u32 s5, $0x15;
	s18 =	simm.s32 $0x1180;
	s16 =	sadd.s32 $0x3C0000, s11  }
0x4a: {  	v6 =	vlaneseq.u32;
	s20 =	simm.s32 $0x7180;
	[dreg:$0x12] =	wrdreg s19;
	s2 =	sshrl.u32 s16, $0x3  }
0x4b: {  	vm0 =	vmmov $0xffff;
	v7 =	vimm.f32 $0.0e+00;
	v5 =	vshrl.u32 v6, $0x3;
	[dreg:$0x17] =	wrdreg s22;
	s22 =	simm.s32 $0x6180;
	s2 =	sadd.s32 s3, s2  }
0x4c: {  	v4 =	vand.u32 $0x7, v6;
	v6 =	vor.u32 $0x8, v6;
	v5 =	vmul.u32 $0x8, v5;
	s16 =	simm.s32 $0x2980;
	[dreg:$0x13] =	wrdreg s2;
	s2 =	sadd.s32 s3, s21  }
0x4d: {  	v0 =	vmov s24;
	v1 =	vmov s5;
	v2 =	vmov s10;
	s3 =	simm.s32 $0x7980;
	[dreg:$0x15] =	wrdreg s2;
	s2 =	simm.s32 $0x3980  }
.LBB2_1:
0x4e: {  	v8 =	vlaneseq.u32 @!p2  }
0x4f: {  	v8 =	vmul.u32 @!p2 $0xFFFFFF00, v8;
	_ =	sdelay $0x1  }
0x50: {  	v8 =	vadd.s32 @!p2 $0x800, v8  }
0x51: {  	s5 =	simm.s32 @!p2 $0x0;
	s10 =	simm.s32 @!p2 $0x1A980;
	s11 =	rddreg [dreg:$0x3];
	[tilespmem:$0x1A980] =	vst @!p2 v8  }
0x52: {  	[hbm4b:s11+s5] =	stream.linear.scatter @!p2 [tilespmem:s10], [sflag:$0x8], $0x8, $0x38;
	[tilespmem:$0x1CA00] =	vst v63  }
0x53: {  	[dreg:$0x1a] =	wrdreg s9;
	s5 =	simm.s32 @!p2 $0x8  }
0x54: {  	_ =	swait.ge @!p2 [sflag:s5], $0x8  }
0x55: {  	[sflag:s5] =	ssyncset.done @!p2 $0x0  }
0x56: {  	[sflag:s5] =	ssyncadd.s32 @!p2 $0xFFFFFFF8  }
0x57: {  	s5 =	rddreg [dreg:$0x1]  }
0x58: {  	[tilespmem:s6], [sflag:$0x8] =	stream.linear.gather [hbm4b:s5+s6], $0x800, $0x38;
	[tilespmem:$0x1CA00] =	vst v63  }
0x59: {  	_ =	swait.ge [sflag:s8], $0x800  }
0x5a: {  	[sflag:s8] =	ssyncset.done $0x0  }
0x5b: {  	s21 =	rddreg [dreg:$0x6];
	[sflag:s8] =	ssyncadd.s32 $0xFFFFF800  }
0x5c: {  	v8 =	vld [tilespmem:s21+$0x0];
	_ =	sdelay $0x4  }
0x5d: {  	v8 =	vadd.s32 v0, v8  }
0x5e: {  	vm1 =	vlt.s32 v8, $0x23FF  }
0x5f: {  	v8 =	vnsel vm1, $0x23FF, v8  }
0x60: {  	[tilespmem:$0x800] =	vst v8;
	v9 =	vshll.u32 v8, $0x3  }
0x61: {  	v8 =	vand.u32 $0x7, v8;
	v10 =	vld [tilespmem:s21+$0x10];
	v9 =	vand.u32 $0xFFFFFFC0, v9  }
0x62: {  	v8 =	vor.u32 v8, v9  }
0x63: {  	v9 =	vperm.xlane v8, v4;
	_ =	sdelay $0x1  }
0x64: {  	v9 =	vadd.s32 v5, v9  }
0x65: {  	v10 =	vadd.s32 v0, v10  }
0x66: {  	vm1 =	vlt.s32 v10, $0x23FF  }
0x67: {  	v10 =	vnsel vm1, $0x23FF, v10  }
0x68: {  	[tilespmem:$0x810] =	vst v10  }
0x69: {  	[tilespmem:s13], [sflag:$0x1] =	stream.indirect_vreg.gather [hbm4b:s0+s6], $0x80, v9, vm0, $0xb8;
	[tilespmem:$0x1CA00] =	vst v63  }
0x6a: {  	v8 =	vperm.xlane v8, v6  }
0x6b: {  	[tilespmem:s18], [sflag:$0x1] =	stream.indirect_vreg.gather [hbm4b:s26+s6], $0x80, v9, vm0, $0xb8;
	[tilespmem:$0x1CA00] =	vst v63  }
0x6c: {  	v8 =	vadd.s32 v5, v8  }
0x6d: {  	[tilespmem:s30], [sflag:$0x1] =	stream.indirect_vreg.gather [hbm4b:s28+s6], $0x80, v9, vm0, $0xb8;
	[tilespmem:$0x1CA00] =	vst v63  }
0x6e: {  	_ = 	snop  }
0x6f: {  	[tilespmem:s15], [sflag:$0x1] =	stream.indirect_vreg.gather [hbm4b:s29+s6], $0x80, v9, vm0, $0xb8;
	[tilespmem:$0x1CA00] =	vst v63  }
0x70: {  	_ = 	snop  }
0x71: {  	[tilespmem:s16], [sflag:$0x1] =	stream.indirect_vreg.gather [hbm4b:s0+s6], $0x80, v8, vm0, $0xb8;
	[tilespmem:$0x1CA00] =	vst v63  }
0x72: {  	_ = 	snop  }
0x73: {  	[tilespmem:s17], [sflag:$0x1] =	stream.indirect_vreg.gather [hbm4b:s26+s6], $0x80, v8, vm0, $0xb8;
	[tilespmem:$0x1CA00] =	vst v63  }
0x74: {  	_ = 	snop  }
0x75: {  	[tilespmem:s2], [sflag:$0x1] =	stream.indirect_vreg.gather [hbm4b:s28+s6], $0x80, v8, vm0, $0xb8;
	[tilespmem:$0x1CA00] =	vst v63  }
0x76: {  	_ = 	snop  }
0x77: {  	[tilespmem:s4], [sflag:$0x1] =	stream.indirect_vreg.gather [hbm4b:s29+s6], $0x80, v8, vm0, $0xb8;
	[tilespmem:$0x1CA00] =	vst v63  }
0x78: {  	v8 =	vld [tilespmem:$0x810];
	_ =	sdelay $0x4  }
0x79: {  	v61 =	vshll.u32 v8, $0x3  }
0x7a: {  	v8 =	vand.u32 $0x7, v8;
	v9 =	vand.u32 $0xFFFFFFC0, v61  }
0x7b: {  	v8 =	vor.u32 v8, v9  }
0x7c: {  	v9 =	vperm.xlane v8, v4;
	_ =	sdelay $0x1  }
0x7d: {  	v9 =	vadd.s32 v5, v9;
	_ =	sdelay $0x4  }
0x7e: {  	[tilespmem:s31], [sflag:$0x1] =	stream.indirect_vreg.gather [hbm4b:s0+s6], $0x80, v9, vm0, $0xb8;
	[tilespmem:$0x1CA00] =	vst v63  }
0x7f: {  	v8 =	vperm.xlane v8, v6  }
0x80: {  	[tilespmem:s12], [sflag:$0x1] =	stream.indirect_vreg.gather [hbm4b:s26+s6], $0x80, v9, vm0, $0xb8;
	[tilespmem:$0x1CA00] =	vst v63  }
0x81: {  	v8 =	vadd.s32 v5, v8  }
0x82: {  	[tilespmem:s1], [sflag:$0x1] =	stream.indirect_vreg.gather [hbm4b:s28+s6], $0x80, v9, vm0, $0xb8;
	[tilespmem:$0x1CA00] =	vst v63  }
0x83: {  	_ = 	snop  }
0x84: {  	[tilespmem:s22], [sflag:$0x1] =	stream.indirect_vreg.gather [hbm4b:s29+s6], $0x80, v9, vm0, $0xb8;
	[tilespmem:$0x1CA00] =	vst v63  }
0x85: {  	_ = 	snop  }
0x86: {  	[tilespmem:s14], [sflag:$0x1] =	stream.indirect_vreg.gather [hbm4b:s0+s6], $0x80, v8, vm0, $0xb8;
	[tilespmem:$0x1CA00] =	vst v63  }
0x87: {  	_ = 	snop  }
0x88: {  	[tilespmem:s20], [sflag:$0x1] =	stream.indirect_vreg.gather [hbm4b:s26+s6], $0x80, v8, vm0, $0xb8;
	[tilespmem:$0x1CA00] =	vst v63  }
0x89: {  	s5 =	simm.s32 @!p2 $0x7FFFFF0  }
0x8a: {  	[tilespmem:s3], [sflag:$0x1] =	stream.indirect_vreg.gather [hbm4b:s28+s6], $0x80, v8, vm0, $0xb8;
	[tilespmem:$0x1CA00] =	vst v63  }
0x8b: {  	s5 =	simm.s32 @p2 $0x0;
	s3 =	rddreg [dreg:$0x7]  }
0x8c: {  	s12 =	rddreg [dreg:$0x8];
	s4 =	sadd.s32 s5, s3  }
0x8d: {  	[tilespmem:s25], [sflag:$0x1] =	stream.indirect_vreg.gather [hbm4b:s29+s6], $0x80, v8, vm0, $0xb8;
	[tilespmem:$0x1CA00] =	vst v63  }
0x8e: {  	s16 =	sadd.s32 s12, s4  }
0x8f: {  	s13 =	sshll.u32 s16, $0x7  }
0x90: {  	s11 =	sshra.s32 s13, $0x2  }
0x91: {  	v8 =	vld [tilespmem:s11+$0x0];
	_ =	sdelay $0x4  }
0x92: {  	v8 =	vadd.s32 v1, v8  }
0x93: {  	vm1 =	vlt.s32 v8, $0x23FF  }
0x94: {  	v8 =	vnsel vm1, $0x23FF, v8  }
0x95: {  	[tilespmem:$0x820] =	vst v8;
	v62 =	vshll.u32 v8, $0x3  }
0x96: {  	v8 =	vand.u32 $0x7, v8;
	v10 =	vld [tilespmem:s11+$0x10];
	v9 =	vand.u32 $0xFFFFFFC0, v62  }
0x97: {  	v8 =	vor.u32 v8, v9  }
0x98: {  	v9 =	vperm.xlane v8, v4;
	_ =	sdelay $0x1  }
0x99: {  	v9 =	vadd.s32 v5, v9  }
0x9a: {  	v10 =	vadd.s32 v1, v10  }
0x9b: {  	vm1 =	vlt.s32 v10, $0x23FF  }
0x9c: {  	v10 =	vnsel vm1, $0x23FF, v10  }
0x9d: {  	s19 =	simm.s32 $0x8980;
	[tilespmem:$0x830] =	vst v10  }
0x9e: {  	[tilespmem:s19], [sflag:$0x2] =	stream.indirect_vreg.gather [hbm4b:s0+s6], $0x80, v9, vm0, $0xb8;
	[tilespmem:$0x1CA00] =	vst v63  }
0x9f: {  	s14 =	simm.s32 $0x9180;
	v8 =	vperm.xlane v8, v6  }
0xa0: {  	[tilespmem:s14], [sflag:$0x2] =	stream.indirect_vreg.gather [hbm4b:s26+s6], $0x80, v9, vm0, $0xb8;
	[tilespmem:$0x1CA00] =	vst v63  }
0xa1: {  	s23 =	simm.s32 $0x9980;
	v8 =	vadd.s32 v5, v8  }
0xa2: {  	[tilespmem:s23], [sflag:$0x2] =	stream.indirect_vreg.gather [hbm4b:s28+s6], $0x80, v9, vm0, $0xb8;
	[tilespmem:$0x1CA00] =	vst v63  }
0xa3: {  	s21 =	simm.s32 $0xA180  }
0xa4: {  	[tilespmem:s21], [sflag:$0x2] =	stream.indirect_vreg.gather [hbm4b:s29+s6], $0x80, v9, vm0, $0xb8;
	[tilespmem:$0x1CA00] =	vst v63  }
0xa5: {  	s24 =	simm.s32 $0xA980  }
0xa6: {  	[tilespmem:s24], [sflag:$0x2] =	stream.indirect_vreg.gather [hbm4b:s0+s6], $0x80, v8, vm0, $0xb8;
	[tilespmem:$0x1CA00] =	vst v63  }
0xa7: {  	s13 =	simm.s32 $0xB180  }
0xa8: {  	[tilespmem:s13], [sflag:$0x2] =	stream.indirect_vreg.gather [hbm4b:s26+s6], $0x80, v8, vm0, $0xb8;
	[tilespmem:$0x1CA00] =	vst v63  }
0xa9: {  	s9 =	simm.s32 $0xB980  }
0xaa: {  	[tilespmem:s9], [sflag:$0x2] =	stream.indirect_vreg.gather [hbm4b:s28+s6], $0x80, v8, vm0, $0xb8;
	[tilespmem:$0x1CA00] =	vst v63  }
0xab: {  	s23 =	simm.s32 $0xC180  }
0xac: {  	[tilespmem:s23], [sflag:$0x2] =	stream.indirect_vreg.gather [hbm4b:s29+s6], $0x80, v8, vm0, $0xb8;
	[tilespmem:$0x1CA00] =	vst v63  }
0xad: {  	v8 =	vld [tilespmem:$0x830];
	_ =	sdelay $0x4  }
0xae: {  	v63 =	vshll.u32 v8, $0x3  }
0xaf: {  	v8 =	vand.u32 $0x7, v8;
	v9 =	vand.u32 $0xFFFFFFC0, v63  }
0xb0: {  	v8 =	vor.u32 v8, v9  }
0xb1: {  	v9 =	vperm.xlane v8, v4;
	_ =	sdelay $0x1  }
0xb2: {  	v9 =	vadd.s32 v5, v9;
	_ =	sdelay $0x3  }
0xb3: {  	s15 =	simm.s32 $0xC980  }
0xb4: {  	[tilespmem:s15], [sflag:$0x2] =	stream.indirect_vreg.gather [hbm4b:s0+s6], $0x80, v9, vm0, $0xb8;
	[tilespmem:$0x1CA00] =	vst v63  }
0xb5: {  	v8 =	vperm.xlane v8, v6  }
0xb6: {  	[tilespmem:s7], [sflag:$0x2] =	stream.indirect_vreg.gather [hbm4b:s26+s6], $0x80, v9, vm0, $0xb8;
	[tilespmem:$0x1CA00] =	vst v63  }
0xb7: {  	s17 =	simm.s32 $0xD980;
	v8 =	vadd.s32 v5, v8  }
0xb8: {  	[tilespmem:s17], [sflag:$0x2] =	stream.indirect_vreg.gather [hbm4b:s28+s6], $0x80, v9, vm0, $0xb8;
	[tilespmem:$0x1CA00] =	vst v63  }
0xb9: {  	s18 =	simm.s32 $0xE180  }
0xba: {  	[tilespmem:s18], [sflag:$0x2] =	stream.indirect_vreg.gather [hbm4b:s29+s6], $0x80, v9, vm0, $0xb8;
	[tilespmem:$0x1CA00] =	vst v63  }
0xbb: {  	s25 =	rddreg [dreg:$0x9];
	s19 =	simm.s32 $0xE980  }
0xbc: {  	[tilespmem:s19], [sflag:$0x2] =	stream.indirect_vreg.gather [hbm4b:s0+s6], $0x80, v8, vm0, $0xb8;
	[tilespmem:$0x1CA00] =	vst v63  }
0xbd: {  	s20 =	simm.s32 $0xF180;
	s17 =	sadd.s32 s25, s4  }
0xbe: {  	[tilespmem:s20], [sflag:$0x2] =	stream.indirect_vreg.gather [hbm4b:s26+s6], $0x80, v8, vm0, $0xb8;
	[tilespmem:$0x1CA00] =	vst v63  }
0xbf: {  	s22 =	simm.s32 $0xF980;
	s10 =	sshll.u32 s17, $0x7  }
0xc0: {  	[tilespmem:s22], [sflag:$0x2] =	stream.indirect_vreg.gather [hbm4b:s28+s6], $0x80, v8, vm0, $0xb8;
	[tilespmem:$0x1CA00] =	vst v63  }
0xc1: {  	s24 =	simm.s32 $0x10180;
	s10 =	sshra.s32 s10, $0x2  }
0xc2: {  	[tilespmem:s24], [sflag:$0x2] =	stream.indirect_vreg.gather [hbm4b:s29+s6], $0x80, v8, vm0, $0xb8;
	[tilespmem:$0x1CA00] =	vst v63  }
0xc3: {  	v8 =	vld [tilespmem:s10+$0x0];
	_ =	sdelay $0x4  }
0xc4: {  	v8 =	vadd.s32 v1, v8  }
0xc5: {  	vm1 =	vlt.s32 v8, $0x23FF  }
0xc6: {  	v8 =	vnsel vm1, $0x23FF, v8  }
0xc7: {  	[tilespmem:$0x840] =	vst v8  }
0xc8: {  	v8 =	vld [tilespmem:s10+$0x10];
	_ =	sdelay $0x3  }
0xc9: {  	s30 =	rddreg [dreg:$0xa]  }
0xca: {  	s2 =	rddreg [dreg:$0xc];
	s31 =	sadd.s32 s5, s30;
	v8 =	vadd.s32 v1, v8  }
0xcb: {  	s3 =	sadd.s32 s2, s31;
	vm1 =	vlt.s32 v8, $0x23FF  }
0xcc: {  	s4 =	sshll.u32 s3, $0x7;
	v8 =	vnsel vm1, $0x23FF, v8  }
0xcd: {  	s11 =	sshra.s32 s4, $0x2;
	[tilespmem:$0x850] =	vst v8  }
0xce: {  	v8 =	vld [tilespmem:s11+$0x0];
	_ =	sdelay $0x4  }
0xcf: {  	v8 =	vadd.s32 v2, v8  }
0xd0: {  	vm1 =	vlt.s32 v8, $0x23FF  }
0xd1: {  	v8 =	vnsel vm1, $0x23FF, v8  }
0xd2: {  	[tilespmem:$0x860] =	vst v8  }
0xd3: {  	v8 =	vld [tilespmem:s11+$0x10];
	_ =	sdelay $0x4  }
0xd4: {  	s7 =	rddreg [dreg:$0xd];
	v8 =	vadd.s32 v2, v8  }
0xd5: {  	s8 =	sadd.s32 s7, s31;
	vm1 =	vlt.s32 v8, $0x23FF  }
0xd6: {  	s9 =	sshll.u32 s8, $0x7;
	v8 =	vnsel vm1, $0x23FF, v8  }
0xd7: {  	s11 =	sshra.s32 s9, $0x2;
	[tilespmem:$0x870] =	vst v8  }
0xd8: {  	v8 =	vld [tilespmem:s11+$0x0];
	_ =	sdelay $0x4  }
0xd9: {  	v8 =	vadd.s32 v2, v8  }
0xda: {  	vm1 =	vlt.s32 v8, $0x23FF  }
0xdb: {  	v8 =	vnsel vm1, $0x23FF, v8  }
0xdc: {  	[tilespmem:$0x880] =	vst v8  }
0xdd: {  	v8 =	vld [tilespmem:s11+$0x10];
	_ =	sdelay $0x4  }
0xde: {  	s12 =	rddreg [dreg:$0xe];
	v8 =	vadd.s32 v2, v8  }
0xdf: {  	s14 =	sadd.s32 s12, s31;
	vm1 =	vlt.s32 v8, $0x23FF  }
0xe0: {  	s10 =	sshll.u32 s14, $0x7;
	v8 =	vnsel vm1, $0x23FF, v8  }
0xe1: {  	s10 =	sshra.s32 s10, $0x2;
	[tilespmem:$0x890] =	vst v8  }
0xe2: {  	v8 =	vld [tilespmem:s10+$0x0];
	_ =	sdelay $0x4  }
0xe3: {  	v8 =	vadd.s32 v2, v8  }
0xe4: {  	vm1 =	vlt.s32 v8, $0x23FF  }
0xe5: {  	v8 =	vnsel vm1, $0x23FF, v8  }
0xe6: {  	[tilespmem:$0x8A0] =	vst v8  }
0xe7: {  	v8 =	vld [tilespmem:s10+$0x10];
	_ =	sdelay $0x3  }
0xe8: {  	s15 =	rddreg [dreg:$0xb]  }
0xe9: {  	s5 =	sadd.s32 s15, s5;
	s18 =	rddreg [dreg:$0xf];
	v8 =	vadd.s32 v2, v8  }
0xea: {  	s19 =	sadd.s32 s18, s5;
	vm1 =	vlt.s32 v8, $0x23FF  }
0xeb: {  	s20 =	sshll.u32 s19, $0x7;
	v8 =	vnsel vm1, $0x23FF, v8  }
0xec: {  	s11 =	sshra.s32 s20, $0x2;
	[tilespmem:$0x8B0] =	vst v8  }
0xed: {  	v8 =	vld [tilespmem:s11+$0x0];
	_ =	sdelay $0x4  }
0xee: {  	v8 =	vadd.s32 v3, v8  }
0xef: {  	vm1 =	vlt.s32 v8, $0x23FF  }
0xf0: {  	v8 =	vnsel vm1, $0x23FF, v8  }
0xf1: {  	[tilespmem:$0x8C0] =	vst v8  }
0xf2: {  	v8 =	vld [tilespmem:s11+$0x10];
	_ =	sdelay $0x4  }
0xf3: {  	s22 =	rddreg [dreg:$0x10];
	v8 =	vadd.s32 v3, v8  }
0xf4: {  	s24 =	sadd.s32 s22, s5;
	vm1 =	vlt.s32 v8, $0x23FF  }
0xf5: {  	s25 =	sshll.u32 s24, $0x7;
	v8 =	vnsel vm1, $0x23FF, v8  }
0xf6: {  	s12 =	sshra.s32 s25, $0x2;
	[tilespmem:$0x8D0] =	vst v8  }
0xf7: {  	v8 =	vld [tilespmem:s12+$0x0];
	_ =	sdelay $0x4  }
0xf8: {  	v8 =	vadd.s32 v3, v8  }
0xf9: {  	vm1 =	vlt.s32 v8, $0x23FF  }
0xfa: {  	v8 =	vnsel vm1, $0x23FF, v8  }
0xfb: {  	[tilespmem:$0x8E0] =	vst v8  }
0xfc: {  	v8 =	vld [tilespmem:s12+$0x10];
	_ =	sdelay $0x4  }
0xfd: {  	s30 =	rddreg [dreg:$0x11];
	v8 =	vadd.s32 v3, v8  }
0xfe: {  	s31 =	sadd.s32 s30, s5;
	vm1 =	vlt.s32 v8, $0x23FF  }
0xff: {  	s5 =	sshll.u32 s31, $0x7;
	v8 =	vnsel vm1, $0x23FF, v8  }
0x100: {  	s5 =	sshra.s32 s5, $0x2;
	[tilespmem:$0x8F0] =	vst v8  }
0x101: {  	v8 =	vld [tilespmem:s5+$0x0];
	_ =	sdelay $0x4  }
0x102: {  	v8 =	vadd.s32 v3, v8  }
0x103: {  	vm1 =	vlt.s32 v8, $0x23FF  }
0x104: {  	v8 =	vnsel vm1, $0x23FF, v8  }
0x105: {  	[tilespmem:$0x900] =	vst v8  }
0x106: {  	v8 =	vld [tilespmem:s5+$0x10];
	_ =	sdelay $0x2  }
0x107: {  	[smem:$0x7FD] =	sst s3  }
0x108: {  	[dreg:$0x1e] =	wrdreg s14  }
0x109: {  	[dreg:$0x1f] =	wrdreg s8;
	v8 =	vadd.s32 v3, v8  }
0x10a: {  	[dreg:$0x1d] =	wrdreg s31;
	vm1 =	vlt.s32 v8, $0x23FF  }
0x10b: {  	[dreg:$0x1b] =	wrdreg s19;
	v8 =	vnsel vm1, $0x23FF, v8  }
0x10c: {  	s18 =	simm.s32 $0xFFFFFC00;
	[dreg:$0x1c] =	wrdreg s24;
	s5 =	simm.s32 $0xFFFFF200;
	[tilespmem:$0x910] =	vst v8  }
.LBB2_2:
0x10d: {  	p3 =	sne.s32 s5, $0xFFFFFE00;
	[tilespmem:s18+$0x1A9F0] =	vst v7  }
0x10e: {  	[tilespmem:s18+$0x18D80] =	vst v7  }
0x10f: {  	[tilespmem:s18+$0x18D90] =	vst v7  }
0x110: {  	[tilespmem:s18+$0x18DA0] =	vst v7  }
0x111: {  	[tilespmem:s18+$0x18DB0] =	vst v7  }
0x112: {  	[tilespmem:s18+$0x18DC0] =	vst v7  }
0x113: {  	[tilespmem:s18+$0x18DD0] =	vst v7  }
0x114: {  	[tilespmem:s18+$0x18DE0] =	vst v7  }
0x115: {  	[tilespmem:s18+$0x18DF0] =	vst v7  }
0x116: {  	[tilespmem:s18+$0x19180] =	vst v7  }
0x117: {  	[tilespmem:s18+$0x19190] =	vst v7  }
0x118: {  	[tilespmem:s18+$0x191A0] =	vst v7  }
0x119: {  	[tilespmem:s18+$0x191B0] =	vst v7  }
0x11a: {  	[tilespmem:s18+$0x191C0] =	vst v7  }
0x11b: {  	[tilespmem:s18+$0x191D0] =	vst v7  }
0x11c: {  	[tilespmem:s18+$0x191E0] =	vst v7  }
0x11d: {  	[tilespmem:s18+$0x191F0] =	vst v7  }
0x11e: {  	[tilespmem:s18+$0x19580] =	vst v7  }
0x11f: {  	[tilespmem:s18+$0x19590] =	vst v7  }
0x120: {  	[tilespmem:s18+$0x195A0] =	vst v7  }
0x121: {  	[tilespmem:s18+$0x195B0] =	vst v7  }
0x122: {  	[tilespmem:s18+$0x195C0] =	vst v7  }
0x123: {  	[tilespmem:s18+$0x195D0] =	vst v7  }
0x124: {  	[tilespmem:s18+$0x195E0] =	vst v7  }
0x125: {  	[tilespmem:s18+$0x195F0] =	vst v7  }
0x126: {  	[tilespmem:s18+$0x19980] =	vst v7  }
0x127: {  	[tilespmem:s18+$0x19990] =	vst v7  }
0x128: {  	[tilespmem:s18+$0x199A0] =	vst v7  }
0x129: {  	[tilespmem:s18+$0x199B0] =	vst v7  }
0x12a: {  	[tilespmem:s18+$0x199C0] =	vst v7  }
0x12b: {  	[tilespmem:s18+$0x199D0] =	vst v7  }
0x12c: {  	[tilespmem:s18+$0x199E0] =	vst v7  }
0x12d: {  	[tilespmem:s18+$0x199F0] =	vst v7  }
0x12e: {  	[tilespmem:s18+$0x19D80] =	vst v7  }
0x12f: {  	[tilespmem:s18+$0x19D90] =	vst v7  }
0x130: {  	[tilespmem:s18+$0x19DA0] =	vst v7  }
0x131: {  	[tilespmem:s18+$0x19DB0] =	vst v7  }
0x132: {  	[tilespmem:s18+$0x19DC0] =	vst v7  }
0x133: {  	[tilespmem:s18+$0x19DD0] =	vst v7  }
0x134: {  	[tilespmem:s18+$0x19DE0] =	vst v7  }
0x135: {  	[tilespmem:s18+$0x19DF0] =	vst v7  }
0x136: {  	[tilespmem:s18+$0x1A180] =	vst v7  }
0x137: {  	[tilespmem:s18+$0x1A190] =	vst v7  }
0x138: {  	[tilespmem:s18+$0x1A1A0] =	vst v7  }
0x139: {  	[tilespmem:s18+$0x1A1B0] =	vst v7  }
0x13a: {  	[tilespmem:s18+$0x1A1C0] =	vst v7  }
0x13b: {  	[tilespmem:s18+$0x1A1D0] =	vst v7  }
0x13c: {  	[tilespmem:s18+$0x1A1E0] =	vst v7  }
0x13d: {  	[tilespmem:s18+$0x1A1F0] =	vst v7  }
0x13e: {  	[tilespmem:s18+$0x1A580] =	vst v7  }
0x13f: {  	[tilespmem:s18+$0x1A590] =	vst v7  }
0x140: {  	[tilespmem:s18+$0x1A5A0] =	vst v7  }
0x141: {  	[tilespmem:s18+$0x1A5B0] =	vst v7  }
0x142: {  	[tilespmem:s18+$0x1A5C0] =	vst v7  }
0x143: {  	[tilespmem:s18+$0x1A5D0] =	vst v7  }
0x144: {  	[tilespmem:s18+$0x1A5E0] =	vst v7  }
0x145: {  	[tilespmem:s18+$0x1A5F0] =	vst v7  }
0x146: {  	[tilespmem:s18+$0x1A980] =	vst v7  }
0x147: {  	[tilespmem:s18+$0x1A990] =	vst v7  }
.Ltmp0:
0x148: {  	[tilespmem:s18+$0x1A9A0] =	vst v7;
	(pc) =	sbr.rel @p3 .LBB2_2-.Ltmp0, $4  }
0x149: {  	[tilespmem:s18+$0x1A9B0] =	vst v7  }
0x14a: {  	[tilespmem:s18+$0x1A9C0] =	vst v7  }
0x14b: {  	[tilespmem:s18+$0x1A9D0] =	vst v7  }
0x14c: {  	[tilespmem:s18+$0x1A9E0] =	vst v7;
	s18 =	sshra.s32 s5, $0x2;
	s5 =	sadd.s32 $0x200, s5  }
0x14d: {  	[tilespmem:s18+$0x1A9F0] =	vst v7  }
0x14e: {  	[tilespmem:s18+$0x18D80] =	vst v7  }
0x14f: {  	[tilespmem:s18+$0x18D90] =	vst v7  }
0x150: {  	[tilespmem:s18+$0x18DA0] =	vst v7  }
0x151: {  	[tilespmem:s18+$0x18DB0] =	vst v7  }
0x152: {  	[tilespmem:s18+$0x18DC0] =	vst v7  }
0x153: {  	[tilespmem:s18+$0x18DD0] =	vst v7  }
0x154: {  	[tilespmem:s18+$0x18DE0] =	vst v7  }
0x155: {  	[tilespmem:s18+$0x18DF0] =	vst v7  }
0x156: {  	[tilespmem:s18+$0x19180] =	vst v7  }
0x157: {  	[tilespmem:s18+$0x19190] =	vst v7  }
0x158: {  	[tilespmem:s18+$0x191A0] =	vst v7  }
0x159: {  	[tilespmem:s18+$0x191B0] =	vst v7  }
0x15a: {  	[tilespmem:s18+$0x191C0] =	vst v7  }
0x15b: {  	[tilespmem:s18+$0x191D0] =	vst v7  }
0x15c: {  	[tilespmem:s18+$0x191E0] =	vst v7  }
0x15d: {  	[tilespmem:s18+$0x191F0] =	vst v7  }
0x15e: {  	[tilespmem:s18+$0x19580] =	vst v7  }
0x15f: {  	[tilespmem:s18+$0x19590] =	vst v7  }
0x160: {  	[tilespmem:s18+$0x195A0] =	vst v7  }
0x161: {  	[tilespmem:s18+$0x195B0] =	vst v7  }
0x162: {  	[tilespmem:s18+$0x195C0] =	vst v7  }
0x163: {  	[tilespmem:s18+$0x195D0] =	vst v7  }
0x164: {  	[tilespmem:s18+$0x195E0] =	vst v7  }
0x165: {  	[tilespmem:s18+$0x195F0] =	vst v7  }
0x166: {  	[tilespmem:s18+$0x19980] =	vst v7  }
0x167: {  	[tilespmem:s18+$0x19990] =	vst v7  }
0x168: {  	[tilespmem:s18+$0x199A0] =	vst v7  }
0x169: {  	[tilespmem:s18+$0x199B0] =	vst v7  }
0x16a: {  	[tilespmem:s18+$0x199C0] =	vst v7  }
0x16b: {  	[tilespmem:s18+$0x199D0] =	vst v7  }
0x16c: {  	[tilespmem:s18+$0x199E0] =	vst v7  }
0x16d: {  	[tilespmem:s18+$0x199F0] =	vst v7  }
0x16e: {  	[tilespmem:s18+$0x19D80] =	vst v7  }
0x16f: {  	[tilespmem:s18+$0x19D90] =	vst v7  }
0x170: {  	[tilespmem:s18+$0x19DA0] =	vst v7  }
0x171: {  	[tilespmem:s18+$0x19DB0] =	vst v7  }
0x172: {  	[tilespmem:s18+$0x19DC0] =	vst v7  }
0x173: {  	[tilespmem:s18+$0x19DD0] =	vst v7  }
0x174: {  	[tilespmem:s18+$0x19DE0] =	vst v7  }
0x175: {  	[tilespmem:s18+$0x19DF0] =	vst v7  }
0x176: {  	[tilespmem:s18+$0x1A180] =	vst v7  }
0x177: {  	[tilespmem:s18+$0x1A190] =	vst v7  }
0x178: {  	[tilespmem:s18+$0x1A1A0] =	vst v7  }
0x179: {  	[tilespmem:s18+$0x1A1B0] =	vst v7  }
0x17a: {  	[tilespmem:s18+$0x1A1C0] =	vst v7  }
0x17b: {  	[tilespmem:s18+$0x1A1D0] =	vst v7  }
0x17c: {  	[tilespmem:s18+$0x1A1E0] =	vst v7  }
0x17d: {  	[tilespmem:s18+$0x1A1F0] =	vst v7  }
0x17e: {  	[tilespmem:s18+$0x1A580] =	vst v7  }
0x17f: {  	[tilespmem:s18+$0x1A590] =	vst v7  }
0x180: {  	[tilespmem:s18+$0x1A5A0] =	vst v7  }
0x181: {  	[tilespmem:s18+$0x1A5B0] =	vst v7  }
0x182: {  	[tilespmem:s18+$0x1A5C0] =	vst v7  }
0x183: {  	[tilespmem:s18+$0x1A5D0] =	vst v7  }
0x184: {  	[tilespmem:s18+$0x1A5E0] =	vst v7  }
0x185: {  	[tilespmem:s18+$0x1A5F0] =	vst v7  }
0x186: {  	[tilespmem:s18+$0x1A980] =	vst v7  }
0x187: {  	[tilespmem:s18+$0x1A990] =	vst v7  }
0x188: {  	[tilespmem:s18+$0x1A9A0] =	vst v7  }
0x189: {  	[tilespmem:s18+$0x1A9B0] =	vst v7  }
0x18a: {  	[tilespmem:s18+$0x1A9C0] =	vst v7  }
0x18b: {  	[tilespmem:s18+$0x1A9D0] =	vst v7  }
0x18c: {  	[tilespmem:s18+$0x1A9E0] =	vst v7;
	s5 =	rddreg [dreg:$0x12];
	s1 =	simm.s32 $0x18980;
	s2 =	simm.s32 $0x8  }
0x18d: {  	[spmem:s5] =	stream.linear.scatter [tilespmem:s1], [sflag:$0x8], $0x2000, $0x38;
	[tilespmem:$0x1CA00] =	vst v63  }
0x18e: {  	_ =	swait.ge [sflag:s2], $0x2000  }
0x18f: {  	[sflag:s2] =	ssyncset.done $0x0  }
0x190: {  	[sflag:s2] =	ssyncadd.s32 $0xFFFFE000  }
0x191: {  	s1 =	stileid.u32;
	[bflag:$0x0] =	sbarrier.arrive $0xFFFF  }
0x192: {  	s5 =	sshll.u32 s1, $0x6;
	s8 =	rddreg [dreg:$0x4]  }
0x193: {  	s5 =	sor.u32 $0x1C07, s5;
	s30 =	rddreg [dreg:$0x13];
	s2 =	sshrl.u32 s8, $0x3  }
0x194: {  	[hbm:s30], [sflag:s5] =	dma.local [spmem:s2], $0x4000  }
0x195: {  	s18 =	sshrl.u32 @!p0 s8, $0x3;
	s8 =	rddreg [dreg:$0x14]  }
0x196: {  	[hbm:s8], [sflag:s5] =	dma.local @!p0 [spmem:s18], $0x4000  }
0x197: {  	v8 =	vld [tilespmem:$0x840];
	_ =	sdelay $0x4  }
0x198: {  	v9 =	vshll.u32 v8, $0x3  }
0x199: {  	v8 =	vand.u32 $0x7, v8;
	v9 =	vand.u32 $0xFFFFFFC0, v9  }
0x19a: {  	v8 =	vor.u32 v8, v9  }
0x19b: {  	v9 =	vperm.xlane v8, v4;
	_ =	sdelay $0x1  }
0x19c: {  	v9 =	vadd.s32 v5, v9;
	_ =	sdelay $0x3  }
0x19d: {  	s7 =	simm.s32 $0x10980  }
0x19e: {  	[tilespmem:s7], [sflag:$0x3] =	stream.indirect_vreg.gather [hbm4b:s0+s6], $0x80, v9, vm0, $0xb8;
	[tilespmem:$0x1CA00] =	vst v63  }
0x19f: {  	s3 =	simm.s32 $0x11180;
	v8 =	vperm.xlane v8, v6  }
0x1a0: {  	[tilespmem:s3], [sflag:$0x3] =	stream.indirect_vreg.gather [hbm4b:s26+s6], $0x80, v9, vm0, $0xb8;
	[tilespmem:$0x1CA00] =	vst v63  }
0x1a1: {  	s4 =	simm.s32 $0x11980;
	v8 =	vadd.s32 v5, v8  }
0x1a2: {  	[tilespmem:s4], [sflag:$0x3] =	stream.indirect_vreg.gather [hbm4b:s28+s6], $0x80, v9, vm0, $0xb8;
	[tilespmem:$0x1CA00] =	vst v63  }
0x1a3: {  	s5 =	simm.s32 $0x12180  }
0x1a4: {  	[tilespmem:s5], [sflag:$0x3] =	stream.indirect_vreg.gather [hbm4b:s29+s6], $0x80, v9, vm0, $0xb8;
	[tilespmem:$0x1CA00] =	vst v63  }
0x1a5: {  	s8 =	simm.s32 $0x12980  }
0x1a6: {  	[tilespmem:s8], [sflag:$0x3] =	stream.indirect_vreg.gather [hbm4b:s0+s6], $0x80, v8, vm0, $0xb8;
	[tilespmem:$0x1CA00] =	vst v63  }
0x1a7: {  	s9 =	simm.s32 $0x13180  }
0x1a8: {  	[tilespmem:s9], [sflag:$0x3] =	stream.indirect_vreg.gather [hbm4b:s26+s6], $0x80, v8, vm0, $0xb8;
	[tilespmem:$0x1CA00] =	vst v63  }
0x1a9: {  	s10 =	simm.s32 $0x13980  }
0x1aa: {  	[tilespmem:s10], [sflag:$0x3] =	stream.indirect_vreg.gather [hbm4b:s28+s6], $0x80, v8, vm0, $0xb8;
	[tilespmem:$0x1CA00] =	vst v63  }
0x1ab: {  	s11 =	simm.s32 $0x14180  }
0x1ac: {  	[tilespmem:s11], [sflag:$0x3] =	stream.indirect_vreg.gather [hbm4b:s29+s6], $0x80, v8, vm0, $0xb8;
	[tilespmem:$0x1CA00] =	vst v63  }
0x1ad: {  	v8 =	vld [tilespmem:$0x850];
	_ =	sdelay $0x4  }
0x1ae: {  	v51 =	vshll.u32 v8, $0x3  }
0x1af: {  	v8 =	vand.u32 $0x7, v8;
	v9 =	vand.u32 $0xFFFFFFC0, v51  }
0x1b0: {  	v8 =	vor.u32 v8, v9  }
0x1b1: {  	v9 =	vperm.xlane v8, v4;
	_ =	sdelay $0x1  }
0x1b2: {  	v9 =	vadd.s32 v5, v9;
	_ =	sdelay $0x3  }
0x1b3: {  	s12 =	simm.s32 $0x14980  }
0x1b4: {  	[tilespmem:s12], [sflag:$0x3] =	stream.indirect_vreg.gather [hbm4b:s0+s6], $0x80, v9, vm0, $0xb8;
	[tilespmem:$0x1CA00] =	vst v63  }
0x1b5: {  	s14 =	simm.s32 $0x15180;
	v8 =	vperm.xlane v8, v6  }
0x1b6: {  	[tilespmem:s14], [sflag:$0x3] =	stream.indirect_vreg.gather [hbm4b:s26+s6], $0x80, v9, vm0, $0xb8;
	[tilespmem:$0x1CA00] =	vst v63  }
0x1b7: {  	s18 =	simm.s32 $0x15980;
	v8 =	vadd.s32 v5, v8  }
0x1b8: {  	[tilespmem:s18], [sflag:$0x3] =	stream.indirect_vreg.gather [hbm4b:s28+s6], $0x80, v9, vm0, $0xb8;
	[tilespmem:$0x1CA00] =	vst v63  }
0x1b9: {  	s19 =	simm.s32 $0x16180  }
0x1ba: {  	[tilespmem:s19], [sflag:$0x3] =	stream.indirect_vreg.gather [hbm4b:s29+s6], $0x80, v9, vm0, $0xb8;
	[tilespmem:$0x1CA00] =	vst v63  }
0x1bb: {  	s20 =	simm.s32 $0x16980  }
0x1bc: {  	[tilespmem:s20], [sflag:$0x3] =	stream.indirect_vreg.gather [hbm4b:s0+s6], $0x80, v8, vm0, $0xb8;
	[tilespmem:$0x1CA00] =	vst v63  }
0x1bd: {  	s22 =	simm.s32 $0x17180  }
0x1be: {  	[tilespmem:s22], [sflag:$0x3] =	stream.indirect_vreg.gather [hbm4b:s26+s6], $0x80, v8, vm0, $0xb8;
	[tilespmem:$0x1CA00] =	vst v63  }
0x1bf: {  	s24 =	simm.s32 $0x17980  }
0x1c0: {  	[tilespmem:s24], [sflag:$0x3] =	stream.indirect_vreg.gather [hbm4b:s28+s6], $0x80, v8, vm0, $0xb8;
	[tilespmem:$0x1CA00] =	vst v63  }
0x1c1: {  	s25 =	simm.s32 $0x18180;
	s11 =	simm.s32 $0x1  }
0x1c2: {  	[tilespmem:s25], [sflag:$0x3] =	stream.indirect_vreg.gather [hbm4b:s29+s6], $0x80, v8, vm0, $0xb8;
	[tilespmem:$0x1CA00] =	vst v63  }
0x1c3: {  	_ =	swait.ge [sflag:s11], $0x8000  }
0x1c4: {  	s31 =	simm.s32 $0x980;
	[sflag:s11] =	ssyncset.done $0x0  }
0x1c5: {  	s9 =	simm.s32 $0x4;
	s2 =	rddreg [dreg:$0x15];
	[sflag:s11] =	ssyncadd.s32 $0xFFFF8000  }
0x1c6: {  	[hbm4b:s2+s6] =	stream.linear.scatter [tilespmem:s31], [sflag:$0x4], $0x8000, $0x38;
	[tilespmem:$0x1CA00] =	vst v63  }
0x1c7: {  	_ =	swait.ge [sflag:s9], $0x8000  }
0x1c8: {  	[sflag:s9] =	ssyncset.done $0x0  }
0x1c9: {  	[sflag:s9] =	ssyncadd.s32 $0xFFFF8000  }
0x1ca: {  	v8 =	vld [tilespmem:$0x860];
	_ =	sdelay $0x4  }
0x1cb: {  	v52 =	vshll.u32 v8, $0x3  }
0x1cc: {  	v8 =	vand.u32 $0x7, v8;
	v9 =	vand.u32 $0xFFFFFFC0, v52  }
0x1cd: {  	v8 =	vor.u32 v8, v9  }
0x1ce: {  	v9 =	vperm.xlane v8, v4;
	_ =	sdelay $0x1  }
0x1cf: {  	v9 =	vadd.s32 v5, v9;
	_ =	sdelay $0x4  }
0x1d0: {  	[tilespmem:s31], [sflag:$0x1] =	stream.indirect_vreg.gather [hbm4b:s0+s6], $0x80, v9, vm0, $0xb8;
	[tilespmem:$0x1CA00] =	vst v63  }
0x1d1: {  	s18 =	simm.s32 $0x1180;
	v8 =	vperm.xlane v8, v6  }
0x1d2: {  	[tilespmem:s18], [sflag:$0x1] =	stream.indirect_vreg.gather [hbm4b:s26+s6], $0x80, v9, vm0, $0xb8;
	[tilespmem:$0x1CA00] =	vst v63  }
0x1d3: {  	s30 =	simm.s32 $0x1980;
	v8 =	vadd.s32 v5, v8  }
0x1d4: {  	[tilespmem:s30], [sflag:$0x1] =	stream.indirect_vreg.gather [hbm4b:s28+s6], $0x80, v9, vm0, $0xb8;
	[tilespmem:$0x1CA00] =	vst v63  }
0x1d5: {  	s3 =	simm.s32 $0x2180  }
0x1d6: {  	[tilespmem:s3], [sflag:$0x1] =	stream.indirect_vreg.gather [hbm4b:s29+s6], $0x80, v9, vm0, $0xb8;
	[tilespmem:$0x1CA00] =	vst v63  }
0x1d7: {  	s4 =	simm.s32 $0x2980  }
0x1d8: {  	[tilespmem:s4], [sflag:$0x1] =	stream.indirect_vreg.gather [hbm4b:s0+s6], $0x80, v8, vm0, $0xb8;
	[tilespmem:$0x1CA00] =	vst v63  }
0x1d9: {  	s8 =	simm.s32 $0x3180  }
0x1da: {  	[tilespmem:s8], [sflag:$0x1] =	stream.indirect_vreg.gather [hbm4b:s26+s6], $0x80, v8, vm0, $0xb8;
	[tilespmem:$0x1CA00] =	vst v63  }
0x1db: {  	s2 =	simm.s32 $0x3980  }
0x1dc: {  	[tilespmem:s2], [sflag:$0x1] =	stream.indirect_vreg.gather [hbm4b:s28+s6], $0x80, v8, vm0, $0xb8;
	[tilespmem:$0x1CA00] =	vst v63  }
0x1dd: {  	s4 =	simm.s32 $0x4180  }
0x1de: {  	[tilespmem:s4], [sflag:$0x1] =	stream.indirect_vreg.gather [hbm4b:s29+s6], $0x80, v8, vm0, $0xb8;
	[tilespmem:$0x1CA00] =	vst v63  }
0x1df: {  	v8 =	vld [tilespmem:$0x870];
	_ =	sdelay $0x4  }
0x1e0: {  	v53 =	vshll.u32 v8, $0x3  }
0x1e1: {  	v8 =	vand.u32 $0x7, v8;
	v9 =	vand.u32 $0xFFFFFFC0, v53  }
0x1e2: {  	v8 =	vor.u32 v8, v9  }
0x1e3: {  	v9 =	vperm.xlane v8, v4;
	_ =	sdelay $0x1  }
0x1e4: {  	v9 =	vadd.s32 v5, v9;
	_ =	sdelay $0x3  }
0x1e5: {  	s10 =	simm.s32 $0x4980  }
0x1e6: {  	[tilespmem:s10], [sflag:$0x1] =	stream.indirect_vreg.gather [hbm4b:s0+s6], $0x80, v9, vm0, $0xb8;
	[tilespmem:$0x1CA00] =	vst v63  }
0x1e7: {  	s1 =	simm.s32 $0x5180;
	v8 =	vperm.xlane v8, v6  }
0x1e8: {  	[tilespmem:s1], [sflag:$0x1] =	stream.indirect_vreg.gather [hbm4b:s26+s6], $0x80, v9, vm0, $0xb8;
	[tilespmem:$0x1CA00] =	vst v63  }
0x1e9: {  	s22 =	simm.s32 $0x5980;
	v8 =	vadd.s32 v5, v8  }
0x1ea: {  	[tilespmem:s22], [sflag:$0x1] =	stream.indirect_vreg.gather [hbm4b:s28+s6], $0x80, v9, vm0, $0xb8;
	[tilespmem:$0x1CA00] =	vst v63  }
0x1eb: {  	s12 =	simm.s32 $0x6180  }
0x1ec: {  	[tilespmem:s12], [sflag:$0x1] =	stream.indirect_vreg.gather [hbm4b:s29+s6], $0x80, v9, vm0, $0xb8;
	[tilespmem:$0x1CA00] =	vst v63  }
0x1ed: {  	s20 =	simm.s32 $0x6980  }
0x1ee: {  	[tilespmem:s20], [sflag:$0x1] =	stream.indirect_vreg.gather [hbm4b:s0+s6], $0x80, v8, vm0, $0xb8;
	[tilespmem:$0x1CA00] =	vst v63  }
0x1ef: {  	s14 =	simm.s32 $0x7180  }
0x1f0: {  	[tilespmem:s14], [sflag:$0x1] =	stream.indirect_vreg.gather [hbm4b:s26+s6], $0x80, v8, vm0, $0xb8;
	[tilespmem:$0x1CA00] =	vst v63  }
0x1f1: {  	s3 =	simm.s32 $0x7980  }
0x1f2: {  	[tilespmem:s3], [sflag:$0x1] =	stream.indirect_vreg.gather [hbm4b:s28+s6], $0x80, v8, vm0, $0xb8;
	[tilespmem:$0x1CA00] =	vst v63  }
0x1f3: {  	s19 =	sshll.u32 s16, $0xF;
	s16 =	simm.s32 $0x2;
	s25 =	simm.s32 $0x8180  }
0x1f4: {  	[tilespmem:s25], [sflag:$0x1] =	stream.indirect_vreg.gather [hbm4b:s29+s6], $0x80, v8, vm0, $0xb8;
	[tilespmem:$0x1CA00] =	vst v63  }
0x1f5: {  	_ =	swait.ge [sflag:s16], $0x8000  }
0x1f6: {  	s8 =	rddreg [dreg:$0x17];
	[sflag:s16] =	ssyncset.done $0x0  }
0x1f7: {  	s5 =	sadd.s32 s19, s8;
	[sflag:s16] =	ssyncadd.s32 $0xFFFF8000  }
0x1f8: {  	s5 =	sshrl.u32 s5, $0x3;
	s10 =	rddreg [dreg:$0x2]  }
0x1f9: {  	s24 =	simm.s32 $0x5;
	s12 =	simm.s32 $0x8980;
	s5 =	sadd.s32 s10, s5  }
0x1fa: {  	[hbm4b:s5+s6] =	stream.linear.scatter [tilespmem:s12], [sflag:$0x5], $0x8000, $0x38;
	[tilespmem:$0x1CA00] =	vst v63  }
0x1fb: {  	_ =	swait.ge [sflag:s24], $0x8000  }
0x1fc: {  	[sflag:s24] =	ssyncset.done $0x0  }
0x1fd: {  	[sflag:s24] =	ssyncadd.s32 $0xFFFF8000  }
0x1fe: {  	v8 =	vld [tilespmem:$0x880];
	_ =	sdelay $0x4  }
0x1ff: {  	v54 =	vshll.u32 v8, $0x3  }
0x200: {  	v8 =	vand.u32 $0x7, v8;
	v9 =	vand.u32 $0xFFFFFFC0, v54  }
0x201: {  	v8 =	vor.u32 v8, v9  }
0x202: {  	v9 =	vperm.xlane v8, v4;
	_ =	sdelay $0x1  }
0x203: {  	v9 =	vadd.s32 v5, v9;
	_ =	sdelay $0x4  }
0x204: {  	[tilespmem:s12], [sflag:$0x2] =	stream.indirect_vreg.gather [hbm4b:s0+s6], $0x80, v9, vm0, $0xb8;
	[tilespmem:$0x1CA00] =	vst v63  }
0x205: {  	s19 =	simm.s32 $0x9180;
	v8 =	vperm.xlane v8, v6  }
0x206: {  	[tilespmem:s19], [sflag:$0x2] =	stream.indirect_vreg.gather [hbm4b:s26+s6], $0x80, v9, vm0, $0xb8;
	[tilespmem:$0x1CA00] =	vst v63  }
0x207: {  	s5 =	simm.s32 $0x9980;
	v8 =	vadd.s32 v5, v8  }
0x208: {  	[tilespmem:s5], [sflag:$0x2] =	stream.indirect_vreg.gather [hbm4b:s28+s6], $0x80, v9, vm0, $0xb8;
	[tilespmem:$0x1CA00] =	vst v63  }
0x209: {  	_ = 	snop  }
0x20a: {  	[tilespmem:s21], [sflag:$0x2] =	stream.indirect_vreg.gather [hbm4b:s29+s6], $0x80, v9, vm0, $0xb8;
	[tilespmem:$0x1CA00] =	vst v63  }
0x20b: {  	s21 =	simm.s32 $0xA980  }
0x20c: {  	[tilespmem:s21], [sflag:$0x2] =	stream.indirect_vreg.gather [hbm4b:s0+s6], $0x80, v8, vm0, $0xb8;
	[tilespmem:$0x1CA00] =	vst v63  }
0x20d: {  	_ = 	snop  }
0x20e: {  	[tilespmem:s13], [sflag:$0x2] =	stream.indirect_vreg.gather [hbm4b:s26+s6], $0x80, v8, vm0, $0xb8;
	[tilespmem:$0x1CA00] =	vst v63  }
0x20f: {  	s21 =	simm.s32 $0xB980  }
0x210: {  	[tilespmem:s21], [sflag:$0x2] =	stream.indirect_vreg.gather [hbm4b:s28+s6], $0x80, v8, vm0, $0xb8;
	[tilespmem:$0x1CA00] =	vst v63  }
0x211: {  	_ = 	snop  }
0x212: {  	[tilespmem:s23], [sflag:$0x2] =	stream.indirect_vreg.gather [hbm4b:s29+s6], $0x80, v8, vm0, $0xb8;
	[tilespmem:$0x1CA00] =	vst v63  }
0x213: {  	v8 =	vld [tilespmem:$0x890];
	_ =	sdelay $0x4  }
0x214: {  	v55 =	vshll.u32 v8, $0x3  }
0x215: {  	v8 =	vand.u32 $0x7, v8;
	v9 =	vand.u32 $0xFFFFFFC0, v55  }
0x216: {  	v8 =	vor.u32 v8, v9  }
0x217: {  	v9 =	vperm.xlane v8, v4;
	_ =	sdelay $0x1  }
0x218: {  	v9 =	vadd.s32 v5, v9;
	_ =	sdelay $0x3  }
0x219: {  	s13 =	simm.s32 $0xC980  }
0x21a: {  	[tilespmem:s13], [sflag:$0x2] =	stream.indirect_vreg.gather [hbm4b:s0+s6], $0x80, v9, vm0, $0xb8;
	[tilespmem:$0x1CA00] =	vst v63  }
0x21b: {  	v8 =	vperm.xlane v8, v6;
	s13 =	simm.s32 $0xD180  }
0x21c: {  	[tilespmem:s13], [sflag:$0x2] =	stream.indirect_vreg.gather [hbm4b:s26+s6], $0x80, v9, vm0, $0xb8;
	[tilespmem:$0x1CA00] =	vst v63  }
0x21d: {  	s21 =	simm.s32 $0xD980;
	v8 =	vadd.s32 v5, v8  }
0x21e: {  	[tilespmem:s21], [sflag:$0x2] =	stream.indirect_vreg.gather [hbm4b:s28+s6], $0x80, v9, vm0, $0xb8;
	[tilespmem:$0x1CA00] =	vst v63  }
0x21f: {  	s23 =	simm.s32 $0xE180  }
0x220: {  	[tilespmem:s23], [sflag:$0x2] =	stream.indirect_vreg.gather [hbm4b:s29+s6], $0x80, v9, vm0, $0xb8;
	[tilespmem:$0x1CA00] =	vst v63  }
0x221: {  	s21 =	simm.s32 $0xE980  }
0x222: {  	[tilespmem:s21], [sflag:$0x2] =	stream.indirect_vreg.gather [hbm4b:s0+s6], $0x80, v8, vm0, $0xb8;
	[tilespmem:$0x1CA00] =	vst v63  }
0x223: {  	s23 =	simm.s32 $0xF180  }
0x224: {  	[tilespmem:s23], [sflag:$0x2] =	stream.indirect_vreg.gather [hbm4b:s26+s6], $0x80, v8, vm0, $0xb8;
	[tilespmem:$0x1CA00] =	vst v63  }
0x225: {  	s21 =	simm.s32 $0xF980  }
0x226: {  	[tilespmem:s21], [sflag:$0x2] =	stream.indirect_vreg.gather [hbm4b:s28+s6], $0x80, v8, vm0, $0xb8;
	[tilespmem:$0x1CA00] =	vst v63  }
0x227: {  	s23 =	simm.s32 $0x10180  }
0x228: {  	[tilespmem:s23], [sflag:$0x2] =	stream.indirect_vreg.gather [hbm4b:s29+s6], $0x80, v8, vm0, $0xb8;
	[tilespmem:$0x1CA00] =	vst v63  }
0x229: {  	s21 =	sshll.u32 s17, $0xF;
	s23 =	simm.s32 $0x3  }
0x22a: {  	s5 =	sadd.s32 s21, s8;
	_ =	swait.ge [sflag:s23], $0x8000  }
0x22b: {  	s5 =	sshrl.u32 s5, $0x3;
	[sflag:s23] =	ssyncset.done $0x0  }
0x22c: {  	s21 =	simm.s32 $0x6;
	s5 =	sadd.s32 s10, s5;
	[sflag:s23] =	ssyncadd.s32 $0xFFFF8000  }
0x22d: {  	[hbm4b:s5+s6] =	stream.linear.scatter [tilespmem:s7], [sflag:$0x6], $0x8000, $0x38;
	[tilespmem:$0x1CA00] =	vst v63  }
0x22e: {  	_ =	swait.ge [sflag:s21], $0x8000  }
0x22f: {  	[sflag:s21] =	ssyncset.done $0x0  }
0x230: {  	[sflag:s21] =	ssyncadd.s32 $0xFFFF8000  }
0x231: {  	v8 =	vld [tilespmem:$0x8A0];
	_ =	sdelay $0x4  }
0x232: {  	v56 =	vshll.u32 v8, $0x3  }
0x233: {  	v8 =	vand.u32 $0x7, v8;
	v9 =	vand.u32 $0xFFFFFFC0, v56  }
0x234: {  	v8 =	vor.u32 v8, v9  }
0x235: {  	v9 =	vperm.xlane v8, v4;
	_ =	sdelay $0x1  }
0x236: {  	v9 =	vadd.s32 v5, v9;
	_ =	sdelay $0x4  }
0x237: {  	[tilespmem:s7], [sflag:$0x3] =	stream.indirect_vreg.gather [hbm4b:s0+s6], $0x80, v9, vm0, $0xb8;
	[tilespmem:$0x1CA00] =	vst v63  }
0x238: {  	s15 =	simm.s32 $0x11180;
	v8 =	vperm.xlane v8, v6  }
0x239: {  	[tilespmem:s15], [sflag:$0x3] =	stream.indirect_vreg.gather [hbm4b:s26+s6], $0x80, v9, vm0, $0xb8;
	[tilespmem:$0x1CA00] =	vst v63  }
0x23a: {  	s8 =	simm.s32 $0x11980;
	v8 =	vadd.s32 v5, v8  }
0x23b: {  	[tilespmem:s8], [sflag:$0x3] =	stream.indirect_vreg.gather [hbm4b:s28+s6], $0x80, v9, vm0, $0xb8;
	[tilespmem:$0x1CA00] =	vst v63  }
0x23c: {  	s15 =	simm.s32 $0x12180  }
0x23d: {  	[tilespmem:s15], [sflag:$0x3] =	stream.indirect_vreg.gather [hbm4b:s29+s6], $0x80, v9, vm0, $0xb8;
	[tilespmem:$0x1CA00] =	vst v63  }
0x23e: {  	s8 =	simm.s32 $0x12980  }
0x23f: {  	[tilespmem:s8], [sflag:$0x3] =	stream.indirect_vreg.gather [hbm4b:s0+s6], $0x80, v8, vm0, $0xb8;
	[tilespmem:$0x1CA00] =	vst v63  }
0x240: {  	s15 =	simm.s32 $0x13180  }
0x241: {  	[tilespmem:s15], [sflag:$0x3] =	stream.indirect_vreg.gather [hbm4b:s26+s6], $0x80, v8, vm0, $0xb8;
	[tilespmem:$0x1CA00] =	vst v63  }
0x242: {  	s8 =	simm.s32 $0x13980  }
0x243: {  	[tilespmem:s8], [sflag:$0x3] =	stream.indirect_vreg.gather [hbm4b:s28+s6], $0x80, v8, vm0, $0xb8;
	[tilespmem:$0x1CA00] =	vst v63  }
0x244: {  	s15 =	simm.s32 $0x14180  }
0x245: {  	[tilespmem:s15], [sflag:$0x3] =	stream.indirect_vreg.gather [hbm4b:s29+s6], $0x80, v8, vm0, $0xb8;
	[tilespmem:$0x1CA00] =	vst v63  }
0x246: {  	v8 =	vld [tilespmem:$0x8B0];
	_ =	sdelay $0x4  }
0x247: {  	v57 =	vshll.u32 v8, $0x3  }
0x248: {  	v8 =	vand.u32 $0x7, v8;
	v9 =	vand.u32 $0xFFFFFFC0, v57  }
0x249: {  	v8 =	vor.u32 v8, v9  }
0x24a: {  	v9 =	vperm.xlane v8, v4;
	_ =	sdelay $0x1  }
0x24b: {  	v9 =	vadd.s32 v5, v9;
	_ =	sdelay $0x3  }
0x24c: {  	s8 =	simm.s32 $0x14980  }
0x24d: {  	[tilespmem:s8], [sflag:$0x3] =	stream.indirect_vreg.gather [hbm4b:s0+s6], $0x80, v9, vm0, $0xb8;
	[tilespmem:$0x1CA00] =	vst v63  }
0x24e: {  	s15 =	simm.s32 $0x15180;
	v8 =	vperm.xlane v8, v6  }
0x24f: {  	[tilespmem:s15], [sflag:$0x3] =	stream.indirect_vreg.gather [hbm4b:s26+s6], $0x80, v9, vm0, $0xb8;
	[tilespmem:$0x1CA00] =	vst v63  }
0x250: {  	v8 =	vadd.s32 v5, v8;
	s8 =	simm.s32 $0x15980  }
0x251: {  	[tilespmem:s8], [sflag:$0x3] =	stream.indirect_vreg.gather [hbm4b:s28+s6], $0x80, v9, vm0, $0xb8;
	[tilespmem:$0x1CA00] =	vst v63  }
0x252: {  	s15 =	simm.s32 $0x16180  }
0x253: {  	[tilespmem:s15], [sflag:$0x3] =	stream.indirect_vreg.gather [hbm4b:s29+s6], $0x80, v9, vm0, $0xb8;
	[tilespmem:$0x1CA00] =	vst v63  }
0x254: {  	s8 =	simm.s32 $0x16980  }
0x255: {  	[tilespmem:s8], [sflag:$0x3] =	stream.indirect_vreg.gather [hbm4b:s0+s6], $0x80, v8, vm0, $0xb8;
	[tilespmem:$0x1CA00] =	vst v63  }
0x256: {  	s15 =	simm.s32 $0x17180  }
0x257: {  	[tilespmem:s15], [sflag:$0x3] =	stream.indirect_vreg.gather [hbm4b:s26+s6], $0x80, v8, vm0, $0xb8;
	[tilespmem:$0x1CA00] =	vst v63  }
0x258: {  	s8 =	simm.s32 $0x17980  }
0x259: {  	[tilespmem:s8], [sflag:$0x3] =	stream.indirect_vreg.gather [hbm4b:s28+s6], $0x80, v8, vm0, $0xb8;
	[tilespmem:$0x1CA00] =	vst v63  }
0x25a: {  	s15 =	simm.s32 $0x18180;
	s8 =	sld [smem:$0x7FD]  }
0x25b: {  	[tilespmem:s15], [sflag:$0x3] =	stream.indirect_vreg.gather [hbm4b:s29+s6], $0x80, v8, vm0, $0xb8;
	[tilespmem:$0x1CA00] =	vst v63  }
0x25c: {  	_ =	swait.ge [sflag:s11], $0x8000  }
0x25d: {  	s5 =	sshll.u32 s8, $0xF;
	s8 =	rddreg [dreg:$0x18]  }
0x25e: {  	s5 =	sadd.s32 s5, s8  }
0x25f: {  	[sflag:s11] =	ssyncset.done $0x0;
	s5 =	sshrl.u32 s5, $0x3  }
0x260: {  	[sflag:s11] =	ssyncadd.s32 $0xFFFF8000;
	s5 =	sadd.s32 s10, s5  }
0x261: {  	[hbm4b:s5+s6] =	stream.linear.scatter [tilespmem:s31], [sflag:$0x4], $0x8000, $0x38;
	[tilespmem:$0x1CA00] =	vst v63  }
0x262: {  	_ =	swait.ge [sflag:s9], $0x8000  }
0x263: {  	[sflag:s9] =	ssyncset.done $0x0  }
0x264: {  	[sflag:s9] =	ssyncadd.s32 $0xFFFF8000  }
0x265: {  	v8 =	vld [tilespmem:$0x8C0];
	_ =	sdelay $0x4  }
0x266: {  	v58 =	vshll.u32 v8, $0x3  }
0x267: {  	v8 =	vand.u32 $0x7, v8;
	v9 =	vand.u32 $0xFFFFFFC0, v58  }
0x268: {  	v8 =	vor.u32 v8, v9  }
0x269: {  	v9 =	vperm.xlane v8, v4;
	_ =	sdelay $0x1  }
0x26a: {  	v9 =	vadd.s32 v5, v9;
	_ =	sdelay $0x4  }
0x26b: {  	[tilespmem:s31], [sflag:$0x1] =	stream.indirect_vreg.gather [hbm4b:s0+s6], $0x80, v9, vm0, $0xb8;
	[tilespmem:$0x1CA00] =	vst v63  }
0x26c: {  	v8 =	vperm.xlane v8, v6  }
0x26d: {  	[tilespmem:s18], [sflag:$0x1] =	stream.indirect_vreg.gather [hbm4b:s26+s6], $0x80, v9, vm0, $0xb8;
	[tilespmem:$0x1CA00] =	vst v63  }
0x26e: {  	v8 =	vadd.s32 v5, v8  }
0x26f: {  	[tilespmem:s30], [sflag:$0x1] =	stream.indirect_vreg.gather [hbm4b:s28+s6], $0x80, v9, vm0, $0xb8;
	[tilespmem:$0x1CA00] =	vst v63  }
0x270: {  	s15 =	simm.s32 $0x2180  }
0x271: {  	[tilespmem:s15], [sflag:$0x1] =	stream.indirect_vreg.gather [hbm4b:s29+s6], $0x80, v9, vm0, $0xb8;
	[tilespmem:$0x1CA00] =	vst v63  }
0x272: {  	s14 =	simm.s32 $0x2980  }
0x273: {  	[tilespmem:s14], [sflag:$0x1] =	stream.indirect_vreg.gather [hbm4b:s0+s6], $0x80, v8, vm0, $0xb8;
	[tilespmem:$0x1CA00] =	vst v63  }
0x274: {  	s17 =	simm.s32 $0x3180  }
0x275: {  	[tilespmem:s17], [sflag:$0x1] =	stream.indirect_vreg.gather [hbm4b:s26+s6], $0x80, v8, vm0, $0xb8;
	[tilespmem:$0x1CA00] =	vst v63  }
0x276: {  	_ = 	snop  }
0x277: {  	[tilespmem:s2], [sflag:$0x1] =	stream.indirect_vreg.gather [hbm4b:s28+s6], $0x80, v8, vm0, $0xb8;
	[tilespmem:$0x1CA00] =	vst v63  }
0x278: {  	_ = 	snop  }
0x279: {  	[tilespmem:s4], [sflag:$0x1] =	stream.indirect_vreg.gather [hbm4b:s29+s6], $0x80, v8, vm0, $0xb8;
	[tilespmem:$0x1CA00] =	vst v63  }
0x27a: {  	v8 =	vld [tilespmem:$0x8D0];
	_ =	sdelay $0x4  }
0x27b: {  	v59 =	vshll.u32 v8, $0x3  }
0x27c: {  	v8 =	vand.u32 $0x7, v8;
	v9 =	vand.u32 $0xFFFFFFC0, v59  }
0x27d: {  	v8 =	vor.u32 v8, v9  }
0x27e: {  	v9 =	vperm.xlane v8, v4;
	_ =	sdelay $0x1  }
0x27f: {  	v9 =	vadd.s32 v5, v9;
	_ =	sdelay $0x3  }
0x280: {  	s31 =	simm.s32 $0x4980  }
0x281: {  	[tilespmem:s31], [sflag:$0x1] =	stream.indirect_vreg.gather [hbm4b:s0+s6], $0x80, v9, vm0, $0xb8;
	[tilespmem:$0x1CA00] =	vst v63  }
0x282: {  	v8 =	vperm.xlane v8, v6  }
0x283: {  	[tilespmem:s1], [sflag:$0x1] =	stream.indirect_vreg.gather [hbm4b:s26+s6], $0x80, v9, vm0, $0xb8;
	[tilespmem:$0x1CA00] =	vst v63  }
0x284: {  	v8 =	vadd.s32 v5, v8  }
0x285: {  	[tilespmem:s22], [sflag:$0x1] =	stream.indirect_vreg.gather [hbm4b:s28+s6], $0x80, v9, vm0, $0xb8;
	[tilespmem:$0x1CA00] =	vst v63  }
0x286: {  	s22 =	simm.s32 $0x6180  }
0x287: {  	[tilespmem:s22], [sflag:$0x1] =	stream.indirect_vreg.gather [hbm4b:s29+s6], $0x80, v9, vm0, $0xb8;
	[tilespmem:$0x1CA00] =	vst v63  }
0x288: {  	_ = 	snop  }
0x289: {  	[tilespmem:s20], [sflag:$0x1] =	stream.indirect_vreg.gather [hbm4b:s0+s6], $0x80, v8, vm0, $0xb8;
	[tilespmem:$0x1CA00] =	vst v63  }
0x28a: {  	s20 =	simm.s32 $0x7180  }
0x28b: {  	[tilespmem:s20], [sflag:$0x1] =	stream.indirect_vreg.gather [hbm4b:s26+s6], $0x80, v8, vm0, $0xb8;
	[tilespmem:$0x1CA00] =	vst v63  }
0x28c: {  	s14 =	rddreg [dreg:$0x1f]  }
0x28d: {  	[tilespmem:s3], [sflag:$0x1] =	stream.indirect_vreg.gather [hbm4b:s28+s6], $0x80, v8, vm0, $0xb8;
	[tilespmem:$0x1CA00] =	vst v63  }
0x28e: {  	s1 =	sshll.u32 s14, $0xF  }
0x28f: {  	[tilespmem:s25], [sflag:$0x1] =	stream.indirect_vreg.gather [hbm4b:s29+s6], $0x80, v8, vm0, $0xb8;
	[tilespmem:$0x1CA00] =	vst v63  }
0x290: {  	s5 =	sadd.s32 s1, s8;
	_ =	swait.ge [sflag:s16], $0x8000  }
0x291: {  	s5 =	sshrl.u32 s5, $0x3;
	[sflag:s16] =	ssyncset.done $0x0  }
0x292: {  	s5 =	sadd.s32 s10, s5;
	[sflag:s16] =	ssyncadd.s32 $0xFFFF8000  }
0x293: {  	[hbm4b:s5+s6] =	stream.linear.scatter [tilespmem:s12], [sflag:$0x5], $0x8000, $0x38;
	[tilespmem:$0x1CA00] =	vst v63  }
0x294: {  	_ =	swait.ge [sflag:s24], $0x8000  }
0x295: {  	[sflag:s24] =	ssyncset.done $0x0  }
0x296: {  	[sflag:s24] =	ssyncadd.s32 $0xFFFF8000  }
0x297: {  	v8 =	vld [tilespmem:$0x8E0];
	_ =	sdelay $0x4  }
0x298: {  	v60 =	vshll.u32 v8, $0x3  }
0x299: {  	v8 =	vand.u32 $0x7, v8;
	v9 =	vand.u32 $0xFFFFFFC0, v60  }
0x29a: {  	v8 =	vor.u32 v8, v9  }
0x29b: {  	v9 =	vperm.xlane v8, v4;
	_ =	sdelay $0x1  }
0x29c: {  	v9 =	vadd.s32 v5, v9;
	_ =	sdelay $0x4  }
0x29d: {  	[tilespmem:s12], [sflag:$0x2] =	stream.indirect_vreg.gather [hbm4b:s0+s6], $0x80, v9, vm0, $0xb8;
	[tilespmem:$0x1CA00] =	vst v63  }
0x29e: {  	v8 =	vperm.xlane v8, v6  }
0x29f: {  	[tilespmem:s19], [sflag:$0x2] =	stream.indirect_vreg.gather [hbm4b:s26+s6], $0x80, v9, vm0, $0xb8;
	[tilespmem:$0x1CA00] =	vst v63  }
0x2a0: {  	s1 =	simm.s32 $0x9980;
	v8 =	vadd.s32 v5, v8  }
0x2a1: {  	[tilespmem:s1], [sflag:$0x2] =	stream.indirect_vreg.gather [hbm4b:s28+s6], $0x80, v9, vm0, $0xb8;
	[tilespmem:$0x1CA00] =	vst v63  }
0x2a2: {  	s1 =	simm.s32 $0xA180  }
0x2a3: {  	[tilespmem:s1], [sflag:$0x2] =	stream.indirect_vreg.gather [hbm4b:s29+s6], $0x80, v9, vm0, $0xb8;
	[tilespmem:$0x1CA00] =	vst v63  }
0x2a4: {  	s2 =	simm.s32 $0xA980  }
0x2a5: {  	[tilespmem:s2], [sflag:$0x2] =	stream.indirect_vreg.gather [hbm4b:s0+s6], $0x80, v8, vm0, $0xb8;
	[tilespmem:$0x1CA00] =	vst v63  }
0x2a6: {  	s2 =	simm.s32 $0xB180  }
0x2a7: {  	[tilespmem:s2], [sflag:$0x2] =	stream.indirect_vreg.gather [hbm4b:s26+s6], $0x80, v8, vm0, $0xb8;
	[tilespmem:$0x1CA00] =	vst v63  }
0x2a8: {  	s4 =	simm.s32 $0xB980  }
0x2a9: {  	[tilespmem:s4], [sflag:$0x2] =	stream.indirect_vreg.gather [hbm4b:s28+s6], $0x80, v8, vm0, $0xb8;
	[tilespmem:$0x1CA00] =	vst v63  }
0x2aa: {  	s4 =	simm.s32 $0xC180  }
0x2ab: {  	[tilespmem:s4], [sflag:$0x2] =	stream.indirect_vreg.gather [hbm4b:s29+s6], $0x80, v8, vm0, $0xb8;
	[tilespmem:$0x1CA00] =	vst v63  }
0x2ac: {  	v8 =	vld [tilespmem:$0x8F0];
	_ =	sdelay $0x4  }
0x2ad: {  	v61 =	vshll.u32 v8, $0x3  }
0x2ae: {  	v8 =	vand.u32 $0x7, v8;
	v9 =	vand.u32 $0xFFFFFFC0, v61  }
0x2af: {  	v8 =	vor.u32 v8, v9  }
0x2b0: {  	v9 =	vperm.xlane v8, v4;
	_ =	sdelay $0x1  }
0x2b1: {  	v9 =	vadd.s32 v5, v9;
	_ =	sdelay $0x3  }
0x2b2: {  	s5 =	simm.s32 $0xC980  }
0x2b3: {  	[tilespmem:s5], [sflag:$0x2] =	stream.indirect_vreg.gather [hbm4b:s0+s6], $0x80, v9, vm0, $0xb8;
	[tilespmem:$0x1CA00] =	vst v63  }
0x2b4: {  	v8 =	vperm.xlane v8, v6  }
0x2b5: {  	[tilespmem:s13], [sflag:$0x2] =	stream.indirect_vreg.gather [hbm4b:s26+s6], $0x80, v9, vm0, $0xb8;
	[tilespmem:$0x1CA00] =	vst v63  }
0x2b6: {  	s12 =	simm.s32 $0xD980;
	v8 =	vadd.s32 v5, v8  }
0x2b7: {  	[tilespmem:s12], [sflag:$0x2] =	stream.indirect_vreg.gather [hbm4b:s28+s6], $0x80, v9, vm0, $0xb8;
	[tilespmem:$0x1CA00] =	vst v63  }
0x2b8: {  	s19 =	simm.s32 $0xE180  }
0x2b9: {  	[tilespmem:s19], [sflag:$0x2] =	stream.indirect_vreg.gather [hbm4b:s29+s6], $0x80, v9, vm0, $0xb8;
	[tilespmem:$0x1CA00] =	vst v63  }
0x2ba: {  	s13 =	simm.s32 $0xE980  }
0x2bb: {  	[tilespmem:s13], [sflag:$0x2] =	stream.indirect_vreg.gather [hbm4b:s0+s6], $0x80, v8, vm0, $0xb8;
	[tilespmem:$0x1CA00] =	vst v63  }
0x2bc: {  	s12 =	simm.s32 $0xF180  }
0x2bd: {  	[tilespmem:s12], [sflag:$0x2] =	stream.indirect_vreg.gather [hbm4b:s26+s6], $0x80, v8, vm0, $0xb8;
	[tilespmem:$0x1CA00] =	vst v63  }
0x2be: {  	s19 =	simm.s32 $0xF980  }
0x2bf: {  	[tilespmem:s19], [sflag:$0x2] =	stream.indirect_vreg.gather [hbm4b:s28+s6], $0x80, v8, vm0, $0xb8;
	[tilespmem:$0x1CA00] =	vst v63  }
0x2c0: {  	s19 =	rddreg [dreg:$0x1e]  }
0x2c1: {  	s5 =	simm.s32 $0x10180;
	s1 =	sshll.u32 s19, $0xF  }
0x2c2: {  	[tilespmem:s5], [sflag:$0x2] =	stream.indirect_vreg.gather [hbm4b:s29+s6], $0x80, v8, vm0, $0xb8;
	[tilespmem:$0x1CA00] =	vst v63  }
0x2c3: {  	s5 =	sadd.s32 s1, s8;
	_ =	swait.ge [sflag:s23], $0x8000  }
0x2c4: {  	s5 =	sshrl.u32 s5, $0x3;
	[sflag:s23] =	ssyncset.done $0x0  }
0x2c5: {  	s5 =	sadd.s32 s10, s5;
	[sflag:s23] =	ssyncadd.s32 $0xFFFF8000  }
0x2c6: {  	[hbm4b:s5+s6] =	stream.linear.scatter [tilespmem:s7], [sflag:$0x6], $0x8000, $0x38;
	[tilespmem:$0x1CA00] =	vst v63  }
0x2c7: {  	_ =	swait.ge [sflag:s21], $0x8000  }
0x2c8: {  	[sflag:s21] =	ssyncset.done $0x0  }
0x2c9: {  	[sflag:s21] =	ssyncadd.s32 $0xFFFF8000  }
0x2ca: {  	v8 =	vld [tilespmem:$0x900];
	_ =	sdelay $0x4  }
0x2cb: {  	v62 =	vshll.u32 v8, $0x3  }
0x2cc: {  	v8 =	vand.u32 $0x7, v8;
	v9 =	vand.u32 $0xFFFFFFC0, v62  }
0x2cd: {  	v8 =	vor.u32 v8, v9  }
0x2ce: {  	v9 =	vperm.xlane v8, v4;
	_ =	sdelay $0x1  }
0x2cf: {  	v9 =	vadd.s32 v5, v9;
	_ =	sdelay $0x4  }
0x2d0: {  	[tilespmem:s7], [sflag:$0x3] =	stream.indirect_vreg.gather [hbm4b:s0+s6], $0x80, v9, vm0, $0xb8;
	[tilespmem:$0x1CA00] =	vst v63  }
0x2d1: {  	s2 =	simm.s32 $0x11180;
	v8 =	vperm.xlane v8, v6  }
0x2d2: {  	[tilespmem:s2], [sflag:$0x3] =	stream.indirect_vreg.gather [hbm4b:s26+s6], $0x80, v9, vm0, $0xb8;
	[tilespmem:$0x1CA00] =	vst v63  }
0x2d3: {  	s4 =	simm.s32 $0x11980;
	v8 =	vadd.s32 v5, v8  }
0x2d4: {  	[tilespmem:s4], [sflag:$0x3] =	stream.indirect_vreg.gather [hbm4b:s28+s6], $0x80, v9, vm0, $0xb8;
	[tilespmem:$0x1CA00] =	vst v63  }
0x2d5: {  	s5 =	simm.s32 $0x12180  }
0x2d6: {  	[tilespmem:s5], [sflag:$0x3] =	stream.indirect_vreg.gather [hbm4b:s29+s6], $0x80, v9, vm0, $0xb8;
	[tilespmem:$0x1CA00] =	vst v63  }
0x2d7: {  	s8 =	simm.s32 $0x12980  }
0x2d8: {  	[tilespmem:s8], [sflag:$0x3] =	stream.indirect_vreg.gather [hbm4b:s0+s6], $0x80, v8, vm0, $0xb8;
	[tilespmem:$0x1CA00] =	vst v63  }
0x2d9: {  	s12 =	simm.s32 $0x13180  }
0x2da: {  	[tilespmem:s12], [sflag:$0x3] =	stream.indirect_vreg.gather [hbm4b:s26+s6], $0x80, v8, vm0, $0xb8;
	[tilespmem:$0x1CA00] =	vst v63  }
0x2db: {  	s19 =	simm.s32 $0x13980  }
0x2dc: {  	[tilespmem:s19], [sflag:$0x3] =	stream.indirect_vreg.gather [hbm4b:s28+s6], $0x80, v8, vm0, $0xb8;
	[tilespmem:$0x1CA00] =	vst v63  }
0x2dd: {  	s2 =	simm.s32 $0x14180  }
0x2de: {  	[tilespmem:s2], [sflag:$0x3] =	stream.indirect_vreg.gather [hbm4b:s29+s6], $0x80, v8, vm0, $0xb8;
	[tilespmem:$0x1CA00] =	vst v63  }
0x2df: {  	v8 =	vld [tilespmem:$0x910];
	_ =	sdelay $0x4  }
0x2e0: {  	v63 =	vshll.u32 v8, $0x3  }
0x2e1: {  	v8 =	vand.u32 $0x7, v8;
	v9 =	vand.u32 $0xFFFFFFC0, v63  }
0x2e2: {  	v8 =	vor.u32 v8, v9  }
0x2e3: {  	v9 =	vperm.xlane v8, v4;
	_ =	sdelay $0x1  }
0x2e4: {  	v9 =	vadd.s32 v5, v9;
	_ =	sdelay $0x3  }
0x2e5: {  	s4 =	simm.s32 $0x14980  }
0x2e6: {  	[tilespmem:s4], [sflag:$0x3] =	stream.indirect_vreg.gather [hbm4b:s0+s6], $0x80, v9, vm0, $0xb8;
	[tilespmem:$0x1CA00] =	vst v63  }
0x2e7: {  	s5 =	simm.s32 $0x15180;
	v8 =	vperm.xlane v8, v6  }
0x2e8: {  	[tilespmem:s5], [sflag:$0x3] =	stream.indirect_vreg.gather [hbm4b:s26+s6], $0x80, v9, vm0, $0xb8;
	[tilespmem:$0x1CA00] =	vst v63  }
0x2e9: {  	s8 =	simm.s32 $0x15980;
	v8 =	vadd.s32 v5, v8  }
0x2ea: {  	[tilespmem:s8], [sflag:$0x3] =	stream.indirect_vreg.gather [hbm4b:s28+s6], $0x80, v9, vm0, $0xb8;
	[tilespmem:$0x1CA00] =	vst v63  }
0x2eb: {  	s12 =	simm.s32 $0x16180  }
0x2ec: {  	[tilespmem:s12], [sflag:$0x3] =	stream.indirect_vreg.gather [hbm4b:s29+s6], $0x80, v9, vm0, $0xb8;
	[tilespmem:$0x1CA00] =	vst v63  }
0x2ed: {  	s19 =	simm.s32 $0x16980  }
0x2ee: {  	[tilespmem:s19], [sflag:$0x3] =	stream.indirect_vreg.gather [hbm4b:s0+s6], $0x80, v8, vm0, $0xb8;
	[tilespmem:$0x1CA00] =	vst v63  }
0x2ef: {  	s2 =	simm.s32 $0x17180  }
0x2f0: {  	[tilespmem:s2], [sflag:$0x3] =	stream.indirect_vreg.gather [hbm4b:s26+s6], $0x80, v8, vm0, $0xb8;
	[tilespmem:$0x1CA00] =	vst v63  }
0x2f1: {  	s4 =	simm.s32 $0x17980  }
0x2f2: {  	[tilespmem:s4], [sflag:$0x3] =	stream.indirect_vreg.gather [hbm4b:s28+s6], $0x80, v8, vm0, $0xb8;
	[tilespmem:$0x1CA00] =	vst v63  }
0x2f3: {  	s5 =	simm.s32 $0x18180  }
0x2f4: {  	[tilespmem:s5], [sflag:$0x3] =	stream.indirect_vreg.gather [hbm4b:s29+s6], $0x80, v8, vm0, $0xb8;
	[tilespmem:$0x1CA00] =	vst v63  }
0x2f5: {  	s8 =	rddreg [dreg:$0x1b];
	_ =	swait.ge [sflag:s11], $0x8000  }
0x2f6: {  	s12 =	sshll.u32 s8, $0xF;
	s1 =	rddreg [dreg:$0x19]  }
0x2f7: {  	s13 =	simm.s32 $0x980;
	s5 =	sadd.s32 s12, s1  }
0x2f8: {  	[sflag:s11] =	ssyncset.done $0x0;
	s8 =	rddreg [dreg:$0x1c];
	s5 =	sshrl.u32 s5, $0x3  }
0x2f9: {  	[sflag:s11] =	ssyncadd.s32 $0xFFFF8000;
	s11 =	sshll.u32 s8, $0xF;
	s5 =	sadd.s32 s10, s5  }
0x2fa: {  	[hbm4b:s5+s6] =	stream.linear.scatter [tilespmem:s13], [sflag:$0x4], $0x8000, $0x38;
	[tilespmem:$0x1CA00] =	vst v63  }
0x2fb: {  	s5 =	sadd.s32 s11, s1;
	_ =	swait.ge [sflag:s16], $0x8000  }
0x2fc: {  	s19 =	simm.s32 $0x8980;
	s5 =	sshrl.u32 s5, $0x3;
	[sflag:s16] =	ssyncset.done $0x0  }
0x2fd: {  	s5 =	sadd.s32 s10, s5;
	s12 =	rddreg [dreg:$0x1d];
	[sflag:s16] =	ssyncadd.s32 $0xFFFF8000  }
0x2fe: {  	[hbm4b:s5+s6] =	stream.linear.scatter [tilespmem:s19], [sflag:$0x5], $0x8000, $0x38;
	[tilespmem:$0x1CA00] =	vst v63  }
0x2ff: {  	s19 =	sshll.u32 s12, $0xF  }
0x300: {  	_ =	swait.ge [sflag:s23], $0x8000;
	s5 =	sadd.s32 s19, s1  }
0x301: {  	[sflag:s23] =	ssyncset.done $0x0;
	s5 =	sshrl.u32 s5, $0x3  }
0x302: {  	[sflag:s23] =	ssyncadd.s32 $0xFFFF8000;
	s5 =	sadd.s32 s10, s5  }
0x303: {  	[hbm4b:s5+s6] =	stream.linear.scatter [tilespmem:s7], [sflag:$0x6], $0x8000, $0x38;
	[tilespmem:$0x1CA00] =	vst v63  }
0x304: {  	_ =	swait.ge [sflag:s9], $0x8000  }
0x305: {  	[sflag:s9] =	ssyncset.done $0x0  }
0x306: {  	[sflag:s9] =	ssyncadd.s32 $0xFFFF8000  }
0x307: {  	_ =	swait.ge [sflag:s24], $0x8000  }
0x308: {  	[sflag:s24] =	ssyncset.done $0x0  }
0x309: {  	[sflag:s24] =	ssyncadd.s32 $0xFFFF8000  }
0x30a: {  	_ =	swait.ge [sflag:s21], $0x8000  }
0x30b: {  	[sflag:s21] =	ssyncset.done $0x0  }
0x30c: {  	[sflag:s21] =	ssyncadd.s32 $0xFFFF8000;
	s21 =	simm.s32 $0x7  }
0x30d: {  	_ =	swait.ge [sflag:s21], $0x4000  }
0x30e: {  	[sflag:s21] =	ssyncset.done $0x0  }
0x30f: {  	s5 =	simm.s32 @!p0 $0x7;
	[sflag:s21] =	ssyncadd.s32 $0xFFFFC000  }
0x310: {  	_ =	swait.ge @!p0 [sflag:s5], $0x4000  }
0x311: {  	s23 =	rddreg [dreg:$0x1a]  }
0x312: {  	s24 =	rddreg [dreg:$0x16];
	s9 =	sadd.s32 $0x1, s23  }
0x313: {  	p3 =	sne.s32 s9, s24  }
.Ltmp1:
0x314: {  	_ = 	snop;
	(pc) =	sbr.rel @p3 .LBB2_1-.Ltmp1, $4  }
0x315: {  	s14 =	simm.s32 $0x6980  }
0x316: {  	s2 =	simm.s32 $0x3980;
	s4 =	simm.s32 $0x4180;
	s8 =	simm.s32 $0x8  }
0x317: {  	s16 =	simm.s32 $0x2980;
	s12 =	simm.s32 $0x5180;
	[sflag:s5] =	ssyncset.done @!p0 $0x0  }
0x318: {  	s1 =	simm.s32 $0x5980;
	s7 =	simm.s32 $0xD180;
	[sflag:s5] =	ssyncadd.s32 @!p0 $0xFFFFC000  }
0x319: {  	_ =	sfence.sel $0x180000  }
0x31a: {  	[bflag:$0x0] =	sbarrier.arrive $0xFFFF  }
0x31b: {  	_ =	strace $0x90000047  }
0x31c: {  	[bflag:$0x2] =	sbarrier.arrive $0xFFFF  }
0x31d: {  	s0 =	rddreg [dreg:$0x5]  }
0x31e: {  	s0 =	sadd.s32 @!p1 $0x100000, s0  }
0x31f: {  	[sflag:s0] =	ssyncadd.tile.s32 @!p1 $0x1;
	_ =	shalt  }
.Lfunc_end2:
_tile_overlayer_lowered:
.L_overlay_start_2:
0x320: {  	(tag) =	ssettag $0x2  }
0x321: {  	s0 =	rddreg [dreg:$0x0];
	s2 =	stileid.u32  }
0x322: {  	s1 =	rddreg [dreg:$0x1];
	p0 =	sne.s32 s2, $0x0  }
0x323: {  	s3 =	rddreg [dreg:$0x2];
	[bflag:$0x3] =	sbarrier.arrive $0xFFFF;
	s2 =	simm.s32 @!p0 $0x1C08  }
0x324: {  	[timem:s3], [sflag:s2] =	dma.local @!p0 [hbm:s0], s1  }
0x325: {  	s0 =	simm.s32 @!p0 $0x8  }
0x326: {  	_ =	swait.ge @!p0 [sflag:s0], s1  }
0x327: {  	s1 =	ssub.s32 @!p0 $0x0, s1;
	[sflag:s0] =	ssyncset.done @!p0 $0x0  }
0x328: {  	[sflag:s0] =	ssyncadd.s32 @!p0 s1  }
0x329: {  	[bflag:$0x3] =	sbarrier.arrive $0xFFFF  }
0x32a: {  	_ =	shalt  }

</sc_bundles>
